<compile_context>
chip_gen: v7x
topology: tpu7x:2x2x1
jax: 0.10.2.dev20260603
libtpu: 0.0.44.dev20260713+nightly
codegen_flags: <defaults>
</compile_context>

<pallas_src>
import functools

import jax
import jax.numpy as jnp
from jax import lax
from jax.experimental import pallas as pl
from jax.experimental.pallas import tpu as pltpu
from jax.experimental.pallas import tpu_sc as plsc

_BINS = 8
_MIN_W = 0.001
_MIN_H = 0.001
_MIN_D = 0.001
_N = 1_000_000
_T = 800
_G = _T // 16
_NW = 32
_NT = _N // _T
_RT = 20000
_LN2 = 0.6931471805599453


def _vlog(x):
    b = lax.bitcast_convert_type(x, jnp.int32)
    e = (lax.shift_right_logical(b, 23) & 0xFF) - 127
    m = lax.bitcast_convert_type((b & 0x007FFFFF) | 0x3F800000, jnp.float32)
    big = m > 1.4142135623730951
    m = jnp.where(big, m * 0.5, m)
    e = jnp.where(big, e + 1, e)
    s = (m - 1.0) / (m + 1.0)
    s2 = s * s
    p = 2.0 * s * (1.0 + s2 * (0.33333333333 + s2 * (0.2 + s2 * 0.14285714285)))
    return e.astype(jnp.float32) * _LN2 + p


def _softplus(x):
    return jnp.maximum(x, 0.0) + _vlog(1.0 + jnp.exp(-jnp.abs(x)))


def _spline_group(cols, yv, tb):
    uw = cols[0:8]
    uh = cols[8:16]
    ud = cols[16:25]

    ew = [jnp.exp(v) for v in uw]
    E = [ew[0]]
    for j in range(1, 8):
        E.append(E[-1] + ew[j])
    eh = [jnp.exp(v) for v in uh]
    F = [eh[0]]
    for j in range(1, 8):
        F.append(F[-1] + eh[j])
    aw = (2.0 * (1.0 - _MIN_W * _BINS)) * tb / E[7]
    ah = (2.0 * (1.0 - _MIN_H * _BINS)) * tb / F[7]
    neg_tb = -tb
    cw = [neg_tb] + [aw * E[k - 1] + (2.0 * _MIN_W * k - 1.0) * tb
                     for k in range(1, 8)] + [tb]
    ch = [neg_tb] + [ah * F[k - 1] + (2.0 * _MIN_H * k - 1.0) * tb
                     for k in range(1, 8)] + [tb]

    y_in = jnp.clip(yv, neg_tb, tb)
    ms = [y_in >= cw[k] for k in range(1, 8)]

    def chain(vals):
        a = vals[0]
        for k in range(1, 8):
            a = jnp.where(ms[k - 1], vals[k], a)
        return a

    cw_lo = chain(cw[0:8])
    cw_hi = chain(cw[1:9])
    ch_lo = chain(ch[0:8])
    ch_hi = chain(ch[1:9])
    ud_lo = chain(ud[0:8])
    ud_hi = chain(ud[1:9])

    w_bin = cw_hi - cw_lo
    h_bin = ch_hi - ch_lo
    delta = h_bin / w_bin
    d_lo = _MIN_D + _softplus(ud_lo)
    d_hi = _MIN_D + _softplus(ud_hi)
    t = (y_in - cw_lo) / w_bin
    omt = 1.0 - t
    t1mt = t * omt
    t2 = t * t
    num = h_bin * (delta * t2 + d_lo * t1mt)
    den = delta + (d_lo + d_hi - 2.0 * delta) * t1mt
    out_in = ch_lo + num / den
    dnum = (delta * delta) * (d_hi * t2 + 2.0 * delta * t1mt + d_lo * omt * omt)
    ld_in = _vlog(dnum / (den * den))

    inside = (yv >= neg_tb) & (yv <= tb)
    tu = jnp.where(inside, out_in, yv)
    ld = jnp.where(inside, ld_in, 0.0)
    return tu, ld


def _tb_body(th_ref, out_ref):
    s = jnp.sum(jnp.abs(th_ref[:, 25:26]))
    out_ref[...] = jnp.full((1, 1, 128), s, jnp.float32)


@functools.lru_cache(maxsize=1)
def _build_sc_spline():
    mesh = plsc.VectorSubcoreMesh(core_axis_name="c", subcore_axis_name="s")
    return pl.kernel(
        _sc_spline_body,
        out_type=[jax.ShapeDtypeStruct((_N,), jnp.float32),
                  jax.ShapeDtypeStruct((_N,), jnp.float32)],
        mesh=mesh,
        scratch_types=[pltpu.VMEM((_T, 26), jnp.float32),
                       pltpu.VMEM((_T,), jnp.float32),
                       pltpu.VMEM((_T,), jnp.float32),
                       pltpu.VMEM((_T,), jnp.float32),
                       pltpu.VMEM((_N // _RT, 1, 128), jnp.float32)],
        compiler_params=pltpu.CompilerParams(needs_layout_passes=False),
    )


def _sc_spline_body(theta_hbm, y_hbm, tb_hbm, tu_hbm, ld_hbm,
                    th_v, y_v, tu_v, ld_v, tb_v2):
    wid = lax.axis_index("s") * 2 + lax.axis_index("c")
    pltpu.sync_copy(tb_hbm, tb_v2)

    def _tb_sum(j, acc):
        return acc + tb_v2[j, 0, pl.ds(0, 16)]

    tb = lax.fori_loop(0, _N // _RT, _tb_sum,
                       jnp.zeros((16,), jnp.float32)) * (1.0 / _N)
    my_tiles = jnp.where(wid < _NT % _NW, _NT // _NW + 1, _NT // _NW)

    def tile_body(i, carry):
        t = wid + i * _NW
        base = t * _T
        pltpu.sync_copy(theta_hbm.at[pl.ds(base, _T)], th_v)
        pltpu.sync_copy(y_hbm.at[pl.ds(base, _T)], y_v)

        @plsc.parallel_loop(0, _G, 1, unroll=2)
        def group_body(g):
            r0 = g * 16
            ridx = r0 + lax.iota(jnp.int32, 16)
            cols = [plsc.load_gather(th_v, [ridx, jnp.full((16,), k, jnp.int32)])
                    for k in range(25)]
            yv = y_v[pl.ds(r0, 16)]
            tu, ldv = _spline_group(cols, yv, tb)
            tu_v[pl.ds(r0, 16)] = tu
            ld_v[pl.ds(r0, 16)] = ldv
        pltpu.sync_copy(tu_v, tu_hbm.at[pl.ds(base, _T)])
        pltpu.sync_copy(ld_v, ld_hbm.at[pl.ds(base, _T)])
        return carry

    lax.fori_loop(0, my_tiles, tile_body, 0)


def kernel(theta, y):
    tbp = pl.pallas_call(
        _tb_body,
        grid=(_N // _RT,),
        in_specs=[pl.BlockSpec((_RT, 26), lambda i: (i, 0))],
        out_specs=pl.BlockSpec((1, 1, 128), lambda i: (i, 0, 0)),
        out_shape=jax.ShapeDtypeStruct((_N // _RT, 1, 128), jnp.float32),
    )(theta)
    tu, ld = _build_sc_spline()(theta, y.reshape(-1), tbp)
    return tu.reshape(-1, 1), ld

# --- scband reference (transcript-rebuilt; emitter-appended) ---
"""Pipeline reference for scband-rqslayer-79697413144883 (READ-ONLY COPY).

The authoritative reference and input builder live on the scoring server;
editing this copy changes nothing except your own understanding.
"""

import jax, jax.numpy as jnp
import numpy as np

BINS = 8
MIN_W = 0.001
MIN_H = 0.001
MIN_D = 0.001
N = 1000000


def setup_inputs(seed: int = 0) -> dict:
    key = jax.random.key(seed)
    k1, k2 = jax.random.split(key)
    theta = jax.random.normal(k1, (N, 3 * BINS + 2), dtype=jnp.float32)
    y = jax.random.normal(k2, (N,), dtype=jnp.float32)
    return {"theta": theta, "y": y}


def _rqs(inputs, uw, uh, ud, left, right, bottom, top):
    num_bins = uw.shape[-1]
    widths = jax.nn.softmax(uw, axis=-1)
    widths = MIN_W + (1.0 - MIN_W * num_bins) * widths
    cumwidths = jnp.cumsum(widths, axis=-1)
    cumwidths = jnp.concatenate([jnp.zeros_like(cumwidths[..., :1]), cumwidths], axis=-1)
    cumwidths = (right - left) * cumwidths + left
    cumwidths = cumwidths.at[..., 0].set(left)
    cumwidths = cumwidths.at[..., -1].set(right)
    widths = cumwidths[..., 1:] - cumwidths[..., :-1]

    derivatives = MIN_D + jax.nn.softplus(ud)

    heights = jax.nn.softmax(uh, axis=-1)
    heights = MIN_H + (1.0 - MIN_H * num_bins) * heights
    cumheights = jnp.cumsum(heights, axis=-1)
    cumheights = jnp.concatenate([jnp.zeros_like(cumheights[..., :1]), cumheights], axis=-1)
    cumheights = (top - bottom) * cumheights + bottom
    cumheights = cumheights.at[..., 0].set(bottom)
    cumheights = cumheights.at[..., -1].set(top)
    heights = cumheights[..., 1:] - cumheights[..., :-1]

    # searchsorted-style bin location (gather-heavy)
    bin_idx = jnp.clip(jnp.sum(inputs[..., None] >= cumwidths, axis=-1) - 1, 0, num_bins - 1)

    def take(a):
        return jnp.take_along_axis(a, bin_idx[..., None], axis=-1)[..., 0]

    input_cumwidths = take(cumwidths)
    input_bin_widths = take(widths)
    input_cumheights = take(cumheights)
    delta = heights / widths
    input_delta = take(delta)
    input_derivatives = take(derivatives)
    input_derivatives_p1 = take(derivatives[..., 1:])
    input_heights = take(heights)

    t = (inputs - input_cumwidths) / input_bin_widths
    t1mt = t * (1.0 - t)
    numerator = input_heights * (input_delta * t ** 2 + input_derivatives * t1mt)
    denominator = input_delta + (input_derivatives + input_derivatives_p1 - 2.0 * input_delta) * t1mt
    outputs = input_cumheights + numerator / denominator
    deriv_num = input_delta ** 2 * (
        input_derivatives_p1 * t ** 2 + 2.0 * input_delta * t1mt + input_derivatives * (1.0 - t) ** 2
    )
    logabsdet = jnp.log(deriv_num) - 2.0 * jnp.log(denominator)
    return outputs, logabsdet


def reference(theta, y):
    yv = y.reshape(-1)
    uw = theta[:, :BINS]
    uh = theta[:, BINS:2 * BINS]
    ud = theta[:, 2 * BINS:3 * BINS + 1]
    tail_bound = jnp.mean(jnp.abs(theta[:, -1]))

    inside = (yv >= -tail_bound) & (yv <= tail_bound)
    y_in = jnp.clip(yv, -tail_bound, tail_bound)
    out_in, ld_in = _rqs(y_in, uw, uh, ud, -tail_bound, tail_bound, -tail_bound, tail_bound)
    Tu = jnp.where(inside, out_in, yv)
    ld = jnp.where(inside, ld_in, 0.0)
    return (Tu.reshape(-1, 1), ld)

if __name__ == "__main__":
    import jax
    _d = setup_inputs()
    print(jax.jit(kernel)(*tuple(_d.values())))

</pallas_src>

<mosaic_0001>
#map = affine_map<(d0, d1) -> (0, 0)>
#map1 = affine_map<(d0, d1) -> (0)>
#map2 = affine_map<(d0, d1) -> (0, 0, 0)>
module attributes {stable_mosaic.version = 14 : i64} {
  func.func @_sc_spline_body(%arg0: i32, %arg1: i32, %arg2: memref<1000000x26xf32, #tpu.memory_space<hbm>>, %arg3: memref<1000000xf32, #tpu.memory_space<hbm>>, %arg4: memref<50x1x128xf32, #tpu.memory_space<hbm>>, %arg5: memref<1000000xf32, #tpu.memory_space<hbm>>, %arg6: memref<1000000xf32, #tpu.memory_space<hbm>>, %arg7: memref<800x26xf32, #tpu.memory_space<vmem>>, %arg8: memref<800xf32, #tpu.memory_space<vmem>>, %arg9: memref<800xf32, #tpu.memory_space<vmem>>, %arg10: memref<800xf32, #tpu.memory_space<vmem>>, %arg11: memref<50x1x128xf32, #tpu.memory_space<vmem>>) attributes {dimension_semantics = [#tpu.dimension_semantics<core_parallel>, #tpu.dimension_semantics<subcore_parallel>], iteration_bounds = array<i64: 2, 16>, scalar_prefetch = 0 : i64, scratch_operands = 5 : i64, tpu.core_type = #tpu.core_type<sc_vector_subcore>, window_params = [{transform_indices = #map}, {transform_indices = #map1}, {transform_indices = #map2}, {transform_indices = #map1}, {transform_indices = #map1}]} {
    %mul3A = arith.constant 2 : i32
    %mul3A_0 = arith.muli %arg1, %mul3A : i32
    %add3A = arith.addi %mul3A_0, %arg0 : i32
    "tpu.region"() ({
      %run_scoped3A = tpu.sem_alloc : memref<!tpu.dma_semaphore, #tpu.memory_space<semaphore_mem>>
      tpu.enqueue_dma source(%arg4 : memref<50x1x128xf32, #tpu.memory_space<hbm>>) target(%arg11 : memref<50x1x128xf32, #tpu.memory_space<vmem>>) target_semaphore(%run_scoped3A : memref<!tpu.dma_semaphore, #tpu.memory_space<semaphore_mem>>)
      tpu.wait_dma2 semaphore(%run_scoped3A : memref<!tpu.dma_semaphore, #tpu.memory_space<semaphore_mem>>) src(%arg4 : memref<50x1x128xf32, #tpu.memory_space<hbm>>) dst(%arg11 : memref<50x1x128xf32, #tpu.memory_space<vmem>>)
      tpu.yield
    }) : () -> ()
    %broadcast_in_dim3A = arith.constant 0.000000e+00 : f32
    %broadcast_in_dim3A_1 = vector.broadcast %broadcast_in_dim3A : f32 to vector<16xf32>
    %scan3A = arith.constant 0 : i32
    %scan3A_2 = arith.constant 50 : i32
    %scan3A_3 = arith.addi %scan3A, %scan3A_2 : i32
    %scan3A_4 = arith.constant 1 : i32
    %scan3A_5 = scf.for %scan3A_21 = %scan3A to %scan3A_3 step %scan3A_4 iter_args(%scan3A_22 = %broadcast_in_dim3A_1) -> (vector<16xf32>)  : i32 {
      %get3A = arith.constant 0 : i32
      %get3A_23 = arith.index_cast %scan3A_21 : i32 to index
      %get3A_24 = arith.index_cast %get3A : i32 to index
      %get3A_25 = arith.constant 0 : index
      %get3A_26 = tpu.vector_load %arg11[%get3A_23, %get3A_24, %get3A_25] {strides = array<i32>} : memref<50x1x128xf32, #tpu.memory_space<vmem>>, vector<16xf32>,
      %add3A_27 = arith.addf %scan3A_22, %get3A_26 : vector<16xf32>
      scf.yield %add3A_27 : vector<16xf32>
    }
    %scan3A_6 = arith.constant 50 : i32
    %mul3A_7 = arith.constant 9.99999997E-7 : f32
    %mul3A_8 = vector.broadcast %mul3A_7 : f32 to vector<16xf32>
    %mul3A_9 = arith.mulf %scan3A_5, %mul3A_8 : vector<16xf32>
    %lt3A = arith.constant 2 : i32
    %lt3A_10 = arith.cmpi slt, %add3A, %lt3A : i32
    %jit3A = arith.constant 40 : i32
    %jit3A_11 = arith.constant 39 : i32
    %select_n3A = arith.select %lt3A_10, %jit3A, %jit3A_11 : i32
    %while3A = arith.constant 0 : i32
    %while3A_12 = arith.constant 0 : i32
    %while3A_13 = arith.subi %select_n3A, %while3A_12 : i32
    %while3A_14 = arith.addi %while3A_12, %while3A_13 : i32
    %while3A_15 = arith.constant 1 : i32
    %while3A_16 = arith.divsi %while3A_13, %while3A_15 : i32
    %while3A_17 = arith.muli %while3A_16, %while3A_15 : i32
    %while3A_18 = arith.addi %while3A_12, %while3A_17 : i32
    %while3A_19 = arith.constant 1 : i32
    scf.for %while3A_21 = %while3A_12 to %while3A_18 step %while3A_19  : i32 {
      %mul3A_22 = arith.constant 32 : i32
      %mul3A_23 = arith.muli %while3A_21, %mul3A_22 : i32
      %add3A_24 = arith.addi %add3A, %mul3A_23 : i32
      %mul3A_25 = arith.constant 800 : i32
      %mul3A_26 = arith.muli %add3A_24, %mul3A_25 : i32
      "tpu.region"() ({
        %run_scoped3A = tpu.sem_alloc : memref<!tpu.dma_semaphore, #tpu.memory_space<semaphore_mem>>
        %dma_start3A = arith.constant 0 : i32
        %dma_start3A_29 = tpu.memref_slice %arg2[%mul3A_26, %dma_start3A] : memref<1000000x26xf32, #tpu.memory_space<hbm>> -> memref<800x26xf32, #tpu.memory_space<hbm>>
        %dma_start3A_30 = arith.constant 0 : i32
        %dma_start3A_31 = tpu.memref_slice %arg2[%mul3A_26, %dma_start3A_30] : memref<1000000x26xf32, #tpu.memory_space<hbm>> -> memref<800x26xf32, #tpu.memory_space<hbm>>
        tpu.enqueue_dma source(%dma_start3A_31 : memref<800x26xf32, #tpu.memory_space<hbm>>) target(%arg7 : memref<800x26xf32, #tpu.memory_space<vmem>>) target_semaphore(%run_scoped3A : memref<!tpu.dma_semaphore, #tpu.memory_space<semaphore_mem>>)
        %dma_wait3A = arith.constant 0 : i32
        %dma_wait3A_32 = tpu.memref_slice %arg2[%mul3A_26, %dma_wait3A] : memref<1000000x26xf32, #tpu.memory_space<hbm>> -> memref<800x26xf32, #tpu.memory_space<hbm>>
        %dma_wait3A_33 = arith.constant 0 : i32
        %dma_wait3A_34 = tpu.memref_slice %arg2[%mul3A_26, %dma_wait3A_33] : memref<1000000x26xf32, #tpu.memory_space<hbm>> -> memref<800x26xf32, #tpu.memory_space<hbm>>
        tpu.wait_dma2 semaphore(%run_scoped3A : memref<!tpu.dma_semaphore, #tpu.memory_space<semaphore_mem>>) src(%dma_wait3A_34 : memref<800x26xf32, #tpu.memory_space<hbm>>) dst(%arg7 : memref<800x26xf32, #tpu.memory_space<vmem>>)
        tpu.yield
      }) : () -> ()
      "tpu.region"() ({
        %run_scoped3A = tpu.sem_alloc : memref<!tpu.dma_semaphore, #tpu.memory_space<semaphore_mem>>
        %dma_start3A = tpu.memref_slice %arg3[%mul3A_26] : memref<1000000xf32, #tpu.memory_space<hbm>> -> memref<800xf32, #tpu.memory_space<hbm>>
        %dma_start3A_29 = tpu.memref_slice %arg3[%mul3A_26] : memref<1000000xf32, #tpu.memory_space<hbm>> -> memref<800xf32, #tpu.memory_space<hbm>>
        tpu.enqueue_dma source(%dma_start3A_29 : memref<800xf32, #tpu.memory_space<hbm>>) target(%arg8 : memref<800xf32, #tpu.memory_space<vmem>>) target_semaphore(%run_scoped3A : memref<!tpu.dma_semaphore, #tpu.memory_space<semaphore_mem>>)
        %dma_wait3A = tpu.memref_slice %arg3[%mul3A_26] : memref<1000000xf32, #tpu.memory_space<hbm>> -> memref<800xf32, #tpu.memory_space<hbm>>
        %dma_wait3A_30 = tpu.memref_slice %arg3[%mul3A_26] : memref<1000000xf32, #tpu.memory_space<hbm>> -> memref<800xf32, #tpu.memory_space<hbm>>
        tpu.wait_dma2 semaphore(%run_scoped3A : memref<!tpu.dma_semaphore, #tpu.memory_space<semaphore_mem>>) src(%dma_wait3A_30 : memref<800xf32, #tpu.memory_space<hbm>>) dst(%arg8 : memref<800xf32, #tpu.memory_space<vmem>>)
        tpu.yield
      }) : () -> ()
      %parallel_loop3A = arith.constant 0 : i32
      %parallel_loop3A_27 = arith.constant 50 : i32
      %parallel_loop3A_28 = arith.constant 1 : i32
      scf.for %parallel_loop3A_29 = %parallel_loop3A to %parallel_loop3A_27 step %parallel_loop3A_28  : i32 {
        %parallel_loop3A_30 = arith.constant 16 : i32
        %parallel_loop3A_31 = arith.muli %parallel_loop3A_29, %parallel_loop3A_30 : i32
        %parallel_loop3A_32 = tpu.iota {dimensions = array<i32: 0>} : vector<16xi32>
        %parallel_loop3A_33 = vector.broadcast %parallel_loop3A_31 : i32 to vector<16xi32>
        %parallel_loop3A_34 = arith.addi %parallel_loop3A_33, %parallel_loop3A_32 : vector<16xi32>
        %parallel_loop3A_35 = arith.constant 0 : i32
        %parallel_loop3A_36 = vector.broadcast %parallel_loop3A_35 : i32 to vector<16xi32>
        %parallel_loop3A_37 = tpu.vector_load_idx %arg7[%parallel_loop3A_34, %parallel_loop3A_36] : memref<800x26xf32, #tpu.memory_space<vmem>>[vector<16xi32>, vector<16xi32>], vector<16xf32>,
        %parallel_loop3A_38 = arith.constant 1 : i32
        %parallel_loop3A_39 = vector.broadcast %parallel_loop3A_38 : i32 to vector<16xi32>
        %parallel_loop3A_40 = tpu.vector_load_idx %arg7[%parallel_loop3A_34, %parallel_loop3A_39] : memref<800x26xf32, #tpu.memory_space<vmem>>[vector<16xi32>, vector<16xi32>], vector<16xf32>,
        %parallel_loop3A_41 = arith.constant 2 : i32
        %parallel_loop3A_42 = vector.broadcast %parallel_loop3A_41 : i32 to vector<16xi32>
        %parallel_loop3A_43 = tpu.vector_load_idx %arg7[%parallel_loop3A_34, %parallel_loop3A_42] : memref<800x26xf32, #tpu.memory_space<vmem>>[vector<16xi32>, vector<16xi32>], vector<16xf32>,
        %parallel_loop3A_44 = arith.constant 3 : i32
        %parallel_loop3A_45 = vector.broadcast %parallel_loop3A_44 : i32 to vector<16xi32>
        %parallel_loop3A_46 = tpu.vector_load_idx %arg7[%parallel_loop3A_34, %parallel_loop3A_45] : memref<800x26xf32, #tpu.memory_space<vmem>>[vector<16xi32>, vector<16xi32>], vector<16xf32>,
        %parallel_loop3A_47 = arith.constant 4 : i32
        %parallel_loop3A_48 = vector.broadcast %parallel_loop3A_47 : i32 to vector<16xi32>
        %parallel_loop3A_49 = tpu.vector_load_idx %arg7[%parallel_loop3A_34, %parallel_loop3A_48] : memref<800x26xf32, #tpu.memory_space<vmem>>[vector<16xi32>, vector<16xi32>], vector<16xf32>,
        %parallel_loop3A_50 = arith.constant 5 : i32
        %parallel_loop3A_51 = vector.broadcast %parallel_loop3A_50 : i32 to vector<16xi32>
        %parallel_loop3A_52 = tpu.vector_load_idx %arg7[%parallel_loop3A_34, %parallel_loop3A_51] : memref<800x26xf32, #tpu.memory_space<vmem>>[vector<16xi32>, vector<16xi32>], vector<16xf32>,
        %parallel_loop3A_53 = arith.constant 6 : i32
        %parallel_loop3A_54 = vector.broadcast %parallel_loop3A_53 : i32 to vector<16xi32>
        %parallel_loop3A_55 = tpu.vector_load_idx %arg7[%parallel_loop3A_34, %parallel_loop3A_54] : memref<800x26xf32, #tpu.memory_space<vmem>>[vector<16xi32>, vector<16xi32>], vector<16xf32>,
        %parallel_loop3A_56 = arith.constant 7 : i32
        %parallel_loop3A_57 = vector.broadcast %parallel_loop3A_56 : i32 to vector<16xi32>
        %parallel_loop3A_58 = tpu.vector_load_idx %arg7[%parallel_loop3A_34, %parallel_loop3A_57] : memref<800x26xf32, #tpu.memory_space<vmem>>[vector<16xi32>, vector<16xi32>], vector<16xf32>,
        %parallel_loop3A_59 = arith.constant 8 : i32
        %parallel_loop3A_60 = vector.broadcast %parallel_loop3A_59 : i32 to vector<16xi32>
        %parallel_loop3A_61 = tpu.vector_load_idx %arg7[%parallel_loop3A_34, %parallel_loop3A_60] : memref<800x26xf32, #tpu.memory_space<vmem>>[vector<16xi32>, vector<16xi32>], vector<16xf32>,
        %parallel_loop3A_62 = arith.constant 9 : i32
        %parallel_loop3A_63 = vector.broadcast %parallel_loop3A_62 : i32 to vector<16xi32>
        %parallel_loop3A_64 = tpu.vector_load_idx %arg7[%parallel_loop3A_34, %parallel_loop3A_63] : memref<800x26xf32, #tpu.memory_space<vmem>>[vector<16xi32>, vector<16xi32>], vector<16xf32>,
        %parallel_loop3A_65 = arith.constant 10 : i32
        %parallel_loop3A_66 = vector.broadcast %parallel_loop3A_65 : i32 to vector<16xi32>
        %parallel_loop3A_67 = tpu.vector_load_idx %arg7[%parallel_loop3A_34, %parallel_loop3A_66] : memref<800x26xf32, #tpu.memory_space<vmem>>[vector<16xi32>, vector<16xi32>], vector<16xf32>,
        %parallel_loop3A_68 = arith.constant 11 : i32
        %parallel_loop3A_69 = vector.broadcast %parallel_loop3A_68 : i32 to vector<16xi32>
        %parallel_loop3A_70 = tpu.vector_load_idx %arg7[%parallel_loop3A_34, %parallel_loop3A_69] : memref<800x26xf32, #tpu.memory_space<vmem>>[vector<16xi32>, vector<16xi32>], vector<16xf32>,
        %parallel_loop3A_71 = arith.constant 12 : i32
        %parallel_loop3A_72 = vector.broadcast %parallel_loop3A_71 : i32 to vector<16xi32>
        %parallel_loop3A_73 = tpu.vector_load_idx %arg7[%parallel_loop3A_34, %parallel_loop3A_72] : memref<800x26xf32, #tpu.memory_space<vmem>>[vector<16xi32>, vector<16xi32>], vector<16xf32>,
        %parallel_loop3A_74 = arith.constant 13 : i32
        %parallel_loop3A_75 = vector.broadcast %parallel_loop3A_74 : i32 to vector<16xi32>
        %parallel_loop3A_76 = tpu.vector_load_idx %arg7[%parallel_loop3A_34, %parallel_loop3A_75] : memref<800x26xf32, #tpu.memory_space<vmem>>[vector<16xi32>, vector<16xi32>], vector<16xf32>,
        %parallel_loop3A_77 = arith.constant 14 : i32
        %parallel_loop3A_78 = vector.broadcast %parallel_loop3A_77 : i32 to vector<16xi32>
        %parallel_loop3A_79 = tpu.vector_load_idx %arg7[%parallel_loop3A_34, %parallel_loop3A_78] : memref<800x26xf32, #tpu.memory_space<vmem>>[vector<16xi32>, vector<16xi32>], vector<16xf32>,
        %parallel_loop3A_80 = arith.constant 15 : i32
        %parallel_loop3A_81 = vector.broadcast %parallel_loop3A_80 : i32 to vector<16xi32>
        %parallel_loop3A_82 = tpu.vector_load_idx %arg7[%parallel_loop3A_34, %parallel_loop3A_81] : memref<800x26xf32, #tpu.memory_space<vmem>>[vector<16xi32>, vector<16xi32>], vector<16xf32>,
        %parallel_loop3A_83 = arith.constant 16 : i32
        %parallel_loop3A_84 = vector.broadcast %parallel_loop3A_83 : i32 to vector<16xi32>
        %parallel_loop3A_85 = tpu.vector_load_idx %arg7[%parallel_loop3A_34, %parallel_loop3A_84] : memref<800x26xf32, #tpu.memory_space<vmem>>[vector<16xi32>, vector<16xi32>], vector<16xf32>,
        %parallel_loop3A_86 = arith.constant 17 : i32
        %parallel_loop3A_87 = vector.broadcast %parallel_loop3A_86 : i32 to vector<16xi32>
        %parallel_loop3A_88 = tpu.vector_load_idx %arg7[%parallel_loop3A_34, %parallel_loop3A_87] : memref<800x26xf32, #tpu.memory_space<vmem>>[vector<16xi32>, vector<16xi32>], vector<16xf32>,
        %parallel_loop3A_89 = arith.constant 18 : i32
        %parallel_loop3A_90 = vector.broadcast %parallel_loop3A_89 : i32 to vector<16xi32>
        %parallel_loop3A_91 = tpu.vector_load_idx %arg7[%parallel_loop3A_34, %parallel_loop3A_90] : memref<800x26xf32, #tpu.memory_space<vmem>>[vector<16xi32>, vector<16xi32>], vector<16xf32>,
        %parallel_loop3A_92 = arith.constant 19 : i32
        %parallel_loop3A_93 = vector.broadcast %parallel_loop3A_92 : i32 to vector<16xi32>
        %parallel_loop3A_94 = tpu.vector_load_idx %arg7[%parallel_loop3A_34, %parallel_loop3A_93] : memref<800x26xf32, #tpu.memory_space<vmem>>[vector<16xi32>, vector<16xi32>], vector<16xf32>,
        %parallel_loop3A_95 = arith.constant 20 : i32
        %parallel_loop3A_96 = vector.broadcast %parallel_loop3A_95 : i32 to vector<16xi32>
        %parallel_loop3A_97 = tpu.vector_load_idx %arg7[%parallel_loop3A_34, %parallel_loop3A_96] : memref<800x26xf32, #tpu.memory_space<vmem>>[vector<16xi32>, vector<16xi32>], vector<16xf32>,
        %parallel_loop3A_98 = arith.constant 21 : i32
        %parallel_loop3A_99 = vector.broadcast %parallel_loop3A_98 : i32 to vector<16xi32>
        %parallel_loop3A_100 = tpu.vector_load_idx %arg7[%parallel_loop3A_34, %parallel_loop3A_99] : memref<800x26xf32, #tpu.memory_space<vmem>>[vector<16xi32>, vector<16xi32>], vector<16xf32>,
        %parallel_loop3A_101 = arith.constant 22 : i32
        %parallel_loop3A_102 = vector.broadcast %parallel_loop3A_101 : i32 to vector<16xi32>
        %parallel_loop3A_103 = tpu.vector_load_idx %arg7[%parallel_loop3A_34, %parallel_loop3A_102] : memref<800x26xf32, #tpu.memory_space<vmem>>[vector<16xi32>, vector<16xi32>], vector<16xf32>,
        %parallel_loop3A_104 = arith.constant 23 : i32
        %parallel_loop3A_105 = vector.broadcast %parallel_loop3A_104 : i32 to vector<16xi32>
        %parallel_loop3A_106 = tpu.vector_load_idx %arg7[%parallel_loop3A_34, %parallel_loop3A_105] : memref<800x26xf32, #tpu.memory_space<vmem>>[vector<16xi32>, vector<16xi32>], vector<16xf32>,
        %parallel_loop3A_107 = arith.constant 24 : i32
        %parallel_loop3A_108 = vector.broadcast %parallel_loop3A_107 : i32 to vector<16xi32>
        %parallel_loop3A_109 = tpu.vector_load_idx %arg7[%parallel_loop3A_34, %parallel_loop3A_108] : memref<800x26xf32, #tpu.memory_space<vmem>>[vector<16xi32>, vector<16xi32>], vector<16xf32>,
        %parallel_loop3A_110 = arith.index_cast %parallel_loop3A_31 : i32 to index
        %parallel_loop3A_111 = tpu.vector_load %arg8[%parallel_loop3A_110] {strides = array<i32>} : memref<800xf32, #tpu.memory_space<vmem>>, vector<16xf32>,
        %parallel_loop3A_112 = math.exp %parallel_loop3A_37 : vector<16xf32>
        %parallel_loop3A_113 = math.exp %parallel_loop3A_40 : vector<16xf32>
        %parallel_loop3A_114 = math.exp %parallel_loop3A_43 : vector<16xf32>
        %parallel_loop3A_115 = math.exp %parallel_loop3A_46 : vector<16xf32>
        %parallel_loop3A_116 = math.exp %parallel_loop3A_49 : vector<16xf32>
        %parallel_loop3A_117 = math.exp %parallel_loop3A_52 : vector<16xf32>
        %parallel_loop3A_118 = math.exp %parallel_loop3A_55 : vector<16xf32>
        %parallel_loop3A_119 = math.exp %parallel_loop3A_58 : vector<16xf32>
        %parallel_loop3A_120 = arith.addf %parallel_loop3A_112, %parallel_loop3A_113 : vector<16xf32>
        %parallel_loop3A_121 = arith.addf %parallel_loop3A_120, %parallel_loop3A_114 : vector<16xf32>
        %parallel_loop3A_122 = arith.addf %parallel_loop3A_121, %parallel_loop3A_115 : vector<16xf32>
        %parallel_loop3A_123 = arith.addf %parallel_loop3A_122, %parallel_loop3A_116 : vector<16xf32>
        %parallel_loop3A_124 = arith.addf %parallel_loop3A_123, %parallel_loop3A_117 : vector<16xf32>
        %parallel_loop3A_125 = arith.addf %parallel_loop3A_124, %parallel_loop3A_118 : vector<16xf32>
        %parallel_loop3A_126 = arith.addf %parallel_loop3A_125, %parallel_loop3A_119 : vector<16xf32>
        %parallel_loop3A_127 = math.exp %parallel_loop3A_61 : vector<16xf32>
        %parallel_loop3A_128 = math.exp %parallel_loop3A_64 : vector<16xf32>
        %parallel_loop3A_129 = math.exp %parallel_loop3A_67 : vector<16xf32>
        %parallel_loop3A_130 = math.exp %parallel_loop3A_70 : vector<16xf32>
        %parallel_loop3A_131 = math.exp %parallel_loop3A_73 : vector<16xf32>
        %parallel_loop3A_132 = math.exp %parallel_loop3A_76 : vector<16xf32>
        %parallel_loop3A_133 = math.exp %parallel_loop3A_79 : vector<16xf32>
        %parallel_loop3A_134 = math.exp %parallel_loop3A_82 : vector<16xf32>
        %parallel_loop3A_135 = arith.addf %parallel_loop3A_127, %parallel_loop3A_128 : vector<16xf32>
        %parallel_loop3A_136 = arith.addf %parallel_loop3A_135, %parallel_loop3A_129 : vector<16xf32>
        %parallel_loop3A_137 = arith.addf %parallel_loop3A_136, %parallel_loop3A_130 : vector<16xf32>
        %parallel_loop3A_138 = arith.addf %parallel_loop3A_137, %parallel_loop3A_131 : vector<16xf32>
        %parallel_loop3A_139 = arith.addf %parallel_loop3A_138, %parallel_loop3A_132 : vector<16xf32>
        %parallel_loop3A_140 = arith.addf %parallel_loop3A_139, %parallel_loop3A_133 : vector<16xf32>
        %parallel_loop3A_141 = arith.addf %parallel_loop3A_140, %parallel_loop3A_134 : vector<16xf32>
        %parallel_loop3A_142 = arith.constant 1.984000e+00 : f32
        %parallel_loop3A_143 = vector.broadcast %parallel_loop3A_142 : f32 to vector<16xf32>
        %parallel_loop3A_144 = arith.mulf %parallel_loop3A_143, %mul3A_9 : vector<16xf32>
        %parallel_loop3A_145 = arith.divf %parallel_loop3A_144, %parallel_loop3A_126 : vector<16xf32>
        %parallel_loop3A_146 = arith.constant 1.984000e+00 : f32
        %parallel_loop3A_147 = vector.broadcast %parallel_loop3A_146 : f32 to vector<16xf32>
        %parallel_loop3A_148 = arith.mulf %parallel_loop3A_147, %mul3A_9 : vector<16xf32>
        %parallel_loop3A_149 = arith.divf %parallel_loop3A_148, %parallel_loop3A_141 : vector<16xf32>
        %parallel_loop3A_150 = arith.constant 0.000000e+00 : f32
        %parallel_loop3A_151 = vector.broadcast %parallel_loop3A_150 : f32 to vector<16xf32>
        %parallel_loop3A_152 = arith.subf %parallel_loop3A_151, %mul3A_9 : vector<16xf32>
        %parallel_loop3A_153 = arith.mulf %parallel_loop3A_145, %parallel_loop3A_112 : vector<16xf32>
        %parallel_loop3A_154 = arith.constant -9.980000e-01 : f32
        %parallel_loop3A_155 = vector.broadcast %parallel_loop3A_154 : f32 to vector<16xf32>
        %parallel_loop3A_156 = arith.mulf %parallel_loop3A_155, %mul3A_9 : vector<16xf32>
        %parallel_loop3A_157 = arith.addf %parallel_loop3A_153, %parallel_loop3A_156 : vector<16xf32>
        %parallel_loop3A_158 = arith.mulf %parallel_loop3A_145, %parallel_loop3A_120 : vector<16xf32>
        %parallel_loop3A_159 = arith.constant -0.995999991 : f32
        %parallel_loop3A_160 = vector.broadcast %parallel_loop3A_159 : f32 to vector<16xf32>
        %parallel_loop3A_161 = arith.mulf %parallel_loop3A_160, %mul3A_9 : vector<16xf32>
        %parallel_loop3A_162 = arith.addf %parallel_loop3A_158, %parallel_loop3A_161 : vector<16xf32>
        %parallel_loop3A_163 = arith.mulf %parallel_loop3A_145, %parallel_loop3A_121 : vector<16xf32>
        %parallel_loop3A_164 = arith.constant -9.940000e-01 : f32
        %parallel_loop3A_165 = vector.broadcast %parallel_loop3A_164 : f32 to vector<16xf32>
        %parallel_loop3A_166 = arith.mulf %parallel_loop3A_165, %mul3A_9 : vector<16xf32>
        %parallel_loop3A_167 = arith.addf %parallel_loop3A_163, %parallel_loop3A_166 : vector<16xf32>
        %parallel_loop3A_168 = arith.mulf %parallel_loop3A_145, %parallel_loop3A_122 : vector<16xf32>
        %parallel_loop3A_169 = arith.constant -0.991999983 : f32
        %parallel_loop3A_170 = vector.broadcast %parallel_loop3A_169 : f32 to vector<16xf32>
        %parallel_loop3A_171 = arith.mulf %parallel_loop3A_170, %mul3A_9 : vector<16xf32>
        %parallel_loop3A_172 = arith.addf %parallel_loop3A_168, %parallel_loop3A_171 : vector<16xf32>
        %parallel_loop3A_173 = arith.mulf %parallel_loop3A_145, %parallel_loop3A_123 : vector<16xf32>
        %parallel_loop3A_174 = arith.constant -9.900000e-01 : f32
        %parallel_loop3A_175 = vector.broadcast %parallel_loop3A_174 : f32 to vector<16xf32>
        %parallel_loop3A_176 = arith.mulf %parallel_loop3A_175, %mul3A_9 : vector<16xf32>
        %parallel_loop3A_177 = arith.addf %parallel_loop3A_173, %parallel_loop3A_176 : vector<16xf32>
        %parallel_loop3A_178 = arith.mulf %parallel_loop3A_145, %parallel_loop3A_124 : vector<16xf32>
        %parallel_loop3A_179 = arith.constant -0.987999975 : f32
        %parallel_loop3A_180 = vector.broadcast %parallel_loop3A_179 : f32 to vector<16xf32>
        %parallel_loop3A_181 = arith.mulf %parallel_loop3A_180, %mul3A_9 : vector<16xf32>
        %parallel_loop3A_182 = arith.addf %parallel_loop3A_178, %parallel_loop3A_181 : vector<16xf32>
        %parallel_loop3A_183 = arith.mulf %parallel_loop3A_145, %parallel_loop3A_125 : vector<16xf32>
        %parallel_loop3A_184 = arith.constant -9.860000e-01 : f32
        %parallel_loop3A_185 = vector.broadcast %parallel_loop3A_184 : f32 to vector<16xf32>
        %parallel_loop3A_186 = arith.mulf %parallel_loop3A_185, %mul3A_9 : vector<16xf32>
        %parallel_loop3A_187 = arith.addf %parallel_loop3A_183, %parallel_loop3A_186 : vector<16xf32>
        %parallel_loop3A_188 = arith.mulf %parallel_loop3A_149, %parallel_loop3A_127 : vector<16xf32>
        %parallel_loop3A_189 = arith.constant -9.980000e-01 : f32
        %parallel_loop3A_190 = vector.broadcast %parallel_loop3A_189 : f32 to vector<16xf32>
        %parallel_loop3A_191 = arith.mulf %parallel_loop3A_190, %mul3A_9 : vector<16xf32>
        %parallel_loop3A_192 = arith.addf %parallel_loop3A_188, %parallel_loop3A_191 : vector<16xf32>
        %parallel_loop3A_193 = arith.mulf %parallel_loop3A_149, %parallel_loop3A_135 : vector<16xf32>
        %parallel_loop3A_194 = arith.constant -0.995999991 : f32
        %parallel_loop3A_195 = vector.broadcast %parallel_loop3A_194 : f32 to vector<16xf32>
        %parallel_loop3A_196 = arith.mulf %parallel_loop3A_195, %mul3A_9 : vector<16xf32>
        %parallel_loop3A_197 = arith.addf %parallel_loop3A_193, %parallel_loop3A_196 : vector<16xf32>
        %parallel_loop3A_198 = arith.mulf %parallel_loop3A_149, %parallel_loop3A_136 : vector<16xf32>
        %parallel_loop3A_199 = arith.constant -9.940000e-01 : f32
        %parallel_loop3A_200 = vector.broadcast %parallel_loop3A_199 : f32 to vector<16xf32>
        %parallel_loop3A_201 = arith.mulf %parallel_loop3A_200, %mul3A_9 : vector<16xf32>
        %parallel_loop3A_202 = arith.addf %parallel_loop3A_198, %parallel_loop3A_201 : vector<16xf32>
        %parallel_loop3A_203 = arith.mulf %parallel_loop3A_149, %parallel_loop3A_137 : vector<16xf32>
        %parallel_loop3A_204 = arith.constant -0.991999983 : f32
        %parallel_loop3A_205 = vector.broadcast %parallel_loop3A_204 : f32 to vector<16xf32>
        %parallel_loop3A_206 = arith.mulf %parallel_loop3A_205, %mul3A_9 : vector<16xf32>
        %parallel_loop3A_207 = arith.addf %parallel_loop3A_203, %parallel_loop3A_206 : vector<16xf32>
        %parallel_loop3A_208 = arith.mulf %parallel_loop3A_149, %parallel_loop3A_138 : vector<16xf32>
        %parallel_loop3A_209 = arith.constant -9.900000e-01 : f32
        %parallel_loop3A_210 = vector.broadcast %parallel_loop3A_209 : f32 to vector<16xf32>
        %parallel_loop3A_211 = arith.mulf %parallel_loop3A_210, %mul3A_9 : vector<16xf32>
        %parallel_loop3A_212 = arith.addf %parallel_loop3A_208, %parallel_loop3A_211 : vector<16xf32>
        %parallel_loop3A_213 = arith.mulf %parallel_loop3A_149, %parallel_loop3A_139 : vector<16xf32>
        %parallel_loop3A_214 = arith.constant -0.987999975 : f32
        %parallel_loop3A_215 = vector.broadcast %parallel_loop3A_214 : f32 to vector<16xf32>
        %parallel_loop3A_216 = arith.mulf %parallel_loop3A_215, %mul3A_9 : vector<16xf32>
        %parallel_loop3A_217 = arith.addf %parallel_loop3A_213, %parallel_loop3A_216 : vector<16xf32>
        %parallel_loop3A_218 = arith.mulf %parallel_loop3A_149, %parallel_loop3A_140 : vector<16xf32>
        %parallel_loop3A_219 = arith.constant -9.860000e-01 : f32
        %parallel_loop3A_220 = vector.broadcast %parallel_loop3A_219 : f32 to vector<16xf32>
        %parallel_loop3A_221 = arith.mulf %parallel_loop3A_220, %mul3A_9 : vector<16xf32>
        %parallel_loop3A_222 = arith.addf %parallel_loop3A_218, %parallel_loop3A_221 : vector<16xf32>
        %parallel_loop3A_223 = arith.maximumf %parallel_loop3A_152, %parallel_loop3A_111 : vector<16xf32>
        %parallel_loop3A_224 = arith.minimumf %mul3A_9, %parallel_loop3A_223 : vector<16xf32>
        %parallel_loop3A_225 = arith.cmpf oge, %parallel_loop3A_224, %parallel_loop3A_157 : vector<16xf32>
        %parallel_loop3A_226 = arith.cmpf oge, %parallel_loop3A_224, %parallel_loop3A_162 : vector<16xf32>
        %parallel_loop3A_227 = arith.cmpf oge, %parallel_loop3A_224, %parallel_loop3A_167 : vector<16xf32>
        %parallel_loop3A_228 = arith.cmpf oge, %parallel_loop3A_224, %parallel_loop3A_172 : vector<16xf32>
        %parallel_loop3A_229 = arith.cmpf oge, %parallel_loop3A_224, %parallel_loop3A_177 : vector<16xf32>
        %parallel_loop3A_230 = arith.cmpf oge, %parallel_loop3A_224, %parallel_loop3A_182 : vector<16xf32>
        %parallel_loop3A_231 = arith.cmpf oge, %parallel_loop3A_224, %parallel_loop3A_187 : vector<16xf32>
        %parallel_loop3A_232 = arith.select %parallel_loop3A_225, %parallel_loop3A_157, %parallel_loop3A_152 : vector<16xi1>, vector<16xf32>
        %parallel_loop3A_233 = arith.select %parallel_loop3A_226, %parallel_loop3A_162, %parallel_loop3A_232 : vector<16xi1>, vector<16xf32>
        %parallel_loop3A_234 = arith.select %parallel_loop3A_227, %parallel_loop3A_167, %parallel_loop3A_233 : vector<16xi1>, vector<16xf32>
        %parallel_loop3A_235 = arith.select %parallel_loop3A_228, %parallel_loop3A_172, %parallel_loop3A_234 : vector<16xi1>, vector<16xf32>
        %parallel_loop3A_236 = arith.select %parallel_loop3A_229, %parallel_loop3A_177, %parallel_loop3A_235 : vector<16xi1>, vector<16xf32>
        %parallel_loop3A_237 = arith.select %parallel_loop3A_230, %parallel_loop3A_182, %parallel_loop3A_236 : vector<16xi1>, vector<16xf32>
        %parallel_loop3A_238 = arith.select %parallel_loop3A_231, %parallel_loop3A_187, %parallel_loop3A_237 : vector<16xi1>, vector<16xf32>
        %parallel_loop3A_239 = arith.select %parallel_loop3A_225, %parallel_loop3A_162, %parallel_loop3A_157 : vector<16xi1>, vector<16xf32>
        %parallel_loop3A_240 = arith.select %parallel_loop3A_226, %parallel_loop3A_167, %parallel_loop3A_239 : vector<16xi1>, vector<16xf32>
        %parallel_loop3A_241 = arith.select %parallel_loop3A_227, %parallel_loop3A_172, %parallel_loop3A_240 : vector<16xi1>, vector<16xf32>
        %parallel_loop3A_242 = arith.select %parallel_loop3A_228, %parallel_loop3A_177, %parallel_loop3A_241 : vector<16xi1>, vector<16xf32>
        %parallel_loop3A_243 = arith.select %parallel_loop3A_229, %parallel_loop3A_182, %parallel_loop3A_242 : vector<16xi1>, vector<16xf32>
        %parallel_loop3A_244 = arith.select %parallel_loop3A_230, %parallel_loop3A_187, %parallel_loop3A_243 : vector<16xi1>, vector<16xf32>
        %parallel_loop3A_245 = arith.select %parallel_loop3A_231, %mul3A_9, %parallel_loop3A_244 : vector<16xi1>, vector<16xf32>
        %parallel_loop3A_246 = arith.select %parallel_loop3A_225, %parallel_loop3A_192, %parallel_loop3A_152 : vector<16xi1>, vector<16xf32>
        %parallel_loop3A_247 = arith.select %parallel_loop3A_226, %parallel_loop3A_197, %parallel_loop3A_246 : vector<16xi1>, vector<16xf32>
        %parallel_loop3A_248 = arith.select %parallel_loop3A_227, %parallel_loop3A_202, %parallel_loop3A_247 : vector<16xi1>, vector<16xf32>
        %parallel_loop3A_249 = arith.select %parallel_loop3A_228, %parallel_loop3A_207, %parallel_loop3A_248 : vector<16xi1>, vector<16xf32>
        %parallel_loop3A_250 = arith.select %parallel_loop3A_229, %parallel_loop3A_212, %parallel_loop3A_249 : vector<16xi1>, vector<16xf32>
        %parallel_loop3A_251 = arith.select %parallel_loop3A_230, %parallel_loop3A_217, %parallel_loop3A_250 : vector<16xi1>, vector<16xf32>
        %parallel_loop3A_252 = arith.select %parallel_loop3A_231, %parallel_loop3A_222, %parallel_loop3A_251 : vector<16xi1>, vector<16xf32>
        %parallel_loop3A_253 = arith.select %parallel_loop3A_225, %parallel_loop3A_197, %parallel_loop3A_192 : vector<16xi1>, vector<16xf32>
        %parallel_loop3A_254 = arith.select %parallel_loop3A_226, %parallel_loop3A_202, %parallel_loop3A_253 : vector<16xi1>, vector<16xf32>
        %parallel_loop3A_255 = arith.select %parallel_loop3A_227, %parallel_loop3A_207, %parallel_loop3A_254 : vector<16xi1>, vector<16xf32>
        %parallel_loop3A_256 = arith.select %parallel_loop3A_228, %parallel_loop3A_212, %parallel_loop3A_255 : vector<16xi1>, vector<16xf32>
        %parallel_loop3A_257 = arith.select %parallel_loop3A_229, %parallel_loop3A_217, %parallel_loop3A_256 : vector<16xi1>, vector<16xf32>
        %parallel_loop3A_258 = arith.select %parallel_loop3A_230, %parallel_loop3A_222, %parallel_loop3A_257 : vector<16xi1>, vector<16xf32>
        %parallel_loop3A_259 = arith.select %parallel_loop3A_231, %mul3A_9, %parallel_loop3A_258 : vector<16xi1>, vector<16xf32>
        %parallel_loop3A_260 = arith.select %parallel_loop3A_225, %parallel_loop3A_88, %parallel_loop3A_85 : vector<16xi1>, vector<16xf32>
        %parallel_loop3A_261 = arith.select %parallel_loop3A_226, %parallel_loop3A_91, %parallel_loop3A_260 : vector<16xi1>, vector<16xf32>
        %parallel_loop3A_262 = arith.select %parallel_loop3A_227, %parallel_loop3A_94, %parallel_loop3A_261 : vector<16xi1>, vector<16xf32>
        %parallel_loop3A_263 = arith.select %parallel_loop3A_228, %parallel_loop3A_97, %parallel_loop3A_262 : vector<16xi1>, vector<16xf32>
        %parallel_loop3A_264 = arith.select %parallel_loop3A_229, %parallel_loop3A_100, %parallel_loop3A_263 : vector<16xi1>, vector<16xf32>
        %parallel_loop3A_265 = arith.select %parallel_loop3A_230, %parallel_loop3A_103, %parallel_loop3A_264 : vector<16xi1>, vector<16xf32>
        %parallel_loop3A_266 = arith.select %parallel_loop3A_231, %parallel_loop3A_106, %parallel_loop3A_265 : vector<16xi1>, vector<16xf32>
        %parallel_loop3A_267 = arith.select %parallel_loop3A_225, %parallel_loop3A_91, %parallel_loop3A_88 : vector<16xi1>, vector<16xf32>
        %parallel_loop3A_268 = arith.select %parallel_loop3A_226, %parallel_loop3A_94, %parallel_loop3A_267 : vector<16xi1>, vector<16xf32>
        %parallel_loop3A_269 = arith.select %parallel_loop3A_227, %parallel_loop3A_97, %parallel_loop3A_268 : vector<16xi1>, vector<16xf32>
        %parallel_loop3A_270 = arith.select %parallel_loop3A_228, %parallel_loop3A_100, %parallel_loop3A_269 : vector<16xi1>, vector<16xf32>
        %parallel_loop3A_271 = arith.select %parallel_loop3A_229, %parallel_loop3A_103, %parallel_loop3A_270 : vector<16xi1>, vector<16xf32>
        %parallel_loop3A_272 = arith.select %parallel_loop3A_230, %parallel_loop3A_106, %parallel_loop3A_271 : vector<16xi1>, vector<16xf32>
        %parallel_loop3A_273 = arith.select %parallel_loop3A_231, %parallel_loop3A_109, %parallel_loop3A_272 : vector<16xi1>, vector<16xf32>
        %parallel_loop3A_274 = arith.subf %parallel_loop3A_245, %parallel_loop3A_238 : vector<16xf32>
        %parallel_loop3A_275 = arith.subf %parallel_loop3A_259, %parallel_loop3A_252 : vector<16xf32>
        %parallel_loop3A_276 = arith.divf %parallel_loop3A_275, %parallel_loop3A_274 : vector<16xf32>
        %parallel_loop3A_277 = arith.constant 0.000000e+00 : f32
        %parallel_loop3A_278 = vector.broadcast %parallel_loop3A_277 : f32 to vector<16xf32>
        %parallel_loop3A_279 = arith.maximumf %parallel_loop3A_266, %parallel_loop3A_278 : vector<16xf32>
        %parallel_loop3A_280 = math.absf %parallel_loop3A_266 : vector<16xf32>
        %parallel_loop3A_281 = arith.constant 0.000000e+00 : f32
        %parallel_loop3A_282 = vector.broadcast %parallel_loop3A_281 : f32 to vector<16xf32>
        %parallel_loop3A_283 = arith.subf %parallel_loop3A_282, %parallel_loop3A_280 : vector<16xf32>
        %parallel_loop3A_284 = math.exp %parallel_loop3A_283 : vector<16xf32>
        %parallel_loop3A_285 = arith.constant 1.000000e+00 : f32
        %parallel_loop3A_286 = vector.broadcast %parallel_loop3A_285 : f32 to vector<16xf32>
        %parallel_loop3A_287 = arith.addf %parallel_loop3A_286, %parallel_loop3A_284 : vector<16xf32>
        %parallel_loop3A_288 = tpu.bitcast %parallel_loop3A_287 : vector<16xf32> -> vector<16xi32>
        %parallel_loop3A_289 = arith.constant 23 : i32
        %parallel_loop3A_290 = vector.broadcast %parallel_loop3A_289 : i32 to vector<16xi32>
        %parallel_loop3A_291 = arith.shrui %parallel_loop3A_288, %parallel_loop3A_290 : vector<16xi32>
        %parallel_loop3A_292 = arith.constant 255 : i32
        %parallel_loop3A_293 = vector.broadcast %parallel_loop3A_292 : i32 to vector<16xi32>
        %parallel_loop3A_294 = arith.andi %parallel_loop3A_291, %parallel_loop3A_293 : vector<16xi32>
        %parallel_loop3A_295 = arith.constant 127 : i32
        %parallel_loop3A_296 = vector.broadcast %parallel_loop3A_295 : i32 to vector<16xi32>
        %parallel_loop3A_297 = arith.subi %parallel_loop3A_294, %parallel_loop3A_296 : vector<16xi32>
        %parallel_loop3A_298 = arith.constant 8388607 : i32
        %parallel_loop3A_299 = vector.broadcast %parallel_loop3A_298 : i32 to vector<16xi32>
        %parallel_loop3A_300 = arith.andi %parallel_loop3A_288, %parallel_loop3A_299 : vector<16xi32>
        %parallel_loop3A_301 = arith.constant 1065353216 : i32
        %parallel_loop3A_302 = vector.broadcast %parallel_loop3A_301 : i32 to vector<16xi32>
        %parallel_loop3A_303 = arith.ori %parallel_loop3A_300, %parallel_loop3A_302 : vector<16xi32>
        %parallel_loop3A_304 = tpu.bitcast %parallel_loop3A_303 : vector<16xi32> -> vector<16xf32>
        %parallel_loop3A_305 = arith.constant 1.41421354 : f32
        %parallel_loop3A_306 = vector.broadcast %parallel_loop3A_305 : f32 to vector<16xf32>
        %parallel_loop3A_307 = arith.cmpf ogt, %parallel_loop3A_304, %parallel_loop3A_306 : vector<16xf32>
        %parallel_loop3A_308 = arith.constant 5.000000e-01 : f32
        %parallel_loop3A_309 = vector.broadcast %parallel_loop3A_308 : f32 to vector<16xf32>
        %parallel_loop3A_310 = arith.mulf %parallel_loop3A_304, %parallel_loop3A_309 : vector<16xf32>
        %parallel_loop3A_311 = arith.select %parallel_loop3A_307, %parallel_loop3A_310, %parallel_loop3A_304 : vector<16xi1>, vector<16xf32>
        %parallel_loop3A_312 = arith.constant 1 : i32
        %parallel_loop3A_313 = vector.broadcast %parallel_loop3A_312 : i32 to vector<16xi32>
        %parallel_loop3A_314 = arith.addi %parallel_loop3A_297, %parallel_loop3A_313 : vector<16xi32>
        %parallel_loop3A_315 = arith.select %parallel_loop3A_307, %parallel_loop3A_314, %parallel_loop3A_297 : vector<16xi1>, vector<16xi32>
        %parallel_loop3A_316 = arith.constant 1.000000e+00 : f32
        %parallel_loop3A_317 = vector.broadcast %parallel_loop3A_316 : f32 to vector<16xf32>
        %parallel_loop3A_318 = arith.subf %parallel_loop3A_311, %parallel_loop3A_317 : vector<16xf32>
        %parallel_loop3A_319 = arith.constant 1.000000e+00 : f32
        %parallel_loop3A_320 = vector.broadcast %parallel_loop3A_319 : f32 to vector<16xf32>
        %parallel_loop3A_321 = arith.addf %parallel_loop3A_311, %parallel_loop3A_320 : vector<16xf32>
        %parallel_loop3A_322 = arith.divf %parallel_loop3A_318, %parallel_loop3A_321 : vector<16xf32>
        %parallel_loop3A_323 = arith.mulf %parallel_loop3A_322, %parallel_loop3A_322 : vector<16xf32>
        %parallel_loop3A_324 = arith.constant 2.000000e+00 : f32
        %parallel_loop3A_325 = vector.broadcast %parallel_loop3A_324 : f32 to vector<16xf32>
        %parallel_loop3A_326 = arith.mulf %parallel_loop3A_325, %parallel_loop3A_322 : vector<16xf32>
        %parallel_loop3A_327 = arith.constant 0.142857149 : f32
        %parallel_loop3A_328 = vector.broadcast %parallel_loop3A_327 : f32 to vector<16xf32>
        %parallel_loop3A_329 = arith.mulf %parallel_loop3A_323, %parallel_loop3A_328 : vector<16xf32>
        %parallel_loop3A_330 = arith.constant 2.000000e-01 : f32
        %parallel_loop3A_331 = vector.broadcast %parallel_loop3A_330 : f32 to vector<16xf32>
        %parallel_loop3A_332 = arith.addf %parallel_loop3A_331, %parallel_loop3A_329 : vector<16xf32>
        %parallel_loop3A_333 = arith.mulf %parallel_loop3A_323, %parallel_loop3A_332 : vector<16xf32>
        %parallel_loop3A_334 = arith.constant 0.333333343 : f32
        %parallel_loop3A_335 = vector.broadcast %parallel_loop3A_334 : f32 to vector<16xf32>
        %parallel_loop3A_336 = arith.addf %parallel_loop3A_335, %parallel_loop3A_333 : vector<16xf32>
        %parallel_loop3A_337 = arith.mulf %parallel_loop3A_323, %parallel_loop3A_336 : vector<16xf32>
        %parallel_loop3A_338 = arith.constant 1.000000e+00 : f32
        %parallel_loop3A_339 = vector.broadcast %parallel_loop3A_338 : f32 to vector<16xf32>
        %parallel_loop3A_340 = arith.addf %parallel_loop3A_339, %parallel_loop3A_337 : vector<16xf32>
        %parallel_loop3A_341 = arith.mulf %parallel_loop3A_326, %parallel_loop3A_340 : vector<16xf32>
        %parallel_loop3A_342 = arith.sitofp %parallel_loop3A_315 : vector<16xi32> to vector<16xf32>
        %parallel_loop3A_343 = arith.constant 0.693147182 : f32
        %parallel_loop3A_344 = vector.broadcast %parallel_loop3A_343 : f32 to vector<16xf32>
        %parallel_loop3A_345 = arith.mulf %parallel_loop3A_342, %parallel_loop3A_344 : vector<16xf32>
        %parallel_loop3A_346 = arith.addf %parallel_loop3A_345, %parallel_loop3A_341 : vector<16xf32>
        %parallel_loop3A_347 = arith.addf %parallel_loop3A_279, %parallel_loop3A_346 : vector<16xf32>
        %parallel_loop3A_348 = arith.constant 1.000000e-03 : f32
        %parallel_loop3A_349 = vector.broadcast %parallel_loop3A_348 : f32 to vector<16xf32>
        %parallel_loop3A_350 = arith.addf %parallel_loop3A_349, %parallel_loop3A_347 : vector<16xf32>
        %parallel_loop3A_351 = arith.constant 0.000000e+00 : f32
        %parallel_loop3A_352 = vector.broadcast %parallel_loop3A_351 : f32 to vector<16xf32>
        %parallel_loop3A_353 = arith.maximumf %parallel_loop3A_273, %parallel_loop3A_352 : vector<16xf32>
        %parallel_loop3A_354 = math.absf %parallel_loop3A_273 : vector<16xf32>
        %parallel_loop3A_355 = arith.constant 0.000000e+00 : f32
        %parallel_loop3A_356 = vector.broadcast %parallel_loop3A_355 : f32 to vector<16xf32>
        %parallel_loop3A_357 = arith.subf %parallel_loop3A_356, %parallel_loop3A_354 : vector<16xf32>
        %parallel_loop3A_358 = math.exp %parallel_loop3A_357 : vector<16xf32>
        %parallel_loop3A_359 = arith.constant 1.000000e+00 : f32
        %parallel_loop3A_360 = vector.broadcast %parallel_loop3A_359 : f32 to vector<16xf32>
        %parallel_loop3A_361 = arith.addf %parallel_loop3A_360, %parallel_loop3A_358 : vector<16xf32>
        %parallel_loop3A_362 = tpu.bitcast %parallel_loop3A_361 : vector<16xf32> -> vector<16xi32>
        %parallel_loop3A_363 = arith.constant 23 : i32
        %parallel_loop3A_364 = vector.broadcast %parallel_loop3A_363 : i32 to vector<16xi32>
        %parallel_loop3A_365 = arith.shrui %parallel_loop3A_362, %parallel_loop3A_364 : vector<16xi32>
        %parallel_loop3A_366 = arith.constant 255 : i32
        %parallel_loop3A_367 = vector.broadcast %parallel_loop3A_366 : i32 to vector<16xi32>
        %parallel_loop3A_368 = arith.andi %parallel_loop3A_365, %parallel_loop3A_367 : vector<16xi32>
        %parallel_loop3A_369 = arith.constant 127 : i32
        %parallel_loop3A_370 = vector.broadcast %parallel_loop3A_369 : i32 to vector<16xi32>
        %parallel_loop3A_371 = arith.subi %parallel_loop3A_368, %parallel_loop3A_370 : vector<16xi32>
        %parallel_loop3A_372 = arith.constant 8388607 : i32
        %parallel_loop3A_373 = vector.broadcast %parallel_loop3A_372 : i32 to vector<16xi32>
        %parallel_loop3A_374 = arith.andi %parallel_loop3A_362, %parallel_loop3A_373 : vector<16xi32>
        %parallel_loop3A_375 = arith.constant 1065353216 : i32
        %parallel_loop3A_376 = vector.broadcast %parallel_loop3A_375 : i32 to vector<16xi32>
        %parallel_loop3A_377 = arith.ori %parallel_loop3A_374, %parallel_loop3A_376 : vector<16xi32>
        %parallel_loop3A_378 = tpu.bitcast %parallel_loop3A_377 : vector<16xi32> -> vector<16xf32>
        %parallel_loop3A_379 = arith.constant 1.41421354 : f32
        %parallel_loop3A_380 = vector.broadcast %parallel_loop3A_379 : f32 to vector<16xf32>
        %parallel_loop3A_381 = arith.cmpf ogt, %parallel_loop3A_378, %parallel_loop3A_380 : vector<16xf32>
        %parallel_loop3A_382 = arith.constant 5.000000e-01 : f32
        %parallel_loop3A_383 = vector.broadcast %parallel_loop3A_382 : f32 to vector<16xf32>
        %parallel_loop3A_384 = arith.mulf %parallel_loop3A_378, %parallel_loop3A_383 : vector<16xf32>
        %parallel_loop3A_385 = arith.select %parallel_loop3A_381, %parallel_loop3A_384, %parallel_loop3A_378 : vector<16xi1>, vector<16xf32>
        %parallel_loop3A_386 = arith.constant 1 : i32
        %parallel_loop3A_387 = vector.broadcast %parallel_loop3A_386 : i32 to vector<16xi32>
        %parallel_loop3A_388 = arith.addi %parallel_loop3A_371, %parallel_loop3A_387 : vector<16xi32>
        %parallel_loop3A_389 = arith.select %parallel_loop3A_381, %parallel_loop3A_388, %parallel_loop3A_371 : vector<16xi1>, vector<16xi32>
        %parallel_loop3A_390 = arith.constant 1.000000e+00 : f32
        %parallel_loop3A_391 = vector.broadcast %parallel_loop3A_390 : f32 to vector<16xf32>
        %parallel_loop3A_392 = arith.subf %parallel_loop3A_385, %parallel_loop3A_391 : vector<16xf32>
        %parallel_loop3A_393 = arith.constant 1.000000e+00 : f32
        %parallel_loop3A_394 = vector.broadcast %parallel_loop3A_393 : f32 to vector<16xf32>
        %parallel_loop3A_395 = arith.addf %parallel_loop3A_385, %parallel_loop3A_394 : vector<16xf32>
        %parallel_loop3A_396 = arith.divf %parallel_loop3A_392, %parallel_loop3A_395 : vector<16xf32>
        %parallel_loop3A_397 = arith.mulf %parallel_loop3A_396, %parallel_loop3A_396 : vector<16xf32>
        %parallel_loop3A_398 = arith.constant 2.000000e+00 : f32
        %parallel_loop3A_399 = vector.broadcast %parallel_loop3A_398 : f32 to vector<16xf32>
        %parallel_loop3A_400 = arith.mulf %parallel_loop3A_399, %parallel_loop3A_396 : vector<16xf32>
        %parallel_loop3A_401 = arith.constant 0.142857149 : f32
        %parallel_loop3A_402 = vector.broadcast %parallel_loop3A_401 : f32 to vector<16xf32>
        %parallel_loop3A_403 = arith.mulf %parallel_loop3A_397, %parallel_loop3A_402 : vector<16xf32>
        %parallel_loop3A_404 = arith.constant 2.000000e-01 : f32
        %parallel_loop3A_405 = vector.broadcast %parallel_loop3A_404 : f32 to vector<16xf32>
        %parallel_loop3A_406 = arith.addf %parallel_loop3A_405, %parallel_loop3A_403 : vector<16xf32>
        %parallel_loop3A_407 = arith.mulf %parallel_loop3A_397, %parallel_loop3A_406 : vector<16xf32>
        %parallel_loop3A_408 = arith.constant 0.333333343 : f32
        %parallel_loop3A_409 = vector.broadcast %parallel_loop3A_408 : f32 to vector<16xf32>
        %parallel_loop3A_410 = arith.addf %parallel_loop3A_409, %parallel_loop3A_407 : vector<16xf32>
        %parallel_loop3A_411 = arith.mulf %parallel_loop3A_397, %parallel_loop3A_410 : vector<16xf32>
        %parallel_loop3A_412 = arith.constant 1.000000e+00 : f32
        %parallel_loop3A_413 = vector.broadcast %parallel_loop3A_412 : f32 to vector<16xf32>
        %parallel_loop3A_414 = arith.addf %parallel_loop3A_413, %parallel_loop3A_411 : vector<16xf32>
        %parallel_loop3A_415 = arith.mulf %parallel_loop3A_400, %parallel_loop3A_414 : vector<16xf32>
        %parallel_loop3A_416 = arith.sitofp %parallel_loop3A_389 : vector<16xi32> to vector<16xf32>
        %parallel_loop3A_417 = arith.constant 0.693147182 : f32
        %parallel_loop3A_418 = vector.broadcast %parallel_loop3A_417 : f32 to vector<16xf32>
        %parallel_loop3A_419 = arith.mulf %parallel_loop3A_416, %parallel_loop3A_418 : vector<16xf32>
        %parallel_loop3A_420 = arith.addf %parallel_loop3A_419, %parallel_loop3A_415 : vector<16xf32>
        %parallel_loop3A_421 = arith.addf %parallel_loop3A_353, %parallel_loop3A_420 : vector<16xf32>
        %parallel_loop3A_422 = arith.constant 1.000000e-03 : f32
        %parallel_loop3A_423 = vector.broadcast %parallel_loop3A_422 : f32 to vector<16xf32>
        %parallel_loop3A_424 = arith.addf %parallel_loop3A_423, %parallel_loop3A_421 : vector<16xf32>
        %parallel_loop3A_425 = arith.subf %parallel_loop3A_224, %parallel_loop3A_238 : vector<16xf32>
        %parallel_loop3A_426 = arith.divf %parallel_loop3A_425, %parallel_loop3A_274 : vector<16xf32>
        %parallel_loop3A_427 = arith.constant 1.000000e+00 : f32
        %parallel_loop3A_428 = vector.broadcast %parallel_loop3A_427 : f32 to vector<16xf32>
        %parallel_loop3A_429 = arith.subf %parallel_loop3A_428, %parallel_loop3A_426 : vector<16xf32>
        %parallel_loop3A_430 = arith.mulf %parallel_loop3A_426, %parallel_loop3A_429 : vector<16xf32>
        %parallel_loop3A_431 = arith.mulf %parallel_loop3A_426, %parallel_loop3A_426 : vector<16xf32>
        %parallel_loop3A_432 = arith.mulf %parallel_loop3A_276, %parallel_loop3A_431 : vector<16xf32>
        %parallel_loop3A_433 = arith.mulf %parallel_loop3A_350, %parallel_loop3A_430 : vector<16xf32>
        %parallel_loop3A_434 = arith.addf %parallel_loop3A_432, %parallel_loop3A_433 : vector<16xf32>
        %parallel_loop3A_435 = arith.mulf %parallel_loop3A_275, %parallel_loop3A_434 : vector<16xf32>
        %parallel_loop3A_436 = arith.addf %parallel_loop3A_350, %parallel_loop3A_424 : vector<16xf32>
        %parallel_loop3A_437 = arith.constant 2.000000e+00 : f32
        %parallel_loop3A_438 = vector.broadcast %parallel_loop3A_437 : f32 to vector<16xf32>
        %parallel_loop3A_439 = arith.mulf %parallel_loop3A_438, %parallel_loop3A_276 : vector<16xf32>
        %parallel_loop3A_440 = arith.subf %parallel_loop3A_436, %parallel_loop3A_439 : vector<16xf32>
        %parallel_loop3A_441 = arith.mulf %parallel_loop3A_440, %parallel_loop3A_430 : vector<16xf32>
        %parallel_loop3A_442 = arith.addf %parallel_loop3A_276, %parallel_loop3A_441 : vector<16xf32>
        %parallel_loop3A_443 = arith.divf %parallel_loop3A_435, %parallel_loop3A_442 : vector<16xf32>
        %parallel_loop3A_444 = arith.addf %parallel_loop3A_252, %parallel_loop3A_443 : vector<16xf32>
        %parallel_loop3A_445 = arith.mulf %parallel_loop3A_276, %parallel_loop3A_276 : vector<16xf32>
        %parallel_loop3A_446 = arith.mulf %parallel_loop3A_424, %parallel_loop3A_431 : vector<16xf32>
        %parallel_loop3A_447 = arith.constant 2.000000e+00 : f32
        %parallel_loop3A_448 = vector.broadcast %parallel_loop3A_447 : f32 to vector<16xf32>
        %parallel_loop3A_449 = arith.mulf %parallel_loop3A_448, %parallel_loop3A_276 : vector<16xf32>
        %parallel_loop3A_450 = arith.mulf %parallel_loop3A_449, %parallel_loop3A_430 : vector<16xf32>
        %parallel_loop3A_451 = arith.addf %parallel_loop3A_446, %parallel_loop3A_450 : vector<16xf32>
        %parallel_loop3A_452 = arith.mulf %parallel_loop3A_350, %parallel_loop3A_429 : vector<16xf32>
        %parallel_loop3A_453 = arith.mulf %parallel_loop3A_452, %parallel_loop3A_429 : vector<16xf32>
        %parallel_loop3A_454 = arith.addf %parallel_loop3A_451, %parallel_loop3A_453 : vector<16xf32>
        %parallel_loop3A_455 = arith.mulf %parallel_loop3A_445, %parallel_loop3A_454 : vector<16xf32>
        %parallel_loop3A_456 = arith.mulf %parallel_loop3A_442, %parallel_loop3A_442 : vector<16xf32>
        %parallel_loop3A_457 = arith.divf %parallel_loop3A_455, %parallel_loop3A_456 : vector<16xf32>
        %parallel_loop3A_458 = tpu.bitcast %parallel_loop3A_457 : vector<16xf32> -> vector<16xi32>
        %parallel_loop3A_459 = arith.constant 23 : i32
        %parallel_loop3A_460 = vector.broadcast %parallel_loop3A_459 : i32 to vector<16xi32>
        %parallel_loop3A_461 = arith.shrui %parallel_loop3A_458, %parallel_loop3A_460 : vector<16xi32>
        %parallel_loop3A_462 = arith.constant 255 : i32
        %parallel_loop3A_463 = vector.broadcast %parallel_loop3A_462 : i32 to vector<16xi32>
        %parallel_loop3A_464 = arith.andi %parallel_loop3A_461, %parallel_loop3A_463 : vector<16xi32>
        %parallel_loop3A_465 = arith.constant 127 : i32
        %parallel_loop3A_466 = vector.broadcast %parallel_loop3A_465 : i32 to vector<16xi32>
        %parallel_loop3A_467 = arith.subi %parallel_loop3A_464, %parallel_loop3A_466 : vector<16xi32>
        %parallel_loop3A_468 = arith.constant 8388607 : i32
        %parallel_loop3A_469 = vector.broadcast %parallel_loop3A_468 : i32 to vector<16xi32>
        %parallel_loop3A_470 = arith.andi %parallel_loop3A_458, %parallel_loop3A_469 : vector<16xi32>
        %parallel_loop3A_471 = arith.constant 1065353216 : i32
        %parallel_loop3A_472 = vector.broadcast %parallel_loop3A_471 : i32 to vector<16xi32>
        %parallel_loop3A_473 = arith.ori %parallel_loop3A_470, %parallel_loop3A_472 : vector<16xi32>
        %parallel_loop3A_474 = tpu.bitcast %parallel_loop3A_473 : vector<16xi32> -> vector<16xf32>
        %parallel_loop3A_475 = arith.constant 1.41421354 : f32
        %parallel_loop3A_476 = vector.broadcast %parallel_loop3A_475 : f32 to vector<16xf32>
        %parallel_loop3A_477 = arith.cmpf ogt, %parallel_loop3A_474, %parallel_loop3A_476 : vector<16xf32>
        %parallel_loop3A_478 = arith.constant 5.000000e-01 : f32
        %parallel_loop3A_479 = vector.broadcast %parallel_loop3A_478 : f32 to vector<16xf32>
        %parallel_loop3A_480 = arith.mulf %parallel_loop3A_474, %parallel_loop3A_479 : vector<16xf32>
        %parallel_loop3A_481 = arith.select %parallel_loop3A_477, %parallel_loop3A_480, %parallel_loop3A_474 : vector<16xi1>, vector<16xf32>
        %parallel_loop3A_482 = arith.constant 1 : i32
        %parallel_loop3A_483 = vector.broadcast %parallel_loop3A_482 : i32 to vector<16xi32>
        %parallel_loop3A_484 = arith.addi %parallel_loop3A_467, %parallel_loop3A_483 : vector<16xi32>
        %parallel_loop3A_485 = arith.select %parallel_loop3A_477, %parallel_loop3A_484, %parallel_loop3A_467 : vector<16xi1>, vector<16xi32>
        %parallel_loop3A_486 = arith.constant 1.000000e+00 : f32
        %parallel_loop3A_487 = vector.broadcast %parallel_loop3A_486 : f32 to vector<16xf32>
        %parallel_loop3A_488 = arith.subf %parallel_loop3A_481, %parallel_loop3A_487 : vector<16xf32>
        %parallel_loop3A_489 = arith.constant 1.000000e+00 : f32
        %parallel_loop3A_490 = vector.broadcast %parallel_loop3A_489 : f32 to vector<16xf32>
        %parallel_loop3A_491 = arith.addf %parallel_loop3A_481, %parallel_loop3A_490 : vector<16xf32>
        %parallel_loop3A_492 = arith.divf %parallel_loop3A_488, %parallel_loop3A_491 : vector<16xf32>
        %parallel_loop3A_493 = arith.mulf %parallel_loop3A_492, %parallel_loop3A_492 : vector<16xf32>
        %parallel_loop3A_494 = arith.constant 2.000000e+00 : f32
        %parallel_loop3A_495 = vector.broadcast %parallel_loop3A_494 : f32 to vector<16xf32>
        %parallel_loop3A_496 = arith.mulf %parallel_loop3A_495, %parallel_loop3A_492 : vector<16xf32>
        %parallel_loop3A_497 = arith.constant 0.142857149 : f32
        %parallel_loop3A_498 = vector.broadcast %parallel_loop3A_497 : f32 to vector<16xf32>
        %parallel_loop3A_499 = arith.mulf %parallel_loop3A_493, %parallel_loop3A_498 : vector<16xf32>
        %parallel_loop3A_500 = arith.constant 2.000000e-01 : f32
        %parallel_loop3A_501 = vector.broadcast %parallel_loop3A_500 : f32 to vector<16xf32>
        %parallel_loop3A_502 = arith.addf %parallel_loop3A_501, %parallel_loop3A_499 : vector<16xf32>
        %parallel_loop3A_503 = arith.mulf %parallel_loop3A_493, %parallel_loop3A_502 : vector<16xf32>
        %parallel_loop3A_504 = arith.constant 0.333333343 : f32
        %parallel_loop3A_505 = vector.broadcast %parallel_loop3A_504 : f32 to vector<16xf32>
        %parallel_loop3A_506 = arith.addf %parallel_loop3A_505, %parallel_loop3A_503 : vector<16xf32>
        %parallel_loop3A_507 = arith.mulf %parallel_loop3A_493, %parallel_loop3A_506 : vector<16xf32>
        %parallel_loop3A_508 = arith.constant 1.000000e+00 : f32
        %parallel_loop3A_509 = vector.broadcast %parallel_loop3A_508 : f32 to vector<16xf32>
        %parallel_loop3A_510 = arith.addf %parallel_loop3A_509, %parallel_loop3A_507 : vector<16xf32>
        %parallel_loop3A_511 = arith.mulf %parallel_loop3A_496, %parallel_loop3A_510 : vector<16xf32>
        %parallel_loop3A_512 = arith.sitofp %parallel_loop3A_485 : vector<16xi32> to vector<16xf32>
        %parallel_loop3A_513 = arith.constant 0.693147182 : f32
        %parallel_loop3A_514 = vector.broadcast %parallel_loop3A_513 : f32 to vector<16xf32>
        %parallel_loop3A_515 = arith.mulf %parallel_loop3A_512, %parallel_loop3A_514 : vector<16xf32>
        %parallel_loop3A_516 = arith.addf %parallel_loop3A_515, %parallel_loop3A_511 : vector<16xf32>
        %parallel_loop3A_517 = arith.cmpf oge, %parallel_loop3A_111, %parallel_loop3A_152 : vector<16xf32>
        %parallel_loop3A_518 = arith.cmpf ole, %parallel_loop3A_111, %mul3A_9 : vector<16xf32>
        %parallel_loop3A_519 = arith.andi %parallel_loop3A_517, %parallel_loop3A_518 : vector<16xi1>
        %parallel_loop3A_520 = arith.select %parallel_loop3A_519, %parallel_loop3A_444, %parallel_loop3A_111 : vector<16xi1>, vector<16xf32>
        %parallel_loop3A_521 = arith.constant 0.000000e+00 : f32
        %parallel_loop3A_522 = vector.broadcast %parallel_loop3A_521 : f32 to vector<16xf32>
        %parallel_loop3A_523 = arith.select %parallel_loop3A_519, %parallel_loop3A_516, %parallel_loop3A_522 : vector<16xi1>, vector<16xf32>
        %parallel_loop3A_524 = arith.index_cast %parallel_loop3A_31 : i32 to index
        %parallel_loop3A_525 = tpu.vector_load %arg9[%parallel_loop3A_524] {strides = array<i32>} : memref<800xf32, #tpu.memory_space<vmem>>, vector<16xf32>,
        tpu.vector_store %arg9[%parallel_loop3A_524], %parallel_loop3A_520 {strides = array<i32>} : memref<800xf32, #tpu.memory_space<vmem>>, vector<16xf32>,
        %parallel_loop3A_526 = arith.index_cast %parallel_loop3A_31 : i32 to index
        %parallel_loop3A_527 = tpu.vector_load %arg10[%parallel_loop3A_526] {strides = array<i32>} : memref<800xf32, #tpu.memory_space<vmem>>, vector<16xf32>,
        tpu.vector_store %arg10[%parallel_loop3A_526], %parallel_loop3A_523 {strides = array<i32>} : memref<800xf32, #tpu.memory_space<vmem>>, vector<16xf32>,
      } {sc.loop_unroll_factor = 2 : i64, sc.parallel_access}
      "tpu.region"() ({
        %run_scoped3A = tpu.sem_alloc : memref<!tpu.dma_semaphore, #tpu.memory_space<semaphore_mem>>
        %dma_start3A = tpu.memref_slice %arg5[%mul3A_26] : memref<1000000xf32, #tpu.memory_space<hbm>> -> memref<800xf32, #tpu.memory_space<hbm>>
        %dma_start3A_29 = tpu.memref_slice %arg5[%mul3A_26] : memref<1000000xf32, #tpu.memory_space<hbm>> -> memref<800xf32, #tpu.memory_space<hbm>>
        tpu.enqueue_dma source(%arg9 : memref<800xf32, #tpu.memory_space<vmem>>) target(%dma_start3A_29 : memref<800xf32, #tpu.memory_space<hbm>>) target_semaphore(%run_scoped3A : memref<!tpu.dma_semaphore, #tpu.memory_space<semaphore_mem>>)
        %dma_wait3A = tpu.memref_slice %arg5[%mul3A_26] : memref<1000000xf32, #tpu.memory_space<hbm>> -> memref<800xf32, #tpu.memory_space<hbm>>
        %dma_wait3A_30 = tpu.memref_slice %arg5[%mul3A_26] : memref<1000000xf32, #tpu.memory_space<hbm>> -> memref<800xf32, #tpu.memory_space<hbm>>
        tpu.wait_dma2 semaphore(%run_scoped3A : memref<!tpu.dma_semaphore, #tpu.memory_space<semaphore_mem>>) src(%arg9 : memref<800xf32, #tpu.memory_space<vmem>>) dst(%dma_wait3A_30 : memref<800xf32, #tpu.memory_space<hbm>>)
        tpu.yield
      }) : () -> ()
      "tpu.region"() ({
        %run_scoped3A = tpu.sem_alloc : memref<!tpu.dma_semaphore, #tpu.memory_space<semaphore_mem>>
        %dma_start3A = tpu.memref_slice %arg6[%mul3A_26] : memref<1000000xf32, #tpu.memory_space<hbm>> -> memref<800xf32, #tpu.memory_space<hbm>>
        %dma_start3A_29 = tpu.memref_slice %arg6[%mul3A_26] : memref<1000000xf32, #tpu.memory_space<hbm>> -> memref<800xf32, #tpu.memory_space<hbm>>
        tpu.enqueue_dma source(%arg10 : memref<800xf32, #tpu.memory_space<vmem>>) target(%dma_start3A_29 : memref<800xf32, #tpu.memory_space<hbm>>) target_semaphore(%run_scoped3A : memref<!tpu.dma_semaphore, #tpu.memory_space<semaphore_mem>>)
        %dma_wait3A = tpu.memref_slice %arg6[%mul3A_26] : memref<1000000xf32, #tpu.memory_space<hbm>> -> memref<800xf32, #tpu.memory_space<hbm>>
        %dma_wait3A_30 = tpu.memref_slice %arg6[%mul3A_26] : memref<1000000xf32, #tpu.memory_space<hbm>> -> memref<800xf32, #tpu.memory_space<hbm>>
        tpu.wait_dma2 semaphore(%run_scoped3A : memref<!tpu.dma_semaphore, #tpu.memory_space<semaphore_mem>>) src(%arg10 : memref<800xf32, #tpu.memory_space<vmem>>) dst(%dma_wait3A_30 : memref<800xf32, #tpu.memory_space<hbm>>)
        tpu.yield
      }) : () -> ()
    }
    %while3A_20 = arith.constant 1 : i32
    scf.for %while3A_21 = %while3A_18 to %while3A_14 step %while3A_20  : i32 {
      %mul3A_22 = arith.constant 32 : i32
      %mul3A_23 = arith.muli %while3A_21, %mul3A_22 : i32
      %add3A_24 = arith.addi %add3A, %mul3A_23 : i32
      %mul3A_25 = arith.constant 800 : i32
      %mul3A_26 = arith.muli %add3A_24, %mul3A_25 : i32
      "tpu.region"() ({
        %run_scoped3A = tpu.sem_alloc : memref<!tpu.dma_semaphore, #tpu.memory_space<semaphore_mem>>
        %dma_start3A = arith.constant 0 : i32
        %dma_start3A_29 = tpu.memref_slice %arg2[%mul3A_26, %dma_start3A] : memref<1000000x26xf32, #tpu.memory_space<hbm>> -> memref<800x26xf32, #tpu.memory_space<hbm>>
        %dma_start3A_30 = arith.constant 0 : i32
        %dma_start3A_31 = tpu.memref_slice %arg2[%mul3A_26, %dma_start3A_30] : memref<1000000x26xf32, #tpu.memory_space<hbm>> -> memref<800x26xf32, #tpu.memory_space<hbm>>
        tpu.enqueue_dma source(%dma_start3A_31 : memref<800x26xf32, #tpu.memory_space<hbm>>) target(%arg7 : memref<800x26xf32, #tpu.memory_space<vmem>>) target_semaphore(%run_scoped3A : memref<!tpu.dma_semaphore, #tpu.memory_space<semaphore_mem>>)
        %dma_wait3A = arith.constant 0 : i32
        %dma_wait3A_32 = tpu.memref_slice %arg2[%mul3A_26, %dma_wait3A] : memref<1000000x26xf32, #tpu.memory_space<hbm>> -> memref<800x26xf32, #tpu.memory_space<hbm>>
        %dma_wait3A_33 = arith.constant 0 : i32
        %dma_wait3A_34 = tpu.memref_slice %arg2[%mul3A_26, %dma_wait3A_33] : memref<1000000x26xf32, #tpu.memory_space<hbm>> -> memref<800x26xf32, #tpu.memory_space<hbm>>
        tpu.wait_dma2 semaphore(%run_scoped3A : memref<!tpu.dma_semaphore, #tpu.memory_space<semaphore_mem>>) src(%dma_wait3A_34 : memref<800x26xf32, #tpu.memory_space<hbm>>) dst(%arg7 : memref<800x26xf32, #tpu.memory_space<vmem>>)
        tpu.yield
      }) : () -> ()
      "tpu.region"() ({
        %run_scoped3A = tpu.sem_alloc : memref<!tpu.dma_semaphore, #tpu.memory_space<semaphore_mem>>
        %dma_start3A = tpu.memref_slice %arg3[%mul3A_26] : memref<1000000xf32, #tpu.memory_space<hbm>> -> memref<800xf32, #tpu.memory_space<hbm>>
        %dma_start3A_29 = tpu.memref_slice %arg3[%mul3A_26] : memref<1000000xf32, #tpu.memory_space<hbm>> -> memref<800xf32, #tpu.memory_space<hbm>>
        tpu.enqueue_dma source(%dma_start3A_29 : memref<800xf32, #tpu.memory_space<hbm>>) target(%arg8 : memref<800xf32, #tpu.memory_space<vmem>>) target_semaphore(%run_scoped3A : memref<!tpu.dma_semaphore, #tpu.memory_space<semaphore_mem>>)
        %dma_wait3A = tpu.memref_slice %arg3[%mul3A_26] : memref<1000000xf32, #tpu.memory_space<hbm>> -> memref<800xf32, #tpu.memory_space<hbm>>
        %dma_wait3A_30 = tpu.memref_slice %arg3[%mul3A_26] : memref<1000000xf32, #tpu.memory_space<hbm>> -> memref<800xf32, #tpu.memory_space<hbm>>
        tpu.wait_dma2 semaphore(%run_scoped3A : memref<!tpu.dma_semaphore, #tpu.memory_space<semaphore_mem>>) src(%dma_wait3A_30 : memref<800xf32, #tpu.memory_space<hbm>>) dst(%arg8 : memref<800xf32, #tpu.memory_space<vmem>>)
        tpu.yield
      }) : () -> ()
      %parallel_loop3A = arith.constant 0 : i32
      %parallel_loop3A_27 = arith.constant 50 : i32
      %parallel_loop3A_28 = arith.constant 1 : i32
      scf.for %parallel_loop3A_29 = %parallel_loop3A to %parallel_loop3A_27 step %parallel_loop3A_28  : i32 {
        %parallel_loop3A_30 = arith.constant 16 : i32
        %parallel_loop3A_31 = arith.muli %parallel_loop3A_29, %parallel_loop3A_30 : i32
        %parallel_loop3A_32 = tpu.iota {dimensions = array<i32: 0>} : vector<16xi32>
        %parallel_loop3A_33 = vector.broadcast %parallel_loop3A_31 : i32 to vector<16xi32>
        %parallel_loop3A_34 = arith.addi %parallel_loop3A_33, %parallel_loop3A_32 : vector<16xi32>
        %parallel_loop3A_35 = arith.constant 0 : i32
        %parallel_loop3A_36 = vector.broadcast %parallel_loop3A_35 : i32 to vector<16xi32>
        %parallel_loop3A_37 = tpu.vector_load_idx %arg7[%parallel_loop3A_34, %parallel_loop3A_36] : memref<800x26xf32, #tpu.memory_space<vmem>>[vector<16xi32>, vector<16xi32>], vector<16xf32>,
        %parallel_loop3A_38 = arith.constant 1 : i32
        %parallel_loop3A_39 = vector.broadcast %parallel_loop3A_38 : i32 to vector<16xi32>
        %parallel_loop3A_40 = tpu.vector_load_idx %arg7[%parallel_loop3A_34, %parallel_loop3A_39] : memref<800x26xf32, #tpu.memory_space<vmem>>[vector<16xi32>, vector<16xi32>], vector<16xf32>,
        %parallel_loop3A_41 = arith.constant 2 : i32
        %parallel_loop3A_42 = vector.broadcast %parallel_loop3A_41 : i32 to vector<16xi32>
        %parallel_loop3A_43 = tpu.vector_load_idx %arg7[%parallel_loop3A_34, %parallel_loop3A_42] : memref<800x26xf32, #tpu.memory_space<vmem>>[vector<16xi32>, vector<16xi32>], vector<16xf32>,
        %parallel_loop3A_44 = arith.constant 3 : i32
        %parallel_loop3A_45 = vector.broadcast %parallel_loop3A_44 : i32 to vector<16xi32>
        %parallel_loop3A_46 = tpu.vector_load_idx %arg7[%parallel_loop3A_34, %parallel_loop3A_45] : memref<800x26xf32, #tpu.memory_space<vmem>>[vector<16xi32>, vector<16xi32>], vector<16xf32>,
        %parallel_loop3A_47 = arith.constant 4 : i32
        %parallel_loop3A_48 = vector.broadcast %parallel_loop3A_47 : i32 to vector<16xi32>
        %parallel_loop3A_49 = tpu.vector_load_idx %arg7[%parallel_loop3A_34, %parallel_loop3A_48] : memref<800x26xf32, #tpu.memory_space<vmem>>[vector<16xi32>, vector<16xi32>], vector<16xf32>,
        %parallel_loop3A_50 = arith.constant 5 : i32
        %parallel_loop3A_51 = vector.broadcast %parallel_loop3A_50 : i32 to vector<16xi32>
        %parallel_loop3A_52 = tpu.vector_load_idx %arg7[%parallel_loop3A_34, %parallel_loop3A_51] : memref<800x26xf32, #tpu.memory_space<vmem>>[vector<16xi32>, vector<16xi32>], vector<16xf32>,
        %parallel_loop3A_53 = arith.constant 6 : i32
        %parallel_loop3A_54 = vector.broadcast %parallel_loop3A_53 : i32 to vector<16xi32>
        %parallel_loop3A_55 = tpu.vector_load_idx %arg7[%parallel_loop3A_34, %parallel_loop3A_54] : memref<800x26xf32, #tpu.memory_space<vmem>>[vector<16xi32>, vector<16xi32>], vector<16xf32>,
        %parallel_loop3A_56 = arith.constant 7 : i32
        %parallel_loop3A_57 = vector.broadcast %parallel_loop3A_56 : i32 to vector<16xi32>
        %parallel_loop3A_58 = tpu.vector_load_idx %arg7[%parallel_loop3A_34, %parallel_loop3A_57] : memref<800x26xf32, #tpu.memory_space<vmem>>[vector<16xi32>, vector<16xi32>], vector<16xf32>,
        %parallel_loop3A_59 = arith.constant 8 : i32
        %parallel_loop3A_60 = vector.broadcast %parallel_loop3A_59 : i32 to vector<16xi32>
        %parallel_loop3A_61 = tpu.vector_load_idx %arg7[%parallel_loop3A_34, %parallel_loop3A_60] : memref<800x26xf32, #tpu.memory_space<vmem>>[vector<16xi32>, vector<16xi32>], vector<16xf32>,
        %parallel_loop3A_62 = arith.constant 9 : i32
        %parallel_loop3A_63 = vector.broadcast %parallel_loop3A_62 : i32 to vector<16xi32>
        %parallel_loop3A_64 = tpu.vector_load_idx %arg7[%parallel_loop3A_34, %parallel_loop3A_63] : memref<800x26xf32, #tpu.memory_space<vmem>>[vector<16xi32>, vector<16xi32>], vector<16xf32>,
        %parallel_loop3A_65 = arith.constant 10 : i32
        %parallel_loop3A_66 = vector.broadcast %parallel_loop3A_65 : i32 to vector<16xi32>
        %parallel_loop3A_67 = tpu.vector_load_idx %arg7[%parallel_loop3A_34, %parallel_loop3A_66] : memref<800x26xf32, #tpu.memory_space<vmem>>[vector<16xi32>, vector<16xi32>], vector<16xf32>,
        %parallel_loop3A_68 = arith.constant 11 : i32
        %parallel_loop3A_69 = vector.broadcast %parallel_loop3A_68 : i32 to vector<16xi32>
        %parallel_loop3A_70 = tpu.vector_load_idx %arg7[%parallel_loop3A_34, %parallel_loop3A_69] : memref<800x26xf32, #tpu.memory_space<vmem>>[vector<16xi32>, vector<16xi32>], vector<16xf32>,
        %parallel_loop3A_71 = arith.constant 12 : i32
        %parallel_loop3A_72 = vector.broadcast %parallel_loop3A_71 : i32 to vector<16xi32>
        %parallel_loop3A_73 = tpu.vector_load_idx %arg7[%parallel_loop3A_34, %parallel_loop3A_72] : memref<800x26xf32, #tpu.memory_space<vmem>>[vector<16xi32>, vector<16xi32>], vector<16xf32>,
        %parallel_loop3A_74 = arith.constant 13 : i32
        %parallel_loop3A_75 = vector.broadcast %parallel_loop3A_74 : i32 to vector<16xi32>
        %parallel_loop3A_76 = tpu.vector_load_idx %arg7[%parallel_loop3A_34, %parallel_loop3A_75] : memref<800x26xf32, #tpu.memory_space<vmem>>[vector<16xi32>, vector<16xi32>], vector<16xf32>,
        %parallel_loop3A_77 = arith.constant 14 : i32
        %parallel_loop3A_78 = vector.broadcast %parallel_loop3A_77 : i32 to vector<16xi32>
        %parallel_loop3A_79 = tpu.vector_load_idx %arg7[%parallel_loop3A_34, %parallel_loop3A_78] : memref<800x26xf32, #tpu.memory_space<vmem>>[vector<16xi32>, vector<16xi32>], vector<16xf32>,
        %parallel_loop3A_80 = arith.constant 15 : i32
        %parallel_loop3A_81 = vector.broadcast %parallel_loop3A_80 : i32 to vector<16xi32>
        %parallel_loop3A_82 = tpu.vector_load_idx %arg7[%parallel_loop3A_34, %parallel_loop3A_81] : memref<800x26xf32, #tpu.memory_space<vmem>>[vector<16xi32>, vector<16xi32>], vector<16xf32>,
        %parallel_loop3A_83 = arith.constant 16 : i32
        %parallel_loop3A_84 = vector.broadcast %parallel_loop3A_83 : i32 to vector<16xi32>
        %parallel_loop3A_85 = tpu.vector_load_idx %arg7[%parallel_loop3A_34, %parallel_loop3A_84] : memref<800x26xf32, #tpu.memory_space<vmem>>[vector<16xi32>, vector<16xi32>], vector<16xf32>,
        %parallel_loop3A_86 = arith.constant 17 : i32
        %parallel_loop3A_87 = vector.broadcast %parallel_loop3A_86 : i32 to vector<16xi32>
        %parallel_loop3A_88 = tpu.vector_load_idx %arg7[%parallel_loop3A_34, %parallel_loop3A_87] : memref<800x26xf32, #tpu.memory_space<vmem>>[vector<16xi32>, vector<16xi32>], vector<16xf32>,
        %parallel_loop3A_89 = arith.constant 18 : i32
        %parallel_loop3A_90 = vector.broadcast %parallel_loop3A_89 : i32 to vector<16xi32>
        %parallel_loop3A_91 = tpu.vector_load_idx %arg7[%parallel_loop3A_34, %parallel_loop3A_90] : memref<800x26xf32, #tpu.memory_space<vmem>>[vector<16xi32>, vector<16xi32>], vector<16xf32>,
        %parallel_loop3A_92 = arith.constant 19 : i32
        %parallel_loop3A_93 = vector.broadcast %parallel_loop3A_92 : i32 to vector<16xi32>
        %parallel_loop3A_94 = tpu.vector_load_idx %arg7[%parallel_loop3A_34, %parallel_loop3A_93] : memref<800x26xf32, #tpu.memory_space<vmem>>[vector<16xi32>, vector<16xi32>], vector<16xf32>,
        %parallel_loop3A_95 = arith.constant 20 : i32
        %parallel_loop3A_96 = vector.broadcast %parallel_loop3A_95 : i32 to vector<16xi32>
        %parallel_loop3A_97 = tpu.vector_load_idx %arg7[%parallel_loop3A_34, %parallel_loop3A_96] : memref<800x26xf32, #tpu.memory_space<vmem>>[vector<16xi32>, vector<16xi32>], vector<16xf32>,
        %parallel_loop3A_98 = arith.constant 21 : i32
        %parallel_loop3A_99 = vector.broadcast %parallel_loop3A_98 : i32 to vector<16xi32>
        %parallel_loop3A_100 = tpu.vector_load_idx %arg7[%parallel_loop3A_34, %parallel_loop3A_99] : memref<800x26xf32, #tpu.memory_space<vmem>>[vector<16xi32>, vector<16xi32>], vector<16xf32>,
        %parallel_loop3A_101 = arith.constant 22 : i32
        %parallel_loop3A_102 = vector.broadcast %parallel_loop3A_101 : i32 to vector<16xi32>
        %parallel_loop3A_103 = tpu.vector_load_idx %arg7[%parallel_loop3A_34, %parallel_loop3A_102] : memref<800x26xf32, #tpu.memory_space<vmem>>[vector<16xi32>, vector<16xi32>], vector<16xf32>,
        %parallel_loop3A_104 = arith.constant 23 : i32
        %parallel_loop3A_105 = vector.broadcast %parallel_loop3A_104 : i32 to vector<16xi32>
        %parallel_loop3A_106 = tpu.vector_load_idx %arg7[%parallel_loop3A_34, %parallel_loop3A_105] : memref<800x26xf32, #tpu.memory_space<vmem>>[vector<16xi32>, vector<16xi32>], vector<16xf32>,
        %parallel_loop3A_107 = arith.constant 24 : i32
        %parallel_loop3A_108 = vector.broadcast %parallel_loop3A_107 : i32 to vector<16xi32>
        %parallel_loop3A_109 = tpu.vector_load_idx %arg7[%parallel_loop3A_34, %parallel_loop3A_108] : memref<800x26xf32, #tpu.memory_space<vmem>>[vector<16xi32>, vector<16xi32>], vector<16xf32>,
        %parallel_loop3A_110 = arith.index_cast %parallel_loop3A_31 : i32 to index
        %parallel_loop3A_111 = tpu.vector_load %arg8[%parallel_loop3A_110] {strides = array<i32>} : memref<800xf32, #tpu.memory_space<vmem>>, vector<16xf32>,
        %parallel_loop3A_112 = math.exp %parallel_loop3A_37 : vector<16xf32>
        %parallel_loop3A_113 = math.exp %parallel_loop3A_40 : vector<16xf32>
        %parallel_loop3A_114 = math.exp %parallel_loop3A_43 : vector<16xf32>
        %parallel_loop3A_115 = math.exp %parallel_loop3A_46 : vector<16xf32>
        %parallel_loop3A_116 = math.exp %parallel_loop3A_49 : vector<16xf32>
        %parallel_loop3A_117 = math.exp %parallel_loop3A_52 : vector<16xf32>
        %parallel_loop3A_118 = math.exp %parallel_loop3A_55 : vector<16xf32>
        %parallel_loop3A_119 = math.exp %parallel_loop3A_58 : vector<16xf32>
        %parallel_loop3A_120 = arith.addf %parallel_loop3A_112, %parallel_loop3A_113 : vector<16xf32>
        %parallel_loop3A_121 = arith.addf %parallel_loop3A_120, %parallel_loop3A_114 : vector<16xf32>
        %parallel_loop3A_122 = arith.addf %parallel_loop3A_121, %parallel_loop3A_115 : vector<16xf32>
        %parallel_loop3A_123 = arith.addf %parallel_loop3A_122, %parallel_loop3A_116 : vector<16xf32>
        %parallel_loop3A_124 = arith.addf %parallel_loop3A_123, %parallel_loop3A_117 : vector<16xf32>
        %parallel_loop3A_125 = arith.addf %parallel_loop3A_124, %parallel_loop3A_118 : vector<16xf32>
        %parallel_loop3A_126 = arith.addf %parallel_loop3A_125, %parallel_loop3A_119 : vector<16xf32>
        %parallel_loop3A_127 = math.exp %parallel_loop3A_61 : vector<16xf32>
        %parallel_loop3A_128 = math.exp %parallel_loop3A_64 : vector<16xf32>
        %parallel_loop3A_129 = math.exp %parallel_loop3A_67 : vector<16xf32>
        %parallel_loop3A_130 = math.exp %parallel_loop3A_70 : vector<16xf32>
        %parallel_loop3A_131 = math.exp %parallel_loop3A_73 : vector<16xf32>
        %parallel_loop3A_132 = math.exp %parallel_loop3A_76 : vector<16xf32>
        %parallel_loop3A_133 = math.exp %parallel_loop3A_79 : vector<16xf32>
        %parallel_loop3A_134 = math.exp %parallel_loop3A_82 : vector<16xf32>
        %parallel_loop3A_135 = arith.addf %parallel_loop3A_127, %parallel_loop3A_128 : vector<16xf32>
        %parallel_loop3A_136 = arith.addf %parallel_loop3A_135, %parallel_loop3A_129 : vector<16xf32>
        %parallel_loop3A_137 = arith.addf %parallel_loop3A_136, %parallel_loop3A_130 : vector<16xf32>
        %parallel_loop3A_138 = arith.addf %parallel_loop3A_137, %parallel_loop3A_131 : vector<16xf32>
        %parallel_loop3A_139 = arith.addf %parallel_loop3A_138, %parallel_loop3A_132 : vector<16xf32>
        %parallel_loop3A_140 = arith.addf %parallel_loop3A_139, %parallel_loop3A_133 : vector<16xf32>
        %parallel_loop3A_141 = arith.addf %parallel_loop3A_140, %parallel_loop3A_134 : vector<16xf32>
        %parallel_loop3A_142 = arith.constant 1.984000e+00 : f32
        %parallel_loop3A_143 = vector.broadcast %parallel_loop3A_142 : f32 to vector<16xf32>
        %parallel_loop3A_144 = arith.mulf %parallel_loop3A_143, %mul3A_9 : vector<16xf32>
        %parallel_loop3A_145 = arith.divf %parallel_loop3A_144, %parallel_loop3A_126 : vector<16xf32>
        %parallel_loop3A_146 = arith.constant 1.984000e+00 : f32
        %parallel_loop3A_147 = vector.broadcast %parallel_loop3A_146 : f32 to vector<16xf32>
        %parallel_loop3A_148 = arith.mulf %parallel_loop3A_147, %mul3A_9 : vector<16xf32>
        %parallel_loop3A_149 = arith.divf %parallel_loop3A_148, %parallel_loop3A_141 : vector<16xf32>
        %parallel_loop3A_150 = arith.constant 0.000000e+00 : f32
        %parallel_loop3A_151 = vector.broadcast %parallel_loop3A_150 : f32 to vector<16xf32>
        %parallel_loop3A_152 = arith.subf %parallel_loop3A_151, %mul3A_9 : vector<16xf32>
        %parallel_loop3A_153 = arith.mulf %parallel_loop3A_145, %parallel_loop3A_112 : vector<16xf32>
        %parallel_loop3A_154 = arith.constant -9.980000e-01 : f32
        %parallel_loop3A_155 = vector.broadcast %parallel_loop3A_154 : f32 to vector<16xf32>
        %parallel_loop3A_156 = arith.mulf %parallel_loop3A_155, %mul3A_9 : vector<16xf32>
        %parallel_loop3A_157 = arith.addf %parallel_loop3A_153, %parallel_loop3A_156 : vector<16xf32>
        %parallel_loop3A_158 = arith.mulf %parallel_loop3A_145, %parallel_loop3A_120 : vector<16xf32>
        %parallel_loop3A_159 = arith.constant -0.995999991 : f32
        %parallel_loop3A_160 = vector.broadcast %parallel_loop3A_159 : f32 to vector<16xf32>
        %parallel_loop3A_161 = arith.mulf %parallel_loop3A_160, %mul3A_9 : vector<16xf32>
        %parallel_loop3A_162 = arith.addf %parallel_loop3A_158, %parallel_loop3A_161 : vector<16xf32>
        %parallel_loop3A_163 = arith.mulf %parallel_loop3A_145, %parallel_loop3A_121 : vector<16xf32>
        %parallel_loop3A_164 = arith.constant -9.940000e-01 : f32
        %parallel_loop3A_165 = vector.broadcast %parallel_loop3A_164 : f32 to vector<16xf32>
        %parallel_loop3A_166 = arith.mulf %parallel_loop3A_165, %mul3A_9 : vector<16xf32>
        %parallel_loop3A_167 = arith.addf %parallel_loop3A_163, %parallel_loop3A_166 : vector<16xf32>
        %parallel_loop3A_168 = arith.mulf %parallel_loop3A_145, %parallel_loop3A_122 : vector<16xf32>
        %parallel_loop3A_169 = arith.constant -0.991999983 : f32
        %parallel_loop3A_170 = vector.broadcast %parallel_loop3A_169 : f32 to vector<16xf32>
        %parallel_loop3A_171 = arith.mulf %parallel_loop3A_170, %mul3A_9 : vector<16xf32>
        %parallel_loop3A_172 = arith.addf %parallel_loop3A_168, %parallel_loop3A_171 : vector<16xf32>
        %parallel_loop3A_173 = arith.mulf %parallel_loop3A_145, %parallel_loop3A_123 : vector<16xf32>
        %parallel_loop3A_174 = arith.constant -9.900000e-01 : f32
        %parallel_loop3A_175 = vector.broadcast %parallel_loop3A_174 : f32 to vector<16xf32>
        %parallel_loop3A_176 = arith.mulf %parallel_loop3A_175, %mul3A_9 : vector<16xf32>
        %parallel_loop3A_177 = arith.addf %parallel_loop3A_173, %parallel_loop3A_176 : vector<16xf32>
        %parallel_loop3A_178 = arith.mulf %parallel_loop3A_145, %parallel_loop3A_124 : vector<16xf32>
        %parallel_loop3A_179 = arith.constant -0.987999975 : f32
        %parallel_loop3A_180 = vector.broadcast %parallel_loop3A_179 : f32 to vector<16xf32>
        %parallel_loop3A_181 = arith.mulf %parallel_loop3A_180, %mul3A_9 : vector<16xf32>
        %parallel_loop3A_182 = arith.addf %parallel_loop3A_178, %parallel_loop3A_181 : vector<16xf32>
        %parallel_loop3A_183 = arith.mulf %parallel_loop3A_145, %parallel_loop3A_125 : vector<16xf32>
        %parallel_loop3A_184 = arith.constant -9.860000e-01 : f32
        %parallel_loop3A_185 = vector.broadcast %parallel_loop3A_184 : f32 to vector<16xf32>
        %parallel_loop3A_186 = arith.mulf %parallel_loop3A_185, %mul3A_9 : vector<16xf32>
        %parallel_loop3A_187 = arith.addf %parallel_loop3A_183, %parallel_loop3A_186 : vector<16xf32>
        %parallel_loop3A_188 = arith.mulf %parallel_loop3A_149, %parallel_loop3A_127 : vector<16xf32>
        %parallel_loop3A_189 = arith.constant -9.980000e-01 : f32
        %parallel_loop3A_190 = vector.broadcast %parallel_loop3A_189 : f32 to vector<16xf32>
        %parallel_loop3A_191 = arith.mulf %parallel_loop3A_190, %mul3A_9 : vector<16xf32>
        %parallel_loop3A_192 = arith.addf %parallel_loop3A_188, %parallel_loop3A_191 : vector<16xf32>
        %parallel_loop3A_193 = arith.mulf %parallel_loop3A_149, %parallel_loop3A_135 : vector<16xf32>
        %parallel_loop3A_194 = arith.constant -0.995999991 : f32
        %parallel_loop3A_195 = vector.broadcast %parallel_loop3A_194 : f32 to vector<16xf32>
        %parallel_loop3A_196 = arith.mulf %parallel_loop3A_195, %mul3A_9 : vector<16xf32>
        %parallel_loop3A_197 = arith.addf %parallel_loop3A_193, %parallel_loop3A_196 : vector<16xf32>
        %parallel_loop3A_198 = arith.mulf %parallel_loop3A_149, %parallel_loop3A_136 : vector<16xf32>
        %parallel_loop3A_199 = arith.constant -9.940000e-01 : f32
        %parallel_loop3A_200 = vector.broadcast %parallel_loop3A_199 : f32 to vector<16xf32>
        %parallel_loop3A_201 = arith.mulf %parallel_loop3A_200, %mul3A_9 : vector<16xf32>
        %parallel_loop3A_202 = arith.addf %parallel_loop3A_198, %parallel_loop3A_201 : vector<16xf32>
        %parallel_loop3A_203 = arith.mulf %parallel_loop3A_149, %parallel_loop3A_137 : vector<16xf32>
        %parallel_loop3A_204 = arith.constant -0.991999983 : f32
        %parallel_loop3A_205 = vector.broadcast %parallel_loop3A_204 : f32 to vector<16xf32>
        %parallel_loop3A_206 = arith.mulf %parallel_loop3A_205, %mul3A_9 : vector<16xf32>
        %parallel_loop3A_207 = arith.addf %parallel_loop3A_203, %parallel_loop3A_206 : vector<16xf32>
        %parallel_loop3A_208 = arith.mulf %parallel_loop3A_149, %parallel_loop3A_138 : vector<16xf32>
        %parallel_loop3A_209 = arith.constant -9.900000e-01 : f32
        %parallel_loop3A_210 = vector.broadcast %parallel_loop3A_209 : f32 to vector<16xf32>
        %parallel_loop3A_211 = arith.mulf %parallel_loop3A_210, %mul3A_9 : vector<16xf32>
        %parallel_loop3A_212 = arith.addf %parallel_loop3A_208, %parallel_loop3A_211 : vector<16xf32>
        %parallel_loop3A_213 = arith.mulf %parallel_loop3A_149, %parallel_loop3A_139 : vector<16xf32>
        %parallel_loop3A_214 = arith.constant -0.987999975 : f32
        %parallel_loop3A_215 = vector.broadcast %parallel_loop3A_214 : f32 to vector<16xf32>
        %parallel_loop3A_216 = arith.mulf %parallel_loop3A_215, %mul3A_9 : vector<16xf32>
        %parallel_loop3A_217 = arith.addf %parallel_loop3A_213, %parallel_loop3A_216 : vector<16xf32>
        %parallel_loop3A_218 = arith.mulf %parallel_loop3A_149, %parallel_loop3A_140 : vector<16xf32>
        %parallel_loop3A_219 = arith.constant -9.860000e-01 : f32
        %parallel_loop3A_220 = vector.broadcast %parallel_loop3A_219 : f32 to vector<16xf32>
        %parallel_loop3A_221 = arith.mulf %parallel_loop3A_220, %mul3A_9 : vector<16xf32>
        %parallel_loop3A_222 = arith.addf %parallel_loop3A_218, %parallel_loop3A_221 : vector<16xf32>
        %parallel_loop3A_223 = arith.maximumf %parallel_loop3A_152, %parallel_loop3A_111 : vector<16xf32>
        %parallel_loop3A_224 = arith.minimumf %mul3A_9, %parallel_loop3A_223 : vector<16xf32>
        %parallel_loop3A_225 = arith.cmpf oge, %parallel_loop3A_224, %parallel_loop3A_157 : vector<16xf32>
        %parallel_loop3A_226 = arith.cmpf oge, %parallel_loop3A_224, %parallel_loop3A_162 : vector<16xf32>
        %parallel_loop3A_227 = arith.cmpf oge, %parallel_loop3A_224, %parallel_loop3A_167 : vector<16xf32>
        %parallel_loop3A_228 = arith.cmpf oge, %parallel_loop3A_224, %parallel_loop3A_172 : vector<16xf32>
        %parallel_loop3A_229 = arith.cmpf oge, %parallel_loop3A_224, %parallel_loop3A_177 : vector<16xf32>
        %parallel_loop3A_230 = arith.cmpf oge, %parallel_loop3A_224, %parallel_loop3A_182 : vector<16xf32>
        %parallel_loop3A_231 = arith.cmpf oge, %parallel_loop3A_224, %parallel_loop3A_187 : vector<16xf32>
        %parallel_loop3A_232 = arith.select %parallel_loop3A_225, %parallel_loop3A_157, %parallel_loop3A_152 : vector<16xi1>, vector<16xf32>
        %parallel_loop3A_233 = arith.select %parallel_loop3A_226, %parallel_loop3A_162, %parallel_loop3A_232 : vector<16xi1>, vector<16xf32>
        %parallel_loop3A_234 = arith.select %parallel_loop3A_227, %parallel_loop3A_167, %parallel_loop3A_233 : vector<16xi1>, vector<16xf32>
        %parallel_loop3A_235 = arith.select %parallel_loop3A_228, %parallel_loop3A_172, %parallel_loop3A_234 : vector<16xi1>, vector<16xf32>
        %parallel_loop3A_236 = arith.select %parallel_loop3A_229, %parallel_loop3A_177, %parallel_loop3A_235 : vector<16xi1>, vector<16xf32>
        %parallel_loop3A_237 = arith.select %parallel_loop3A_230, %parallel_loop3A_182, %parallel_loop3A_236 : vector<16xi1>, vector<16xf32>
        %parallel_loop3A_238 = arith.select %parallel_loop3A_231, %parallel_loop3A_187, %parallel_loop3A_237 : vector<16xi1>, vector<16xf32>
        %parallel_loop3A_239 = arith.select %parallel_loop3A_225, %parallel_loop3A_162, %parallel_loop3A_157 : vector<16xi1>, vector<16xf32>
        %parallel_loop3A_240 = arith.select %parallel_loop3A_226, %parallel_loop3A_167, %parallel_loop3A_239 : vector<16xi1>, vector<16xf32>
        %parallel_loop3A_241 = arith.select %parallel_loop3A_227, %parallel_loop3A_172, %parallel_loop3A_240 : vector<16xi1>, vector<16xf32>
        %parallel_loop3A_242 = arith.select %parallel_loop3A_228, %parallel_loop3A_177, %parallel_loop3A_241 : vector<16xi1>, vector<16xf32>
        %parallel_loop3A_243 = arith.select %parallel_loop3A_229, %parallel_loop3A_182, %parallel_loop3A_242 : vector<16xi1>, vector<16xf32>
        %parallel_loop3A_244 = arith.select %parallel_loop3A_230, %parallel_loop3A_187, %parallel_loop3A_243 : vector<16xi1>, vector<16xf32>
        %parallel_loop3A_245 = arith.select %parallel_loop3A_231, %mul3A_9, %parallel_loop3A_244 : vector<16xi1>, vector<16xf32>
        %parallel_loop3A_246 = arith.select %parallel_loop3A_225, %parallel_loop3A_192, %parallel_loop3A_152 : vector<16xi1>, vector<16xf32>
        %parallel_loop3A_247 = arith.select %parallel_loop3A_226, %parallel_loop3A_197, %parallel_loop3A_246 : vector<16xi1>, vector<16xf32>
        %parallel_loop3A_248 = arith.select %parallel_loop3A_227, %parallel_loop3A_202, %parallel_loop3A_247 : vector<16xi1>, vector<16xf32>
        %parallel_loop3A_249 = arith.select %parallel_loop3A_228, %parallel_loop3A_207, %parallel_loop3A_248 : vector<16xi1>, vector<16xf32>
        %parallel_loop3A_250 = arith.select %parallel_loop3A_229, %parallel_loop3A_212, %parallel_loop3A_249 : vector<16xi1>, vector<16xf32>
        %parallel_loop3A_251 = arith.select %parallel_loop3A_230, %parallel_loop3A_217, %parallel_loop3A_250 : vector<16xi1>, vector<16xf32>
        %parallel_loop3A_252 = arith.select %parallel_loop3A_231, %parallel_loop3A_222, %parallel_loop3A_251 : vector<16xi1>, vector<16xf32>
        %parallel_loop3A_253 = arith.select %parallel_loop3A_225, %parallel_loop3A_197, %parallel_loop3A_192 : vector<16xi1>, vector<16xf32>
        %parallel_loop3A_254 = arith.select %parallel_loop3A_226, %parallel_loop3A_202, %parallel_loop3A_253 : vector<16xi1>, vector<16xf32>
        %parallel_loop3A_255 = arith.select %parallel_loop3A_227, %parallel_loop3A_207, %parallel_loop3A_254 : vector<16xi1>, vector<16xf32>
        %parallel_loop3A_256 = arith.select %parallel_loop3A_228, %parallel_loop3A_212, %parallel_loop3A_255 : vector<16xi1>, vector<16xf32>
        %parallel_loop3A_257 = arith.select %parallel_loop3A_229, %parallel_loop3A_217, %parallel_loop3A_256 : vector<16xi1>, vector<16xf32>
        %parallel_loop3A_258 = arith.select %parallel_loop3A_230, %parallel_loop3A_222, %parallel_loop3A_257 : vector<16xi1>, vector<16xf32>
        %parallel_loop3A_259 = arith.select %parallel_loop3A_231, %mul3A_9, %parallel_loop3A_258 : vector<16xi1>, vector<16xf32>
        %parallel_loop3A_260 = arith.select %parallel_loop3A_225, %parallel_loop3A_88, %parallel_loop3A_85 : vector<16xi1>, vector<16xf32>
        %parallel_loop3A_261 = arith.select %parallel_loop3A_226, %parallel_loop3A_91, %parallel_loop3A_260 : vector<16xi1>, vector<16xf32>
        %parallel_loop3A_262 = arith.select %parallel_loop3A_227, %parallel_loop3A_94, %parallel_loop3A_261 : vector<16xi1>, vector<16xf32>
        %parallel_loop3A_263 = arith.select %parallel_loop3A_228, %parallel_loop3A_97, %parallel_loop3A_262 : vector<16xi1>, vector<16xf32>
        %parallel_loop3A_264 = arith.select %parallel_loop3A_229, %parallel_loop3A_100, %parallel_loop3A_263 : vector<16xi1>, vector<16xf32>
        %parallel_loop3A_265 = arith.select %parallel_loop3A_230, %parallel_loop3A_103, %parallel_loop3A_264 : vector<16xi1>, vector<16xf32>
        %parallel_loop3A_266 = arith.select %parallel_loop3A_231, %parallel_loop3A_106, %parallel_loop3A_265 : vector<16xi1>, vector<16xf32>
        %parallel_loop3A_267 = arith.select %parallel_loop3A_225, %parallel_loop3A_91, %parallel_loop3A_88 : vector<16xi1>, vector<16xf32>
        %parallel_loop3A_268 = arith.select %parallel_loop3A_226, %parallel_loop3A_94, %parallel_loop3A_267 : vector<16xi1>, vector<16xf32>
        %parallel_loop3A_269 = arith.select %parallel_loop3A_227, %parallel_loop3A_97, %parallel_loop3A_268 : vector<16xi1>, vector<16xf32>
        %parallel_loop3A_270 = arith.select %parallel_loop3A_228, %parallel_loop3A_100, %parallel_loop3A_269 : vector<16xi1>, vector<16xf32>
        %parallel_loop3A_271 = arith.select %parallel_loop3A_229, %parallel_loop3A_103, %parallel_loop3A_270 : vector<16xi1>, vector<16xf32>
        %parallel_loop3A_272 = arith.select %parallel_loop3A_230, %parallel_loop3A_106, %parallel_loop3A_271 : vector<16xi1>, vector<16xf32>
        %parallel_loop3A_273 = arith.select %parallel_loop3A_231, %parallel_loop3A_109, %parallel_loop3A_272 : vector<16xi1>, vector<16xf32>
        %parallel_loop3A_274 = arith.subf %parallel_loop3A_245, %parallel_loop3A_238 : vector<16xf32>
        %parallel_loop3A_275 = arith.subf %parallel_loop3A_259, %parallel_loop3A_252 : vector<16xf32>
        %parallel_loop3A_276 = arith.divf %parallel_loop3A_275, %parallel_loop3A_274 : vector<16xf32>
        %parallel_loop3A_277 = arith.constant 0.000000e+00 : f32
        %parallel_loop3A_278 = vector.broadcast %parallel_loop3A_277 : f32 to vector<16xf32>
        %parallel_loop3A_279 = arith.maximumf %parallel_loop3A_266, %parallel_loop3A_278 : vector<16xf32>
        %parallel_loop3A_280 = math.absf %parallel_loop3A_266 : vector<16xf32>
        %parallel_loop3A_281 = arith.constant 0.000000e+00 : f32
        %parallel_loop3A_282 = vector.broadcast %parallel_loop3A_281 : f32 to vector<16xf32>
        %parallel_loop3A_283 = arith.subf %parallel_loop3A_282, %parallel_loop3A_280 : vector<16xf32>
        %parallel_loop3A_284 = math.exp %parallel_loop3A_283 : vector<16xf32>
        %parallel_loop3A_285 = arith.constant 1.000000e+00 : f32
        %parallel_loop3A_286 = vector.broadcast %parallel_loop3A_285 : f32 to vector<16xf32>
        %parallel_loop3A_287 = arith.addf %parallel_loop3A_286, %parallel_loop3A_284 : vector<16xf32>
        %parallel_loop3A_288 = tpu.bitcast %parallel_loop3A_287 : vector<16xf32> -> vector<16xi32>
        %parallel_loop3A_289 = arith.constant 23 : i32
        %parallel_loop3A_290 = vector.broadcast %parallel_loop3A_289 : i32 to vector<16xi32>
        %parallel_loop3A_291 = arith.shrui %parallel_loop3A_288, %parallel_loop3A_290 : vector<16xi32>
        %parallel_loop3A_292 = arith.constant 255 : i32
        %parallel_loop3A_293 = vector.broadcast %parallel_loop3A_292 : i32 to vector<16xi32>
        %parallel_loop3A_294 = arith.andi %parallel_loop3A_291, %parallel_loop3A_293 : vector<16xi32>
        %parallel_loop3A_295 = arith.constant 127 : i32
        %parallel_loop3A_296 = vector.broadcast %parallel_loop3A_295 : i32 to vector<16xi32>
        %parallel_loop3A_297 = arith.subi %parallel_loop3A_294, %parallel_loop3A_296 : vector<16xi32>
        %parallel_loop3A_298 = arith.constant 8388607 : i32
        %parallel_loop3A_299 = vector.broadcast %parallel_loop3A_298 : i32 to vector<16xi32>
        %parallel_loop3A_300 = arith.andi %parallel_loop3A_288, %parallel_loop3A_299 : vector<16xi32>
        %parallel_loop3A_301 = arith.constant 1065353216 : i32
        %parallel_loop3A_302 = vector.broadcast %parallel_loop3A_301 : i32 to vector<16xi32>
        %parallel_loop3A_303 = arith.ori %parallel_loop3A_300, %parallel_loop3A_302 : vector<16xi32>
        %parallel_loop3A_304 = tpu.bitcast %parallel_loop3A_303 : vector<16xi32> -> vector<16xf32>
        %parallel_loop3A_305 = arith.constant 1.41421354 : f32
        %parallel_loop3A_306 = vector.broadcast %parallel_loop3A_305 : f32 to vector<16xf32>
        %parallel_loop3A_307 = arith.cmpf ogt, %parallel_loop3A_304, %parallel_loop3A_306 : vector<16xf32>
        %parallel_loop3A_308 = arith.constant 5.000000e-01 : f32
        %parallel_loop3A_309 = vector.broadcast %parallel_loop3A_308 : f32 to vector<16xf32>
        %parallel_loop3A_310 = arith.mulf %parallel_loop3A_304, %parallel_loop3A_309 : vector<16xf32>
        %parallel_loop3A_311 = arith.select %parallel_loop3A_307, %parallel_loop3A_310, %parallel_loop3A_304 : vector<16xi1>, vector<16xf32>
        %parallel_loop3A_312 = arith.constant 1 : i32
        %parallel_loop3A_313 = vector.broadcast %parallel_loop3A_312 : i32 to vector<16xi32>
        %parallel_loop3A_314 = arith.addi %parallel_loop3A_297, %parallel_loop3A_313 : vector<16xi32>
        %parallel_loop3A_315 = arith.select %parallel_loop3A_307, %parallel_loop3A_314, %parallel_loop3A_297 : vector<16xi1>, vector<16xi32>
        %parallel_loop3A_316 = arith.constant 1.000000e+00 : f32
        %parallel_loop3A_317 = vector.broadcast %parallel_loop3A_316 : f32 to vector<16xf32>
        %parallel_loop3A_318 = arith.subf %parallel_loop3A_311, %parallel_loop3A_317 : vector<16xf32>
        %parallel_loop3A_319 = arith.constant 1.000000e+00 : f32
        %parallel_loop3A_320 = vector.broadcast %parallel_loop3A_319 : f32 to vector<16xf32>
        %parallel_loop3A_321 = arith.addf %parallel_loop3A_311, %parallel_loop3A_320 : vector<16xf32>
        %parallel_loop3A_322 = arith.divf %parallel_loop3A_318, %parallel_loop3A_321 : vector<16xf32>
        %parallel_loop3A_323 = arith.mulf %parallel_loop3A_322, %parallel_loop3A_322 : vector<16xf32>
        %parallel_loop3A_324 = arith.constant 2.000000e+00 : f32
        %parallel_loop3A_325 = vector.broadcast %parallel_loop3A_324 : f32 to vector<16xf32>
        %parallel_loop3A_326 = arith.mulf %parallel_loop3A_325, %parallel_loop3A_322 : vector<16xf32>
        %parallel_loop3A_327 = arith.constant 0.142857149 : f32
        %parallel_loop3A_328 = vector.broadcast %parallel_loop3A_327 : f32 to vector<16xf32>
        %parallel_loop3A_329 = arith.mulf %parallel_loop3A_323, %parallel_loop3A_328 : vector<16xf32>
        %parallel_loop3A_330 = arith.constant 2.000000e-01 : f32
        %parallel_loop3A_331 = vector.broadcast %parallel_loop3A_330 : f32 to vector<16xf32>
        %parallel_loop3A_332 = arith.addf %parallel_loop3A_331, %parallel_loop3A_329 : vector<16xf32>
        %parallel_loop3A_333 = arith.mulf %parallel_loop3A_323, %parallel_loop3A_332 : vector<16xf32>
        %parallel_loop3A_334 = arith.constant 0.333333343 : f32
        %parallel_loop3A_335 = vector.broadcast %parallel_loop3A_334 : f32 to vector<16xf32>
        %parallel_loop3A_336 = arith.addf %parallel_loop3A_335, %parallel_loop3A_333 : vector<16xf32>
        %parallel_loop3A_337 = arith.mulf %parallel_loop3A_323, %parallel_loop3A_336 : vector<16xf32>
        %parallel_loop3A_338 = arith.constant 1.000000e+00 : f32
        %parallel_loop3A_339 = vector.broadcast %parallel_loop3A_338 : f32 to vector<16xf32>
        %parallel_loop3A_340 = arith.addf %parallel_loop3A_339, %parallel_loop3A_337 : vector<16xf32>
        %parallel_loop3A_341 = arith.mulf %parallel_loop3A_326, %parallel_loop3A_340 : vector<16xf32>
        %parallel_loop3A_342 = arith.sitofp %parallel_loop3A_315 : vector<16xi32> to vector<16xf32>
        %parallel_loop3A_343 = arith.constant 0.693147182 : f32
        %parallel_loop3A_344 = vector.broadcast %parallel_loop3A_343 : f32 to vector<16xf32>
        %parallel_loop3A_345 = arith.mulf %parallel_loop3A_342, %parallel_loop3A_344 : vector<16xf32>
        %parallel_loop3A_346 = arith.addf %parallel_loop3A_345, %parallel_loop3A_341 : vector<16xf32>
        %parallel_loop3A_347 = arith.addf %parallel_loop3A_279, %parallel_loop3A_346 : vector<16xf32>
        %parallel_loop3A_348 = arith.constant 1.000000e-03 : f32
        %parallel_loop3A_349 = vector.broadcast %parallel_loop3A_348 : f32 to vector<16xf32>
        %parallel_loop3A_350 = arith.addf %parallel_loop3A_349, %parallel_loop3A_347 : vector<16xf32>
        %parallel_loop3A_351 = arith.constant 0.000000e+00 : f32
        %parallel_loop3A_352 = vector.broadcast %parallel_loop3A_351 : f32 to vector<16xf32>
        %parallel_loop3A_353 = arith.maximumf %parallel_loop3A_273, %parallel_loop3A_352 : vector<16xf32>
        %parallel_loop3A_354 = math.absf %parallel_loop3A_273 : vector<16xf32>
        %parallel_loop3A_355 = arith.constant 0.000000e+00 : f32
        %parallel_loop3A_356 = vector.broadcast %parallel_loop3A_355 : f32 to vector<16xf32>
        %parallel_loop3A_357 = arith.subf %parallel_loop3A_356, %parallel_loop3A_354 : vector<16xf32>
        %parallel_loop3A_358 = math.exp %parallel_loop3A_357 : vector<16xf32>
        %parallel_loop3A_359 = arith.constant 1.000000e+00 : f32
        %parallel_loop3A_360 = vector.broadcast %parallel_loop3A_359 : f32 to vector<16xf32>
        %parallel_loop3A_361 = arith.addf %parallel_loop3A_360, %parallel_loop3A_358 : vector<16xf32>
        %parallel_loop3A_362 = tpu.bitcast %parallel_loop3A_361 : vector<16xf32> -> vector<16xi32>
        %parallel_loop3A_363 = arith.constant 23 : i32
        %parallel_loop3A_364 = vector.broadcast %parallel_loop3A_363 : i32 to vector<16xi32>
        %parallel_loop3A_365 = arith.shrui %parallel_loop3A_362, %parallel_loop3A_364 : vector<16xi32>
        %parallel_loop3A_366 = arith.constant 255 : i32
        %parallel_loop3A_367 = vector.broadcast %parallel_loop3A_366 : i32 to vector<16xi32>
        %parallel_loop3A_368 = arith.andi %parallel_loop3A_365, %parallel_loop3A_367 : vector<16xi32>
        %parallel_loop3A_369 = arith.constant 127 : i32
        %parallel_loop3A_370 = vector.broadcast %parallel_loop3A_369 : i32 to vector<16xi32>
        %parallel_loop3A_371 = arith.subi %parallel_loop3A_368, %parallel_loop3A_370 : vector<16xi32>
        %parallel_loop3A_372 = arith.constant 8388607 : i32
        %parallel_loop3A_373 = vector.broadcast %parallel_loop3A_372 : i32 to vector<16xi32>
        %parallel_loop3A_374 = arith.andi %parallel_loop3A_362, %parallel_loop3A_373 : vector<16xi32>
        %parallel_loop3A_375 = arith.constant 1065353216 : i32
        %parallel_loop3A_376 = vector.broadcast %parallel_loop3A_375 : i32 to vector<16xi32>
        %parallel_loop3A_377 = arith.ori %parallel_loop3A_374, %parallel_loop3A_376 : vector<16xi32>
        %parallel_loop3A_378 = tpu.bitcast %parallel_loop3A_377 : vector<16xi32> -> vector<16xf32>
        %parallel_loop3A_379 = arith.constant 1.41421354 : f32
        %parallel_loop3A_380 = vector.broadcast %parallel_loop3A_379 : f32 to vector<16xf32>
        %parallel_loop3A_381 = arith.cmpf ogt, %parallel_loop3A_378, %parallel_loop3A_380 : vector<16xf32>
        %parallel_loop3A_382 = arith.constant 5.000000e-01 : f32
        %parallel_loop3A_383 = vector.broadcast %parallel_loop3A_382 : f32 to vector<16xf32>
        %parallel_loop3A_384 = arith.mulf %parallel_loop3A_378, %parallel_loop3A_383 : vector<16xf32>
        %parallel_loop3A_385 = arith.select %parallel_loop3A_381, %parallel_loop3A_384, %parallel_loop3A_378 : vector<16xi1>, vector<16xf32>
        %parallel_loop3A_386 = arith.constant 1 : i32
        %parallel_loop3A_387 = vector.broadcast %parallel_loop3A_386 : i32 to vector<16xi32>
        %parallel_loop3A_388 = arith.addi %parallel_loop3A_371, %parallel_loop3A_387 : vector<16xi32>
        %parallel_loop3A_389 = arith.select %parallel_loop3A_381, %parallel_loop3A_388, %parallel_loop3A_371 : vector<16xi1>, vector<16xi32>
        %parallel_loop3A_390 = arith.constant 1.000000e+00 : f32
        %parallel_loop3A_391 = vector.broadcast %parallel_loop3A_390 : f32 to vector<16xf32>
        %parallel_loop3A_392 = arith.subf %parallel_loop3A_385, %parallel_loop3A_391 : vector<16xf32>
        %parallel_loop3A_393 = arith.constant 1.000000e+00 : f32
        %parallel_loop3A_394 = vector.broadcast %parallel_loop3A_393 : f32 to vector<16xf32>
        %parallel_loop3A_395 = arith.addf %parallel_loop3A_385, %parallel_loop3A_394 : vector<16xf32>
        %parallel_loop3A_396 = arith.divf %parallel_loop3A_392, %parallel_loop3A_395 : vector<16xf32>
        %parallel_loop3A_397 = arith.mulf %parallel_loop3A_396, %parallel_loop3A_396 : vector<16xf32>
        %parallel_loop3A_398 = arith.constant 2.000000e+00 : f32
        %parallel_loop3A_399 = vector.broadcast %parallel_loop3A_398 : f32 to vector<16xf32>
        %parallel_loop3A_400 = arith.mulf %parallel_loop3A_399, %parallel_loop3A_396 : vector<16xf32>
        %parallel_loop3A_401 = arith.constant 0.142857149 : f32
        %parallel_loop3A_402 = vector.broadcast %parallel_loop3A_401 : f32 to vector<16xf32>
        %parallel_loop3A_403 = arith.mulf %parallel_loop3A_397, %parallel_loop3A_402 : vector<16xf32>
        %parallel_loop3A_404 = arith.constant 2.000000e-01 : f32
        %parallel_loop3A_405 = vector.broadcast %parallel_loop3A_404 : f32 to vector<16xf32>
        %parallel_loop3A_406 = arith.addf %parallel_loop3A_405, %parallel_loop3A_403 : vector<16xf32>
        %parallel_loop3A_407 = arith.mulf %parallel_loop3A_397, %parallel_loop3A_406 : vector<16xf32>
        %parallel_loop3A_408 = arith.constant 0.333333343 : f32
        %parallel_loop3A_409 = vector.broadcast %parallel_loop3A_408 : f32 to vector<16xf32>
        %parallel_loop3A_410 = arith.addf %parallel_loop3A_409, %parallel_loop3A_407 : vector<16xf32>
        %parallel_loop3A_411 = arith.mulf %parallel_loop3A_397, %parallel_loop3A_410 : vector<16xf32>
        %parallel_loop3A_412 = arith.constant 1.000000e+00 : f32
        %parallel_loop3A_413 = vector.broadcast %parallel_loop3A_412 : f32 to vector<16xf32>
        %parallel_loop3A_414 = arith.addf %parallel_loop3A_413, %parallel_loop3A_411 : vector<16xf32>
        %parallel_loop3A_415 = arith.mulf %parallel_loop3A_400, %parallel_loop3A_414 : vector<16xf32>
        %parallel_loop3A_416 = arith.sitofp %parallel_loop3A_389 : vector<16xi32> to vector<16xf32>
        %parallel_loop3A_417 = arith.constant 0.693147182 : f32
        %parallel_loop3A_418 = vector.broadcast %parallel_loop3A_417 : f32 to vector<16xf32>
        %parallel_loop3A_419 = arith.mulf %parallel_loop3A_416, %parallel_loop3A_418 : vector<16xf32>
        %parallel_loop3A_420 = arith.addf %parallel_loop3A_419, %parallel_loop3A_415 : vector<16xf32>
        %parallel_loop3A_421 = arith.addf %parallel_loop3A_353, %parallel_loop3A_420 : vector<16xf32>
        %parallel_loop3A_422 = arith.constant 1.000000e-03 : f32
        %parallel_loop3A_423 = vector.broadcast %parallel_loop3A_422 : f32 to vector<16xf32>
        %parallel_loop3A_424 = arith.addf %parallel_loop3A_423, %parallel_loop3A_421 : vector<16xf32>
        %parallel_loop3A_425 = arith.subf %parallel_loop3A_224, %parallel_loop3A_238 : vector<16xf32>
        %parallel_loop3A_426 = arith.divf %parallel_loop3A_425, %parallel_loop3A_274 : vector<16xf32>
        %parallel_loop3A_427 = arith.constant 1.000000e+00 : f32
        %parallel_loop3A_428 = vector.broadcast %parallel_loop3A_427 : f32 to vector<16xf32>
        %parallel_loop3A_429 = arith.subf %parallel_loop3A_428, %parallel_loop3A_426 : vector<16xf32>
        %parallel_loop3A_430 = arith.mulf %parallel_loop3A_426, %parallel_loop3A_429 : vector<16xf32>
        %parallel_loop3A_431 = arith.mulf %parallel_loop3A_426, %parallel_loop3A_426 : vector<16xf32>
        %parallel_loop3A_432 = arith.mulf %parallel_loop3A_276, %parallel_loop3A_431 : vector<16xf32>
        %parallel_loop3A_433 = arith.mulf %parallel_loop3A_350, %parallel_loop3A_430 : vector<16xf32>
        %parallel_loop3A_434 = arith.addf %parallel_loop3A_432, %parallel_loop3A_433 : vector<16xf32>
        %parallel_loop3A_435 = arith.mulf %parallel_loop3A_275, %parallel_loop3A_434 : vector<16xf32>
        %parallel_loop3A_436 = arith.addf %parallel_loop3A_350, %parallel_loop3A_424 : vector<16xf32>
        %parallel_loop3A_437 = arith.constant 2.000000e+00 : f32
        %parallel_loop3A_438 = vector.broadcast %parallel_loop3A_437 : f32 to vector<16xf32>
        %parallel_loop3A_439 = arith.mulf %parallel_loop3A_438, %parallel_loop3A_276 : vector<16xf32>
        %parallel_loop3A_440 = arith.subf %parallel_loop3A_436, %parallel_loop3A_439 : vector<16xf32>
        %parallel_loop3A_441 = arith.mulf %parallel_loop3A_440, %parallel_loop3A_430 : vector<16xf32>
        %parallel_loop3A_442 = arith.addf %parallel_loop3A_276, %parallel_loop3A_441 : vector<16xf32>
        %parallel_loop3A_443 = arith.divf %parallel_loop3A_435, %parallel_loop3A_442 : vector<16xf32>
        %parallel_loop3A_444 = arith.addf %parallel_loop3A_252, %parallel_loop3A_443 : vector<16xf32>
        %parallel_loop3A_445 = arith.mulf %parallel_loop3A_276, %parallel_loop3A_276 : vector<16xf32>
        %parallel_loop3A_446 = arith.mulf %parallel_loop3A_424, %parallel_loop3A_431 : vector<16xf32>
        %parallel_loop3A_447 = arith.constant 2.000000e+00 : f32
        %parallel_loop3A_448 = vector.broadcast %parallel_loop3A_447 : f32 to vector<16xf32>
        %parallel_loop3A_449 = arith.mulf %parallel_loop3A_448, %parallel_loop3A_276 : vector<16xf32>
        %parallel_loop3A_450 = arith.mulf %parallel_loop3A_449, %parallel_loop3A_430 : vector<16xf32>
        %parallel_loop3A_451 = arith.addf %parallel_loop3A_446, %parallel_loop3A_450 : vector<16xf32>
        %parallel_loop3A_452 = arith.mulf %parallel_loop3A_350, %parallel_loop3A_429 : vector<16xf32>
        %parallel_loop3A_453 = arith.mulf %parallel_loop3A_452, %parallel_loop3A_429 : vector<16xf32>
        %parallel_loop3A_454 = arith.addf %parallel_loop3A_451, %parallel_loop3A_453 : vector<16xf32>
        %parallel_loop3A_455 = arith.mulf %parallel_loop3A_445, %parallel_loop3A_454 : vector<16xf32>
        %parallel_loop3A_456 = arith.mulf %parallel_loop3A_442, %parallel_loop3A_442 : vector<16xf32>
        %parallel_loop3A_457 = arith.divf %parallel_loop3A_455, %parallel_loop3A_456 : vector<16xf32>
        %parallel_loop3A_458 = tpu.bitcast %parallel_loop3A_457 : vector<16xf32> -> vector<16xi32>
        %parallel_loop3A_459 = arith.constant 23 : i32
        %parallel_loop3A_460 = vector.broadcast %parallel_loop3A_459 : i32 to vector<16xi32>
        %parallel_loop3A_461 = arith.shrui %parallel_loop3A_458, %parallel_loop3A_460 : vector<16xi32>
        %parallel_loop3A_462 = arith.constant 255 : i32
        %parallel_loop3A_463 = vector.broadcast %parallel_loop3A_462 : i32 to vector<16xi32>
        %parallel_loop3A_464 = arith.andi %parallel_loop3A_461, %parallel_loop3A_463 : vector<16xi32>
        %parallel_loop3A_465 = arith.constant 127 : i32
        %parallel_loop3A_466 = vector.broadcast %parallel_loop3A_465 : i32 to vector<16xi32>
        %parallel_loop3A_467 = arith.subi %parallel_loop3A_464, %parallel_loop3A_466 : vector<16xi32>
        %parallel_loop3A_468 = arith.constant 8388607 : i32
        %parallel_loop3A_469 = vector.broadcast %parallel_loop3A_468 : i32 to vector<16xi32>
        %parallel_loop3A_470 = arith.andi %parallel_loop3A_458, %parallel_loop3A_469 : vector<16xi32>
        %parallel_loop3A_471 = arith.constant 1065353216 : i32
        %parallel_loop3A_472 = vector.broadcast %parallel_loop3A_471 : i32 to vector<16xi32>
        %parallel_loop3A_473 = arith.ori %parallel_loop3A_470, %parallel_loop3A_472 : vector<16xi32>
        %parallel_loop3A_474 = tpu.bitcast %parallel_loop3A_473 : vector<16xi32> -> vector<16xf32>
        %parallel_loop3A_475 = arith.constant 1.41421354 : f32
        %parallel_loop3A_476 = vector.broadcast %parallel_loop3A_475 : f32 to vector<16xf32>
        %parallel_loop3A_477 = arith.cmpf ogt, %parallel_loop3A_474, %parallel_loop3A_476 : vector<16xf32>
        %parallel_loop3A_478 = arith.constant 5.000000e-01 : f32
        %parallel_loop3A_479 = vector.broadcast %parallel_loop3A_478 : f32 to vector<16xf32>
        %parallel_loop3A_480 = arith.mulf %parallel_loop3A_474, %parallel_loop3A_479 : vector<16xf32>
        %parallel_loop3A_481 = arith.select %parallel_loop3A_477, %parallel_loop3A_480, %parallel_loop3A_474 : vector<16xi1>, vector<16xf32>
        %parallel_loop3A_482 = arith.constant 1 : i32
        %parallel_loop3A_483 = vector.broadcast %parallel_loop3A_482 : i32 to vector<16xi32>
        %parallel_loop3A_484 = arith.addi %parallel_loop3A_467, %parallel_loop3A_483 : vector<16xi32>
        %parallel_loop3A_485 = arith.select %parallel_loop3A_477, %parallel_loop3A_484, %parallel_loop3A_467 : vector<16xi1>, vector<16xi32>
        %parallel_loop3A_486 = arith.constant 1.000000e+00 : f32
        %parallel_loop3A_487 = vector.broadcast %parallel_loop3A_486 : f32 to vector<16xf32>
        %parallel_loop3A_488 = arith.subf %parallel_loop3A_481, %parallel_loop3A_487 : vector<16xf32>
        %parallel_loop3A_489 = arith.constant 1.000000e+00 : f32
        %parallel_loop3A_490 = vector.broadcast %parallel_loop3A_489 : f32 to vector<16xf32>
        %parallel_loop3A_491 = arith.addf %parallel_loop3A_481, %parallel_loop3A_490 : vector<16xf32>
        %parallel_loop3A_492 = arith.divf %parallel_loop3A_488, %parallel_loop3A_491 : vector<16xf32>
        %parallel_loop3A_493 = arith.mulf %parallel_loop3A_492, %parallel_loop3A_492 : vector<16xf32>
        %parallel_loop3A_494 = arith.constant 2.000000e+00 : f32
        %parallel_loop3A_495 = vector.broadcast %parallel_loop3A_494 : f32 to vector<16xf32>
        %parallel_loop3A_496 = arith.mulf %parallel_loop3A_495, %parallel_loop3A_492 : vector<16xf32>
        %parallel_loop3A_497 = arith.constant 0.142857149 : f32
        %parallel_loop3A_498 = vector.broadcast %parallel_loop3A_497 : f32 to vector<16xf32>
        %parallel_loop3A_499 = arith.mulf %parallel_loop3A_493, %parallel_loop3A_498 : vector<16xf32>
        %parallel_loop3A_500 = arith.constant 2.000000e-01 : f32
        %parallel_loop3A_501 = vector.broadcast %parallel_loop3A_500 : f32 to vector<16xf32>
        %parallel_loop3A_502 = arith.addf %parallel_loop3A_501, %parallel_loop3A_499 : vector<16xf32>
        %parallel_loop3A_503 = arith.mulf %parallel_loop3A_493, %parallel_loop3A_502 : vector<16xf32>
        %parallel_loop3A_504 = arith.constant 0.333333343 : f32
        %parallel_loop3A_505 = vector.broadcast %parallel_loop3A_504 : f32 to vector<16xf32>
        %parallel_loop3A_506 = arith.addf %parallel_loop3A_505, %parallel_loop3A_503 : vector<16xf32>
        %parallel_loop3A_507 = arith.mulf %parallel_loop3A_493, %parallel_loop3A_506 : vector<16xf32>
        %parallel_loop3A_508 = arith.constant 1.000000e+00 : f32
        %parallel_loop3A_509 = vector.broadcast %parallel_loop3A_508 : f32 to vector<16xf32>
        %parallel_loop3A_510 = arith.addf %parallel_loop3A_509, %parallel_loop3A_507 : vector<16xf32>
        %parallel_loop3A_511 = arith.mulf %parallel_loop3A_496, %parallel_loop3A_510 : vector<16xf32>
        %parallel_loop3A_512 = arith.sitofp %parallel_loop3A_485 : vector<16xi32> to vector<16xf32>
        %parallel_loop3A_513 = arith.constant 0.693147182 : f32
        %parallel_loop3A_514 = vector.broadcast %parallel_loop3A_513 : f32 to vector<16xf32>
        %parallel_loop3A_515 = arith.mulf %parallel_loop3A_512, %parallel_loop3A_514 : vector<16xf32>
        %parallel_loop3A_516 = arith.addf %parallel_loop3A_515, %parallel_loop3A_511 : vector<16xf32>
        %parallel_loop3A_517 = arith.cmpf oge, %parallel_loop3A_111, %parallel_loop3A_152 : vector<16xf32>
        %parallel_loop3A_518 = arith.cmpf ole, %parallel_loop3A_111, %mul3A_9 : vector<16xf32>
        %parallel_loop3A_519 = arith.andi %parallel_loop3A_517, %parallel_loop3A_518 : vector<16xi1>
        %parallel_loop3A_520 = arith.select %parallel_loop3A_519, %parallel_loop3A_444, %parallel_loop3A_111 : vector<16xi1>, vector<16xf32>
        %parallel_loop3A_521 = arith.constant 0.000000e+00 : f32
        %parallel_loop3A_522 = vector.broadcast %parallel_loop3A_521 : f32 to vector<16xf32>
        %parallel_loop3A_523 = arith.select %parallel_loop3A_519, %parallel_loop3A_516, %parallel_loop3A_522 : vector<16xi1>, vector<16xf32>
        %parallel_loop3A_524 = arith.index_cast %parallel_loop3A_31 : i32 to index
        %parallel_loop3A_525 = tpu.vector_load %arg9[%parallel_loop3A_524] {strides = array<i32>} : memref<800xf32, #tpu.memory_space<vmem>>, vector<16xf32>,
        tpu.vector_store %arg9[%parallel_loop3A_524], %parallel_loop3A_520 {strides = array<i32>} : memref<800xf32, #tpu.memory_space<vmem>>, vector<16xf32>,
        %parallel_loop3A_526 = arith.index_cast %parallel_loop3A_31 : i32 to index
        %parallel_loop3A_527 = tpu.vector_load %arg10[%parallel_loop3A_526] {strides = array<i32>} : memref<800xf32, #tpu.memory_space<vmem>>, vector<16xf32>,
        tpu.vector_store %arg10[%parallel_loop3A_526], %parallel_loop3A_523 {strides = array<i32>} : memref<800xf32, #tpu.memory_space<vmem>>, vector<16xf32>,
      } {sc.loop_unroll_factor = 2 : i64, sc.parallel_access}
      "tpu.region"() ({
        %run_scoped3A = tpu.sem_alloc : memref<!tpu.dma_semaphore, #tpu.memory_space<semaphore_mem>>
        %dma_start3A = tpu.memref_slice %arg5[%mul3A_26] : memref<1000000xf32, #tpu.memory_space<hbm>> -> memref<800xf32, #tpu.memory_space<hbm>>
        %dma_start3A_29 = tpu.memref_slice %arg5[%mul3A_26] : memref<1000000xf32, #tpu.memory_space<hbm>> -> memref<800xf32, #tpu.memory_space<hbm>>
        tpu.enqueue_dma source(%arg9 : memref<800xf32, #tpu.memory_space<vmem>>) target(%dma_start3A_29 : memref<800xf32, #tpu.memory_space<hbm>>) target_semaphore(%run_scoped3A : memref<!tpu.dma_semaphore, #tpu.memory_space<semaphore_mem>>)
        %dma_wait3A = tpu.memref_slice %arg5[%mul3A_26] : memref<1000000xf32, #tpu.memory_space<hbm>> -> memref<800xf32, #tpu.memory_space<hbm>>
        %dma_wait3A_30 = tpu.memref_slice %arg5[%mul3A_26] : memref<1000000xf32, #tpu.memory_space<hbm>> -> memref<800xf32, #tpu.memory_space<hbm>>
        tpu.wait_dma2 semaphore(%run_scoped3A : memref<!tpu.dma_semaphore, #tpu.memory_space<semaphore_mem>>) src(%arg9 : memref<800xf32, #tpu.memory_space<vmem>>) dst(%dma_wait3A_30 : memref<800xf32, #tpu.memory_space<hbm>>)
        tpu.yield
      }) : () -> ()
      "tpu.region"() ({
        %run_scoped3A = tpu.sem_alloc : memref<!tpu.dma_semaphore, #tpu.memory_space<semaphore_mem>>
        %dma_start3A = tpu.memref_slice %arg6[%mul3A_26] : memref<1000000xf32, #tpu.memory_space<hbm>> -> memref<800xf32, #tpu.memory_space<hbm>>
        %dma_start3A_29 = tpu.memref_slice %arg6[%mul3A_26] : memref<1000000xf32, #tpu.memory_space<hbm>> -> memref<800xf32, #tpu.memory_space<hbm>>
        tpu.enqueue_dma source(%arg10 : memref<800xf32, #tpu.memory_space<vmem>>) target(%dma_start3A_29 : memref<800xf32, #tpu.memory_space<hbm>>) target_semaphore(%run_scoped3A : memref<!tpu.dma_semaphore, #tpu.memory_space<semaphore_mem>>)
        %dma_wait3A = tpu.memref_slice %arg6[%mul3A_26] : memref<1000000xf32, #tpu.memory_space<hbm>> -> memref<800xf32, #tpu.memory_space<hbm>>
        %dma_wait3A_30 = tpu.memref_slice %arg6[%mul3A_26] : memref<1000000xf32, #tpu.memory_space<hbm>> -> memref<800xf32, #tpu.memory_space<hbm>>
        tpu.wait_dma2 semaphore(%run_scoped3A : memref<!tpu.dma_semaphore, #tpu.memory_space<semaphore_mem>>) src(%arg10 : memref<800xf32, #tpu.memory_space<vmem>>) dst(%dma_wait3A_30 : memref<800xf32, #tpu.memory_space<hbm>>)
        tpu.yield
      }) : () -> ()
    }
    return
  }
}

module attributes {stable_mosaic.version = 14 : i64} {
  func.func @_tb_body(%arg0: i32, %arg1: memref<20000x26xf32, #tpu.memory_space<vmem>>, %arg2: memref<1x1x128xf32, #tpu.memory_space<vmem>>) attributes {dimension_semantics = [#tpu.dimension_semantics<arbitrary>], iteration_bounds = array<i64: 50>, scalar_prefetch = 0 : i64, scratch_operands = 0 : i64, tpu.core_type = #tpu.core_type<tc>, window_params = [{transform_indices = @transform_0, window_bounds = array<i64: 20000, 26>}, {transform_indices = @transform_1, window_bounds = array<i64: 1, 1, 128>}]} {
    %get3A = arith.constant 0 : index
    %get3A_0 = arith.constant 25 : index
    %get3A_1 = vector.load %arg1[%get3A, %get3A_0] : memref<20000x26xf32, #tpu.memory_space<vmem>>, vector<20000x1xf32>
    %abs3A = math.absf %get3A_1 : vector<20000x1xf32>
    %reduce_sum3A = vector.shape_cast %abs3A : vector<20000x1xf32> to vector<1x20000x1xf32>
    %reduce_sum3A_2 = arith.constant dense<0.000000e+00> : vector<1xf32>
    %reduce_sum3A_3 = vector.multi_reduction <add>, %reduce_sum3A, %reduce_sum3A_2 [1, 2] : vector<1x20000x1xf32> to vector<1xf32>
    %reduce_sum3A_4 = vector.shape_cast %reduce_sum3A_3 : vector<1xf32> to vector<1x1x1xf32>
    %reduce_sum3A_5 = vector.extract %reduce_sum3A_4[0, 0, 0] : f32 from vector<1x1x1xf32>
    %broadcast_in_dim3A = vector.broadcast %reduce_sum3A_5 : f32 to vector<1x1x128xf32>
    %swap3A = arith.constant 0 : index
    %swap3A_6 = arith.constant 0 : index
    %swap3A_7 = arith.constant 0 : index
    %swap3A_8 = vector.load %arg2[%swap3A, %swap3A_6, %swap3A_7] : memref<1x1x128xf32, #tpu.memory_space<vmem>>, vector<1x1x128xf32>
    tpu.vector_store %arg2[%swap3A, %swap3A_6, %swap3A_7], %broadcast_in_dim3A {strides = array<i32>} : memref<1x1x128xf32, #tpu.memory_space<vmem>>, vector<1x1x128xf32>,
    return
  }
  func.func @transform_0(%arg0: i32) -> (i32, i32) {
    %c0_i32 = arith.constant 0 : i32
    %c0_i32_0 = arith.constant 0 : i32
    return %arg0, %c0_i32 : i32, i32
  }
  func.func @transform_1(%arg0: i32) -> (i32, i32, i32) {
    %c0_i32 = arith.constant 0 : i32
    %c0_i32_0 = arith.constant 0 : i32
    %c0_i32_1 = arith.constant 0 : i32
    return %arg0, %c0_i32, %c0_i32_0 : i32, i32, i32
  }
}

</mosaic_0001>

<sc_bundles>
// kernel: kernel.4.cloned.1.call-start
scs
__scs_entry_jumppad:
0x0: {  	(pc) =	sbr.rel $0x88, $3  }
0x1: {  	(tag) =	ssettag $0x0;
	lr =	simm.s32 $0x1  }
0x2: {  	[smem:$0x3F9F] =	sst lr;
	_ =	strace $0xD0000000  }
0x3: {  	_ = 	snop  }
0x4: {  	_ = 	snop  }
0x5: {  	_ = 	snop  }
0x6: {  	_ = 	snop  }
0x7: {  	_ = 	snop  }
__scs_overlays_trampoline_lowered:
0x8: {  	[smem:$0x3FAE] =	sst s0  }
0x9: {  	[smem:$0x3FAF] =	sst s1  }
0xa: {  	[smem:$0x3FB0] =	sst s2  }
0xb: {  	[smem:$0x3FB1] =	sst s3  }
0xc: {  	[smem:$0x3FB2] =	sst s4  }
0xd: {  	[smem:$0x3FB3] =	sst s5  }
0xe: {  	[smem:$0x3FB4] =	sst s6  }
0xf: {  	[smem:$0x3FB5] =	sst s7  }
0x10: {  	[smem:$0x3FB6] =	sst s8  }
0x11: {  	[smem:$0x3FB7] =	sst s9;
	s0 =	simm.s32 @!p0 $0x0  }
0x12: {  	s1 =	sld [smem:$0x3F9D];
	s0 =	simm.s32 @p0 $0x1  }
0x13: {  	[smem:$0x3FB8] =	sst s0;
	s0 =	simm.s32 @!p1 $0x0  }
0x14: {  	s2 =	sld [smem:$0x3F9C];
	s0 =	simm.s32 @p1 $0x1  }
0x15: {  	[smem:$0x3FB9] =	sst s0;
	s0 =	simm.s32 @!p2 $0x0  }
0x16: {  	s3 =	sld [smem:$0x3FDB];
	s0 =	simm.s32 @p2 $0x1  }
0x17: {  	s4 =	simm.s32 $0x1BF5;
	[smem:$0x3FBB] =	sst s0  }
0x18: {  	s0 =	sld [smem:$0x3F9E];
	_ =	swait.ge [sflag:s4], $0x0  }
0x19: {  	s7 =	sld [smem:$0x3F9F]  }
0x1a: {  	s8 =	sadd.s32 $0xFFFFE003, lr  }
0x1b: {  	s9 =	sadd.s32 $0xFFFFFEF7, lr;
	s5 =	simm.s32 $0xFFFFFFFF;
	p2 =	slt.u32 s8, $0xFFFFF086  }
0x1c: {  	p1 =	slt.u32 s9, $0xF7A;
	s5 =	simm.s32 @!p2 $0x0  }
0x1d: {  	s5 =	simm.s32 @p1 $0x1;
	p0 =	seq.s32 s7, s2  }
0x1e: {  	s7 =	smul.u32 @!p0 $0xF7A, s2;
	p2 =	seq.s32 @!p0 s5, $0x0  }
0x1f: {  	s9 =	smul.u32 $0xF7A, s1;
	s8 =	simm.s32 @!p0 $0x1BF5;
	p2 =	por !p2, p0  }
0x20: {  	[sflag:s8] =	ssyncset.s32 @!p0 $0xFFFFF086;
	s6 =	sadd.s32 @!p0 s3, s7;
	s7 =	simm.s32 @!p0 $0x108  }
0x21: {  	s3 =	sadd.s32 s3, s9;
	s6 =	sadd.s32 @!p0 $0x88, s6;
	s7 =	simm.s32 @p2 $0x1082  }
0x22: {  	[simem:s7], [sflag:s8] =	dma.local @!p0 [hbm:s6], $0xF7A  }
0x23: {  	s9 =	sor.u32 $0xD0000000, s2;
	s6 =	simm.s32 $0x108;
	_ =	swait.ge @!p0 [sflag:s8], $0x0  }
0x24: {  	s3 =	sadd.s32 $0x88, s3;
	s6 =	simm.s32 @!p1 $0x1082;
	[sflag:s4] =	ssyncset.s32 $0xFFFFF086  }
0x25: {  	[simem:s6], [sflag:s4] =	dma.local [hbm:s3], $0xF7A  }
0x26: {  	[smem:$0x3F9F] =	sst s1;
	(tag) =	ssettag s2;
	_ =	strace s9  }
0x27: {  	s1 =	sld [smem:$0x3FAF]  }
0x28: {  	s2 =	sld [smem:$0x3FB0]  }
0x29: {  	s4 =	sld [smem:$0x3FB2]  }
0x2a: {  	p0 =	seq.s32 s5, $0x0;
	s5 =	sld [smem:$0x3FB3]  }
0x2b: {  	s6 =	sld [smem:$0x3FB4]  }
0x2c: {  	s7 =	sld [smem:$0x3FB5]  }
0x2d: {  	s3 =	simm.s32 $0x108;
	s8 =	sld [smem:$0x3FB6]  }
0x2e: {  	s3 =	simm.s32 @!p0 $0x1082;
	s9 =	sld [smem:$0x3FB7]  }
0x2f: {  	lr =	sadd.s32 s0, s3;
	s0 =	sld [smem:$0x3FAE]  }
0x30: {  	s3 =	sld [smem:$0x3FB1]  }
0x31: {  	[smem:$0x3FBA] =	sst s10  }
0x32: {  	s10 =	sld [smem:$0x3FB8];
	_ =	sdelay $0x3  }
0x33: {  	p0 =	seq.s32 s10, $0x1;
	s10 =	sld [smem:$0x3FBA];
	_ =	sdelay $0x3  }
0x34: {  	[smem:$0x3FBA] =	sst s10  }
0x35: {  	s10 =	sld [smem:$0x3FB9];
	_ =	sdelay $0x3  }
0x36: {  	p1 =	seq.s32 s10, $0x1;
	s10 =	sld [smem:$0x3FBA];
	_ =	sdelay $0x3  }
0x37: {  	[smem:$0x3FBA] =	sst s10  }
0x38: {  	s10 =	sld [smem:$0x3FBB]  }
0x39: {  	_ = 	snop;
	(pc) =	sbr.ind lr, $3  }
0x3a: {  	_ = 	snop  }
0x3b: {  	_ = 	snop  }
0x3c: {  	p2 =	seq.s32 s10, $0x1;
	s10 =	sld [smem:$0x3FBA]  }
0x3d: {  	_ =	shalt  }
0x3e: {  	_ =	shalt  }
0x3f: {  	_ =	shalt  }
0x40: {  	_ =	shalt  }
0x41: {  	_ =	shalt  }
0x42: {  	_ =	shalt  }
0x43: {  	_ =	shalt  }
0x44: {  	_ =	shalt  }
0x45: {  	_ =	shalt  }
0x46: {  	_ =	shalt  }
0x47: {  	_ =	shalt  }
0x48: {  	_ =	shalt  }
0x49: {  	_ =	shalt  }
0x4a: {  	_ =	shalt  }
0x4b: {  	_ =	shalt  }
0x4c: {  	_ =	shalt  }
0x4d: {  	_ =	shalt  }
0x4e: {  	_ =	shalt  }
0x4f: {  	_ =	shalt  }
0x50: {  	_ =	shalt  }
0x51: {  	_ =	shalt  }
0x52: {  	_ =	shalt  }
0x53: {  	_ =	shalt  }
0x54: {  	_ =	shalt  }
0x55: {  	_ =	shalt  }
0x56: {  	_ =	shalt  }
0x57: {  	_ =	shalt  }
0x58: {  	_ =	shalt  }
0x59: {  	_ =	shalt  }
0x5a: {  	_ =	shalt  }
0x5b: {  	_ =	shalt  }
0x5c: {  	_ =	shalt  }
0x5d: {  	_ =	shalt  }
0x5e: {  	_ =	shalt  }
0x5f: {  	_ =	shalt  }
0x60: {  	_ =	shalt  }
0x61: {  	_ =	shalt  }
0x62: {  	_ =	shalt  }
0x63: {  	_ =	shalt  }
0x64: {  	_ =	shalt  }
0x65: {  	_ =	shalt  }
0x66: {  	_ =	shalt  }
0x67: {  	_ =	shalt  }
0x68: {  	_ =	shalt  }
0x69: {  	_ =	shalt  }
0x6a: {  	_ =	shalt  }
0x6b: {  	_ =	shalt  }
0x6c: {  	_ =	shalt  }
0x6d: {  	_ =	shalt  }
0x6e: {  	_ =	shalt  }
0x6f: {  	_ =	shalt  }
0x70: {  	_ =	shalt  }
0x71: {  	_ =	shalt  }
0x72: {  	_ =	shalt  }
0x73: {  	_ =	shalt  }
0x74: {  	_ =	shalt  }
0x75: {  	_ =	shalt  }
0x76: {  	_ =	shalt  }
0x77: {  	_ =	shalt  }
0x78: {  	_ =	shalt  }
0x79: {  	_ =	shalt  }
0x7a: {  	_ =	shalt  }
0x7b: {  	_ =	shalt  }
0x7c: {  	_ =	shalt  }
0x7d: {  	_ =	shalt  }
0x7e: {  	_ =	shalt  }
0x7f: {  	_ =	shalt  }
0x80: {  	_ =	shalt  }
0x81: {  	_ =	shalt  }
0x82: {  	_ =	shalt  }
0x83: {  	_ =	shalt  }
0x84: {  	_ =	shalt  }
0x85: {  	_ =	shalt  }
0x86: {  	_ =	shalt  }
0x87: {  	_ =	shalt  }
.Lfunc_end0:
.L_simem_size_0:
called_computation_lowered:
.L_overlay_start_0:
0x88: {  	s2 =	sld [smem:$0x3FD9]  }
0x89: {  	s3 =	sld [smem:$0x3FFE];
	_ =	sdelay $0x1  }
0x8a: {  	s1 =	srdreg.scid  }
0x8b: {  	s0 =	sand.u32 $0x1, s1  }
0x8c: {  	s14 =	sshll.u32 s0, $0xA;
	s2 =	sadd.s32 s3, s2  }
0x8d: {  	s2 =	sadd.s32 s2, s14  }
0x8e: {  	[smem:$0x3FC6] =	sst s2  }
0x8f: {  	_ = 	snop  }
0x90: {  	s2 =	sld [smem:$0x3FD0];
	_ =	sdelay $0x2  }
0x91: {  	s4 =	simm.s32 $0xA;
	s5 =	simm.s32 $0x10;
	s15 =	sld [smem:$0x3FC8]  }
0x92: {  	[smem:s5], [sflag:s4] =	dma.local [hbm:s2], $0x1  }
0x93: {  	_ =	swait.eq [sflag:s4], $0x1  }
0x94: {  	[sflag:s4] =	ssyncset.done $0x0  }
0x95: {  	s16 =	sld [smem:$0x10];
	[sflag:s4] =	ssyncadd.s32 $0xFFFFFFFF  }
0x96: {  	s17 =	sld [smem:$0x11];
	(tm) =	ssettm $0x1  }
0x97: {  	s18 =	sld [smem:$0x3FFB];
	_ =	sdelay $0x3  }
0x98: {  	_ =	strace s18  }
0x99: {  	s5 =	sld [smem:$0x3FFC];
	_ =	sdelay $0x3  }
0x9a: {  	_ =	strace s5  }
0x9b: {  	s5 =	sld [smem:$0x3FFD];
	_ =	sdelay $0x3  }
0x9c: {  	_ =	strace s5  }
0x9d: {  	_ =	strace $0x8FFFFFFF  }
0x9e: {  	s19 =	sld [smem:$0x3FDB];
	_ =	sdelay $0x1  }
0x9f: {  	s6 =	simm.s32 $_scs_section_size  }
0xa0: {  	s7 =	simm.s32 $_size__tile_overlayer_lowered;
	s8 =	simm.s32 $_tile_overlayer_lowered  }
0xa1: {  	s22 =	simm.s32 $0x1BFF;
	s21 =	sshll.u32 s8, $0x1;
	s5 =	sadd.s32 s6, s19  }
0xa2: {  	s9 =	simm.s32 $0x0;
	s20 =	sshll.u32 s7, $0x1;
	s7 =	sadd.s32 s21, s5  }
0xa3: {  	[timem:s9], [sflag:s22] =	dma.local [hbm:s7], s20  }
0xa4: {  	_ =	swait.ge [sflag:s22], s20  }
0xa5: {  	s6 =	ssub.s32 $0x0, s20;
	[sflag:s22] =	ssyncset.done $0x0  }
0xa6: {  	[sflag:s22] =	ssyncadd.s32 s6;
	_ =	sdelay $0x1  }
0xa7: {  	s23 =	simm.s32 $0x1B8B  }
0xa8: {  	_ =	swait.ge [sflag:s23], $0x1  }
0xa9: {  	[sflag:s23] =	ssyncset.done $0x0  }
0xaa: {  	s25 =	simm.s32 $0x1B8E;
	s24 =	sld [smem:$0x3FFE];
	[sflag:s23] =	ssyncadd.s32 $0xFFFFFFFF  }
0xab: {  	s26 =	simm.s32 $execute0_lowered;
	[smem:$0x3FD2] =	sst s25  }
0xac: {  	s7 =	sshll.u32 s26, $0x1;
	_ =	strace $0x80000046;
	[dreg:$0x1] =	wrdreg $0xFFFFFFFF  }
0xad: {  	s28 =	simm.s32 $_size_execute0_lowered;
	s5 =	sadd.s32 s5, s7;
	[dreg:$0x0] =	wrdreg $0x0  }
0xae: {  	s7 =	sshll.u32 s28, $0x1;
	[dreg:$0x2] =	wrdreg s5  }
0xaf: {  	[dreg:$0x3] =	wrdreg s7  }
0xb0: {  	[dreg:$0x4] =	wrdreg $0xC0  }
0xb1: {  	_ =	task [dreg:s9], $0x5FFFF  }
0xb2: {  	[dreg:$0x1] =	wrdreg $0xFFFFFFFF  }
0xb3: {  	[dreg:$0x0] =	wrdreg $0x60  }
0xb4: {  	[dreg:$0x2] =	wrdreg s24  }
0xb5: {  	[dreg:$0x3] =	wrdreg s15  }
0xb6: {  	[dreg:$0x4] =	wrdreg s16  }
0xb7: {  	[dreg:$0x5] =	wrdreg s17  }
0xb8: {  	[dreg:$0x6] =	wrdreg $0x9  }
0xb9: {  	_ =	task.clear_ibuf [dreg:s9], $0x7FFFF;
	_ =	strace $0x90000046  }
0xba: {  	s29 =	simm.s32 $0x9;
	_ =	strace $0x80000048  }
0xbb: {  	_ =	swait.ge [sflag:s29], $0x1  }
0xbc: {  	[sflag:s29] =	ssyncadd.s32 $0xFFFFFFFF  }
0xbd: {  	_ =	strace $0x90000048  }
0xbe: {  	_ =	sfence  }
0xbf: {  	s30 =	sld [smem:$0x0];
	_ =	sdelay $0x2  }
0xc0: {  	s31 =	sshll.u32 s1, $0xD;
	s1 =	sshrl.u32 s1, $0x2  }
0xc1: {  	s3 =	sand.u32 $0x4000, s31;
	s1 =	sadd.s32 s1, s30  }
0xc2: {  	s0 =	sor.u32 s3, s0;
	s1 =	sshll.u32 s1, $0x11  }
0xc3: {  	s0 =	sor.u32 s1, s0  }
0xc4: {  	s0 =	sadd.s32 $0x8F2B, s0  }
0xc5: {  	[sflag:s0] =	ssyncadd.remote.s32 $0x1  }
0xc6: {  	_ =	sfence.sel $0xFFFF  }
0xc7: {  	[dreg:$0x0] =	wrdreg $0xFFFFFFFF;
	(pc) =	sbr.abs _section_cstart, $3  }
0xc8: {  	[dreg:$0x1] =	wrdreg $0xFFFFFFFF  }
0xc9: {  	_ =	task.clear_ibuf [dreg:s9], $0x2FFFF;
	_ =	strace $0x9FFFFFFF  }
0xca: {  	(tm) =	ssettm $0x7FFFFFFF  }
0xcb: {  	_ =	shalt  }
tec
execute0_lowered:
.L_overlay_start_1:
0x0: {  	(tag) =	ssettag $0x1  }
0x1: {  	s6 =	rddreg [dreg:$0x0]  }
0x2: {  	s1 =	rddreg [dreg:$0x1]  }
0x3: {  	s2 =	rddreg [dreg:$0x2]  }
0x4: {  	s3 =	rddreg [dreg:$0x3]  }
0x5: {  	s0 =	rddreg [dreg:$0x4];
	s4 =	simm.s32 $0x0  }
0x6: {  	s5 =	srdreg.scid;
	s12 =	simm.s32 $0x19A80;
	s13 =	simm.s32 $0x1  }
0x7: {  	s14 =	simm.s32 $0x19000;
	s15 =	simm.s32 $0x19380;
	s16 =	simm.s32 $0x19700  }
0x8: {  	s17 =	simm.s32 $0x0;
	[smem:$0x7FF] =	sst s4;
	s5 =	sand.u32 $0x1, s5  }
0x9: {  	v0 =	vlaneseq.u32;
	s7 =	sadd.s32 $0xA00, s6;
	s8 =	sadd.s32 $0xF42E00, s6;
	s9 =	ssub.s32 $0x2, s5  }
0xa: {  	s6 =	stileid.u32;
	v0 =	vmul.u32 $0x80, v0;
	_ =	strace $0x80000047;
	s10 =	sshrl.u32 s9, $0x1  }
0xb: {  	p0 =	seq.s32 s6, $0x0;
	s11 =	ssub.s32 s9, s10;
	s9 =	simm.s32 $0x28  }
0xc: {  	v63 =	vimm.s32 $0xFFFFFF81;
	[tilespmem:$0x1FFF0] =	vst v0;
	s10 =	sshll.u32 s6, $0x1;
	s9 =	simm.s32 @!p0 $0x27;
	s11 =	smax.u32 s11, $0x1  }
.LBB2_1:
0xd: {  	[tilespmem:s12], [sflag:$0x1] =	stream.linear.gather [hbm4b:s2+s4], $0x1900, $0x38;
	[tilespmem:$0x1B380] =	vst v63  }
0xe: {  	_ =	swait.ge [sflag:s13], $0x1900  }
0xf: {  	[sflag:s13] =	ssyncset.done $0x0  }
0x10: {  	s19 =	simm.s32 $0x0;
	[sflag:s13] =	ssyncadd.s32 $0xFFFFE700  }
0x11: {  	v2 =	vimm.f32 $0.0e+00;
	s18 =	simm.s32 $0x200;
	v3 =	vld [tilespmem:s19+$0x19A80]  }
.LBB2_2:
0x12: {  	p0 =	sne.s32 s18, $0x6200  }
.Ltmp0:
0x13: {  	_ = 	snop;
	(pc) =	sbr.rel @p0 .LBB2_2-.Ltmp0, $3  }
0x14: {  	_ =	sdelay $0x1  }
0x15: {  	s19 =	sshra.s32 s18, $0x2;
	s18 =	sadd.s32 $0x200, s18;
	v2 =	vadd.f32 v3, v2  }
0x16: {  	v3 =	vld [tilespmem:s19+$0x19A80]  }
0x17: {  	_ =	sdelay $0x3  }
0x18: {  	v2 =	vadd.f32 v3, v2;
	_ =	sdelay $0x1  }
0x19: {  	v2 =	vmul.f32 $9.999999970e-07, v2;
	_ =	sdelay $0x1  }
0x1a: {  	v1 =	vmul.f32 $1.983999970e+00, v2;
	v4 =	vmul.f32 $-9.980000250e-01, v2  }
0x1b: {  	v3 =	vmul.f32 $-9.959999910e-01, v2;
	v6 =	vmul.f32 $-9.940000170e-01, v2  }
0x1c: {  	v5 =	vmul.f32 $-9.919999830e-01, v2;
	v8 =	vmul.f32 $-9.900000090e-01, v2  }
0x1d: {  	s18 =	simm.s32 $0x0;
	v9 =	vsub.f32 $0.0e+00, v2;
	v7 =	vmul.f32 $-9.879999750e-01, v2;
	v10 =	vmul.f32 $-9.860000010e-01, v2  }
.LBB2_4:
0x1e: {  	s19 =	sshll.u32 s18, $0x5  }
0x1f: {  	s19 =	sor.u32 s19, s10  }
0x20: {  	s19 =	sor.u32 s5, s19  }
0x21: {  	s20 =	smul.u32 $0x19000, s19;
	_ =	sdelay $0x1  }
0x22: {  	s20 =	sshrl.u32 s20, $0x3  }
0x23: {  	s26 =	simm.s32 $0x10;
	s19 =	smul.u32 $0x320, s19;
	s20 =	sadd.s32 s7, s20  }
0x24: {  	[tilespmem:s4], [sflag:$0x1] =	stream.linear.gather [hbm4b:s20+s4], $0x19000, $0x38;
	[tilespmem:$0x1B380] =	vst v63  }
0x25: {  	s21 =	simm.s32 $0x0;
	v12 =	vmov s26;
	_ =	swait.ge [sflag:s13], $0x19000  }
0x26: {  	v13 =	vmov s21;
	v12 =	vshll.u32 v12, $0x7;
	s19 =	sshrl.u32 s19, $0x3;
	[sflag:s13] =	ssyncset.done $0x0  }
0x27: {  	v13 =	vshll.u32 v13, $0x7;
	v15 =	vor.u32 v0, v12;
	s28 =	sadd.s32 s1, s19;
	[sflag:s13] =	ssyncadd.s32 $0xFFFE7000  }
0x28: {  	v13 =	vor.u32 v0, v13;
	[tilespmem:s14], [sflag:$0x1] =	stream.linear.gather [hbm4b:s28+s4], $0x320, $0x38;
	[tilespmem:$0x1B380] =	vst v63  }
0x29: {  	v12 =	vor.u32 $0x1, v13;
	_ =	swait.ge [sflag:s13], $0x320  }
0x2a: {  	v14 =	vor.u32 $0x1, v15;
	[sflag:s13] =	ssyncset.done $0x0  }
0x2b: {  	v16 =	vor.u32 $0x2, v13;
	[sflag:s13] =	ssyncadd.s32 $0xFFFFFCE0  }
0x2c: {  	v17 =	vor.u32 $0x2, v15;
	v18 =	vld.idx.msk [tilespmem:v15+s4+$0x0], $0xffff  }
0x2d: {  	v20 =	vor.u32 $0x3, v13;
	v19 =	vld.idx.msk [tilespmem:v13+s4+$0x0], $0xffff  }
0x2e: {  	v21 =	vor.u32 $0x3, v15;
	v12 =	vld.idx.msk [tilespmem:v12+s4+$0x0], $0xffff  }
0x2f: {  	v22 =	vor.u32 $0x4, v13;
	v14 =	vld.idx.msk [tilespmem:v14+s4+$0x0], $0xffff  }
0x30: {  	v23 =	vor.u32 $0x4, v15;
	v16 =	vld.idx.msk [tilespmem:v16+s4+$0x0], $0xffff  }
0x31: {  	v24 =	vor.u32 $0x5, v13;
	v17 =	vld.idx.msk [tilespmem:v17+s4+$0x0], $0xffff  }
0x32: {  	v25 =	vor.u32 $0x5, v15;
	v20 =	vld.idx.msk [tilespmem:v20+s4+$0x0], $0xffff;
	v18 =	vmul.f32 $1.442695020e+00, v18  }
0x33: {  	v26 =	vor.u32 $0x6, v13;
	v21 =	vld.idx.msk [tilespmem:v21+s4+$0x0], $0xffff;
	v19 =	vmul.f32 $1.442695020e+00, v19;
	v12 =	vmul.f32 $1.442695020e+00, v12  }
0x34: {  	v22 =	vld.idx.msk [tilespmem:v22+s4+$0x0], $0xffff;
	v14 =	vmul.f32 $1.442695020e+00, v14;
	(erf) = vpow2.f32 v18;
	v18 =	vor.u32 $0x6, v15  }
0x35: {  	v23 =	vld.idx.msk [tilespmem:v23+s4+$0x0], $0xffff;
	v16 =	vmul.f32 $1.442695020e+00, v16;
	(erf) = vpow2.f32 v19;
	v19 =	vor.u32 $0x7, v13  }
0x36: {  	v24 =	vld.idx.msk [tilespmem:v24+s4+$0x0], $0xffff;
	v17 =	vmul.f32 $1.442695020e+00, v17;
	(erf) = vpow2.f32 v12  }
0x37: {  	v20 =	vmul.f32 $1.442695020e+00, v20;
	(erf) = vpow2.f32 v14;
	v14 =	vld.idx.msk [tilespmem:v25+s4+$0x0], $0xffff  }
0x38: {  	v12 =	vor.u32 $0x7, v15;
	v25 =	vld.idx.msk [tilespmem:v26+s4+$0x0], $0xffff;
	(erf) = vpow2.f32 v16;
	v16 =	vmul.f32 $1.442695020e+00, v21  }
0x39: {  	(erf) = vpow2.f32 v17;
	v17 =	vld.idx.msk [tilespmem:v18+s4+$0x0], $0xffff;
	v18 =	vmul.f32 $1.442695020e+00, v22  }
0x3a: {  	(erf) = vpow2.f32 v20;
	v19 =	vld.idx.msk [tilespmem:v19+s4+$0x0], $0xffff;
	v20 =	vmul.f32 $1.442695020e+00, v23  }
0x3b: {  	v21 =	vmul.f32 $1.442695020e+00, v24;
	(erf) = vpow2.f32 v16  }
0x3c: {  	(erf) = vpow2.f32 v18;
	v14 =	vmul.f32 $1.442695020e+00, v14  }
0x3d: {  	v12 =	vld.idx.msk [tilespmem:v12+s4+$0x0], $0xffff;
	v18 =	vmul.f32 $1.442695020e+00, v25;
	v16 =	vpop (erf);
	(erf) = vpow2.f32 v20  }
0x3e: {  	v20 =	vpop (erf);
	(erf) = vpow2.f32 v21  }
0x3f: {  	v21 =	vpop (erf);
	(erf) = vpow2.f32 v14;
	v14 =	vmul.f32 $1.442695020e+00, v19  }
0x40: {  	v17 =	vmul.f32 $1.442695020e+00, v17  }
0x41: {  	v22 =	vor.u32 $0x8, v15;
	v23 =	vadd.f32 v21, v20;
	(erf) = vpow2.f32 v18;
	v18 =	vpop (erf)  }
0x42: {  	v12 =	vmul.f32 $1.442695020e+00, v12;
	v21 =	vadd.f32 v18, v16;
	v18 =	vpop (erf);
	(erf) = vpow2.f32 v17  }
0x43: {  	v17 =	vadd.f32 v18, v23;
	(erf) = vpow2.f32 v14;
	v14 =	vpop (erf)  }
0x44: {  	v24 =	vadd.f32 v14, v21;
	v14 =	vpop (erf);
	(erf) = vpow2.f32 v12  }
0x45: {  	v12 =	vor.u32 $0x9, v15;
	v26 =	vadd.f32 v14, v17;
	v14 =	vpop (erf)  }
0x46: {  	v18 =	vor.u32 $0x8, v13;
	v25 =	vadd.f32 v14, v24;
	v14 =	vpop (erf)  }
0x47: {  	v22 =	vld.idx.msk [tilespmem:v22+s4+$0x0], $0xffff;
	v19 =	vor.u32 $0x9, v13;
	v27 =	vadd.f32 v14, v26;
	v14 =	vpop (erf)  }
0x48: {  	v28 =	vor.u32 $0xA, v15;
	v30 =	vadd.f32 v14, v25;
	v14 =	vpop (erf)  }
0x49: {  	v32 =	vor.u32 $0xE, v13;
	v29 =	vadd.f32 v14, v27;
	v14 =	vpop (erf)  }
0x4a: {  	v33 =	vor.u32 $0xD, v13;
	v12 =	vld.idx.msk [tilespmem:v12+s4+$0x0], $0xffff;
	v31 =	vadd.f32 v14, v30;
	v14 =	vpop (erf)  }
0x4b: {  	v36 =	vor.u32 $0xC, v13;
	v18 =	vld.idx.msk [tilespmem:v18+s4+$0x0], $0xffff;
	v35 =	vadd.f32 v14, v29;
	v14 =	vpop (erf)  }
0x4c: {  	v19 =	vld.idx.msk [tilespmem:v19+s4+$0x0], $0xffff;
	v34 =	vadd.f32 v14, v31;
	v14 =	vmul.f32 $1.442695020e+00, v22;
	v22 =	vpop (erf)  }
0x4d: {  	v37 =	vor.u32 $0xB, v13;
	v28 =	vld.idx.msk [tilespmem:v28+s4+$0x0], $0xffff;
	v22 =	vadd.f32 v22, v35;
	v38 =	vpop (erf)  }
0x4e: {  	v39 =	vor.u32 $0xA, v13;
	v38 =	vadd.f32 v38, v34;
	(erf) = vpow2.f32 v14;
	v14 =	vld.idx.msk [tilespmem:v32+s4+$0x0], $0xffff  }
0x4f: {  	v12 =	vmul.f32 $1.442695020e+00, v12;
	(erf) = vrcp.f32 v22;
	v22 =	vld.idx.msk [tilespmem:v33+s4+$0x0], $0xffff  }
0x50: {  	s29 =	simm.s32 $0x19010;
	v53 =	vor.u32 $0xF, v13;
	v54 =	vld.idx.msk [tilespmem:v36+s4+$0x0], $0xffff;
	v18 =	vmul.f32 $1.442695020e+00, v18;
	(erf) = vrcp.f32 v38  }
0x51: {  	v11 =	vld [tilespmem:s29+$0xFFFFFFF0];
	v19 =	vmul.f32 $1.442695020e+00, v19;
	(erf) = vpow2.f32 v12  }
0x52: {  	v56 =	vor.u32 $0x10, v13;
	v12 =	vld.idx.msk [tilespmem:v37+s4+$0x0], $0xffff;
	(erf) = vpow2.f32 v18;
	v18 =	vmul.f32 $1.442695020e+00, v28  }
0x53: {  	v40 =	vor.u32 $0x12, v13;
	v55 =	vld.idx.msk [tilespmem:v39+s4+$0x0], $0xffff;
	(erf) = vpow2.f32 v19;
	v19 =	vmul.f32 $1.442695020e+00, v14  }
0x54: {  	v58 =	vor.u32 $0x13, v13;
	(erf) = vpow2.f32 v18;
	v18 =	vmul.f32 $1.442695020e+00, v22  }
0x55: {  	v43 =	vor.u32 $0x14, v13;
	v50 =	vor.u32 $0x14, v15;
	v51 =	vor.u32 $0x15, v15;
	v32 =	vld.idx.msk [tilespmem:v53+s4+$0x0], $0xffff  }
0x56: {  	v36 =	vor.u32 $0x17, v13;
	v33 =	vmul.f32 $1.442695020e+00, v54;
	(erf) = vpow2.f32 v19  }
0x57: {  	v61 =	vmax.f32 v9, v11;
	v57 =	vmul.f32 $1.442695020e+00, v12;
	(erf) = vpow2.f32 v18;
	v12 =	vpop (erf)  }
0x58: {  	v28 =	vmul.f32 $1.442695020e+00, v55;
	v19 =	vor.u32 $0x11, v13;
	(erf) = vpow2.f32 v33;
	v18 =	vpop (erf)  }
0x59: {  	v38 =	vor.u32 $0x18, v13;
	v41 =	vmul.f32 v18, v1;
	v42 =	vpop (erf);
	(erf) = vpow2.f32 v57  }
0x5a: {  	v44 =	vmul.f32 $1.442695020e+00, v32;
	v22 =	vor.u32 $0x16, v13;
	v18 =	vpop (erf);
	(erf) = vpow2.f32 v28  }
0x5b: {  	[tilespmem:$0x1FFA0] =	vst v11;
	v13 =	vor.u32 $0x15, v13;
	v42 =	vmul.f32 v42, v1;
	v60 =	vmul.f32 v41, v35  }
0x5c: {  	v59 =	vld.idx.msk [tilespmem:v56+s4+$0x0], $0xffff;
	v57 =	vor.u32 $0x11, v15;
	v45 =	vpop (erf);
	v62 =	vmul.f32 v41, v20;
	v29 =	vmul.f32 v41, v29  }
0x5d: {  	v46 =	vld.idx.msk [tilespmem:v19+s4+$0x0], $0xffff;
	v19 =	vmin.f32 v2, v61;
	v23 =	vmul.f32 v41, v23;
	v27 =	vmul.f32 v41, v27;
	v20 =	vpop (erf)  }
0x5e: {  	v40 =	vld.idx.msk [tilespmem:v40+s4+$0x0], $0xffff;
	v52 =	vmul.f32 v41, v17;
	v47 =	vadd.f32 v20, v45;
	v49 =	vadd.f32 v62, v4  }
0x5f: {  	v48 =	vld.idx.msk [tilespmem:v58+s4+$0x0], $0xffff;
	v17 =	vadd.f32 v60, v10;
	v39 =	vadd.f32 v23, v3;
	v23 =	vmul.f32 v41, v26  }
0x60: {  	(erf) = vpow2.f32 v44;
	v14 =	vpop (erf);
	v32 =	vadd.f32 v29, v7;
	v26 =	vld.idx.msk [tilespmem:v43+s4+$0x0], $0xffff;
	v37 =	vadd.f32 v52, v6  }
0x61: {  	v13 =	vld.idx.msk [tilespmem:v13+s4+$0x0], $0xffff;
	v33 =	vadd.f32 v27, v8;
	v53 =	vpop (erf);
	vm4 =	vge.f32 v19, v49;
	v35 =	vadd.f32 v23, v5  }
0x62: {  	v22 =	vld.idx.msk [tilespmem:v22+s4+$0x0], $0xffff;
	v27 =	vpop (erf);
	vm5 =	vge.f32 v19, v39;
	vm6 =	vge.f32 v19, v37;
	v23 =	vsel vm4, v46, v59  }
0x63: {  	v36 =	vld.idx.msk [tilespmem:v36+s4+$0x0], $0xffff;
	vm8 =	vge.f32 v19, v33;
	v54 =	vpop (erf);
	v23 =	vsel vm5, v40, v23;
	v40 =	vsel vm4, v40, v46  }
0x64: {  	v38 =	vld.idx.msk [tilespmem:v38+s4+$0x0], $0xffff;
	vm10 =	vge.f32 v19, v35;
	v55 =	vpop (erf);
	v23 =	vsel vm6, v48, v23;
	v40 =	vsel vm5, v48, v40  }
0x65: {  	vm9 =	vge.f32 v19, v32;
	v56 =	vpop (erf);
	v23 =	vsel vm10, v26, v23;
	v26 =	vsel vm6, v26, v40  }
0x66: {  	v43 =	vadd.f32 v56, v47;
	v23 =	vsel vm8, v13, v23;
	v13 =	vsel vm10, v13, v26  }
0x67: {  	vm7 =	vge.f32 v19, v17;
	v23 =	vsel vm9, v22, v23;
	v13 =	vsel vm8, v22, v13  }
0x68: {  	v40 =	vadd.f32 v55, v43;
	v22 =	vsel vm7, v36, v23;
	v13 =	vsel vm9, v36, v13  }
0x69: {  	v21 =	vmul.f32 v42, v21;
	v26 =	vsel vm7, v38, v13;
	v13 =	vand.u32 $0x7FFFFFFF, v22  }
0x6a: {  	v11 =	vld [tilespmem:s29+$0x0];
	v41 =	vadd.f32 v54, v40;
	v13 =	vsub.f32 $0.0e+00, v13;
	v23 =	vand.u32 $0x7FFFFFFF, v26  }
0x6b: {  	v24 =	vmul.f32 v42, v24;
	v31 =	vmul.f32 v42, v31;
	v23 =	vsub.f32 $0.0e+00, v23  }
0x6c: {  	v44 =	vadd.f32 v27, v41;
	v27 =	vor.u32 $0x10, v15;
	v59 =	vmul.f32 $1.442695020e+00, v13  }
0x6d: {  	v34 =	vmul.f32 v42, v34;
	v60 =	vor.u32 $0x12, v15;
	v23 =	vmul.f32 $1.442695020e+00, v23  }
0x6e: {  	v62 =	vor.u32 $0x13, v15;
	v46 =	vadd.f32 v53, v44;
	(erf) = vpow2.f32 v59  }
0x6f: {  	[tilespmem:$0x1FFB0] =	vst v11;
	v29 =	vadd.f32 v21, v3;
	v21 =	vmul.f32 v42, v25;
	v61 =	vpop (erf);
	(erf) = vpow2.f32 v23  }
0x70: {  	v28 =	vadd.f32 v24, v6;
	v24 =	vmul.f32 v42, v30;
	v56 =	vld.idx.msk [tilespmem:v57+s4+$0x0], $0xffff;
	v58 =	vadd.f32 v61, v46  }
0x71: {  	v52 =	vor.u32 $0x16, v15;
	v21 =	vadd.f32 v21, v5;
	v23 =	vmul.f32 v42, v16;
	v53 =	vld.idx.msk [tilespmem:v27+s4+$0x0], $0xffff  }
0x72: {  	v24 =	vadd.f32 v24, v8;
	v57 =	vor.u32 $0xB, v15;
	(erf) = vrcp.f32 v58;
	v58 =	vld.idx.msk [tilespmem:v60+s4+$0x0], $0xffff  }
0x73: {  	v48 =	vld.idx.msk [tilespmem:v62+s4+$0x0], $0xffff;
	v55 =	vor.u32 $0x18, v15;
	v59 =	vmax.f32 v9, v11;
	v27 =	vadd.f32 v23, v4  }
0x74: {  	v30 =	vld.idx.msk [tilespmem:v50+s4+$0x0], $0xffff;
	v36 =	vor.u32 $0xE, v15;
	v38 =	vor.u32 $0xC, v15;
	v23 =	vmin.f32 v2, v59  }
0x75: {  	v54 =	vor.u32 $0x17, v15;
	v16 =	vor.u32 $0xD, v15;
	vm0 =	vge.f32 v23, v27  }
0x76: {  	v51 =	vld.idx.msk [tilespmem:v51+s4+$0x0], $0xffff;
	vm1 =	vge.f32 v23, v29;
	vm2 =	vge.f32 v23, v28;
	v25 =	vsel vm0, v56, v53  }
0x77: {  	vm3 =	vge.f32 v23, v21;
	v60 =	vsel vm0, v58, v56;
	v61 =	vpop (erf);
	v25 =	vsel vm1, v58, v25  }
0x78: {  	v62 =	vpop (erf);
	v50 =	vsel vm1, v48, v60;
	v48 =	vsel vm2, v48, v25;
	v53 =	vadd.f32 $1.000000000e+00, v61  }
0x79: {  	v25 =	vadd.f32 v31, v7;
	v56 =	vadd.f32 $1.000000000e+00, v62;
	v31 =	vsel vm2, v30, v50  }
0x7a: {  	v48 =	vsel vm3, v30, v48;
	v30 =	vadd.f32 v34, v10;
	v61 =	vand.u32 $0x7FFFFF, v53  }
0x7b: {  	v31 =	vsel vm3, v51, v31;
	vm14 =	vge.f32 v23, v25;
	v50 =	vor.u32 $0x3F800000, v61  }
0x7c: {  	v60 =	vpop (erf);
	v62 =	vand.u32 $0x7FFFFF, v56;
	v61 =	vsel vm4, v49, v9;
	v49 =	vsel vm4, v39, v49  }
0x7d: {  	vm15 =	vge.f32 v23, v30;
	v56 =	vshrl.u32 v56, $0x17;
	v42 =	vmul.f32 v60, v1  }
0x7e: {  	v59 =	vmul.f32 $5.000000000e-01, v50;
	v58 =	vor.u32 $0x3F800000, v62;
	vm12 =	vgt.f32 v50, $1.414213540e+00  }
0x7f: {  	v39 =	vsel vm5, v39, v61;
	v49 =	vsel vm5, v37, v49;
	v60 =	vmul.f32 $5.000000000e-01, v58  }
0x80: {  	vm11 =	vgt.f32 v58, $1.414213540e+00;
	v37 =	vsel vm6, v37, v39;
	v45 =	vmul.f32 v42, v45  }
0x81: {  	v47 =	vmul.f32 v42, v47;
	v50 =	vsel vm12, v59, v50;
	v43 =	vmul.f32 v42, v43  }
0x82: {  	v40 =	vmul.f32 v42, v40;
	v46 =	vmul.f32 v42, v46;
	v62 =	vadd.f32 $1.000000000e+00, v50  }
0x83: {  	v58 =	vsel vm11, v60, v58;
	v50 =	vadd.f32 $-1.000000000e+00, v50;
	v45 =	vadd.f32 v45, v4  }
0x84: {  	v44 =	vmul.f32 v42, v44;
	v47 =	vadd.f32 v47, v3;
	v60 =	vadd.f32 $1.000000000e+00, v58  }
0x85: {  	v52 =	vld.idx.msk [tilespmem:v52+s4+$0x0], $0xffff;
	v41 =	vmul.f32 v42, v41;
	v43 =	vadd.f32 v43, v6;
	v40 =	vadd.f32 v40, v5  }
0x86: {  	v54 =	vld.idx.msk [tilespmem:v54+s4+$0x0], $0xffff;
	v42 =	vadd.f32 v46, v10;
	v44 =	vadd.f32 v44, v7;
	(erf) = vrcp.f32 v62  }
0x87: {  	v41 =	vadd.f32 v41, v8;
	v59 =	vsel vm4, v45, v9;
	(erf) = vrcp.f32 v60  }
0x88: {  	v45 =	vsel vm4, v47, v45;
	vm4 =	vge.f32 v23, v24;
	v60 =	vld.idx.msk [tilespmem:v55+s4+$0x0], $0xffff;
	v55 =	vsel vm12, $0xFFFFFF82, v63  }
0x89: {  	v62 =	vld.idx.msk [tilespmem:v57+s4+$0x0], $0xffff;
	v34 =	vsel vm4, v51, v48;
	v47 =	vsel vm5, v47, v59;
	v45 =	vsel vm5, v43, v45  }
0x8a: {  	v31 =	vsel vm4, v52, v31;
	v59 =	vsel vm6, v35, v49;
	v35 =	vsel vm10, v35, v37  }
0x8b: {  	v34 =	vsel vm14, v52, v34;
	v57 =	vsel vm14, v54, v31;
	v43 =	vsel vm6, v43, v47  }
0x8c: {  	v45 =	vsel vm6, v40, v45;
	v47 =	vor.u32 $0xF, v15;
	v39 =	vsel vm10, v33, v59  }
0x8d: {  	v33 =	vsel vm8, v33, v35;
	v31 =	vsel vm15, v54, v34;
	v59 =	vsel vm8, v32, v39  }
0x8e: {  	v32 =	vsel vm9, v32, v33;
	v40 =	vsel vm10, v40, v43;
	v34 =	vmul.f32 $1.442695020e+00, v62  }
0x8f: {  	v62 =	vadd.f32 $-1.000000000e+00, v58;
	v32 =	vsel vm7, v17, v32;
	v15 =	vsel vm15, v60, v57;
	v57 =	vpop (erf)  }
0x90: {  	v17 =	vsel vm9, v17, v59;
	v40 =	vsel vm8, v41, v40;
	v41 =	vsel vm10, v41, v45;
	v58 =	vpop (erf)  }
0x91: {  	v60 =	vand.u32 $0x7FFFFFFF, v31;
	v46 =	vmul.f32 v57, v50;
	v37 =	vmul.f32 v58, v62  }
0x92: {  	v17 =	vsel vm7, v2, v17;
	v61 =	vand.u32 $0x7FFFFFFF, v15;
	v48 =	vsub.f32 $0.0e+00, v60  }
0x93: {  	v49 =	vsub.f32 $0.0e+00, v61;
	v60 =	vmul.f32 v46, v46;
	v61 =	vmul.f32 v37, v37  }
0x94: {  	v40 =	vsel vm9, v44, v40;
	v17 =	vsub.f32 v17, v32;
	v48 =	vmul.f32 $1.442695020e+00, v48  }
0x95: {  	v41 =	vsel vm8, v44, v41;
	v62 =	vmul.f32 $1.428571490e-01, v60;
	v52 =	vmul.f32 $1.428571490e-01, v61  }
0x96: {  	v41 =	vsel vm9, v42, v41;
	v13 =	vsel vm7, v42, v40;
	(erf) = vrcp.f32 v17  }
0x97: {  	(erf) = vpow2.f32 v48;
	v35 =	vadd.f32 $2.000000030e-01, v62;
	v54 =	vadd.f32 $2.000000030e-01, v52  }
0x98: {  	v17 =	vshrl.u32 v53, $0x17;
	v42 =	vmul.f32 $1.442695020e+00, v49;
	(erf) = vpow2.f32 v34  }
0x99: {  	v17 =	vand.u32 $0xFF, v17;
	v35 =	vmul.f32 v35, v60;
	v43 =	vmul.f32 v54, v61  }
0x9a: {  	v57 =	vand.u32 $0xFF, v56;
	v17 =	vadd.s32 v17, v55;
	(erf) = vpow2.f32 v42  }
0x9b: {  	v58 =	vsel vm11, $0xFFFFFF82, v63;
	v35 =	vadd.f32 $3.333333430e-01, v35;
	v43 =	vadd.f32 $3.333333430e-01, v43  }
0x9c: {  	v17 =	vcvt.s32.f32 v17;
	v59 =	vadd.s32 v57, v58  }
0x9d: {  	v38 =	vld.idx.msk [tilespmem:v38+s4+$0x0], $0xffff;
	v37 =	vadd.f32 v37, v37;
	v33 =	vmul.f32 v35, v60;
	v39 =	vmul.f32 v43, v61  }
0x9e: {  	v60 =	vadd.f32 v46, v46;
	v35 =	vcvt.s32.f32 v59;
	v61 =	vmul.f32 $6.931471820e-01, v17  }
0x9f: {  	v62 =	vld.idx.msk [tilespmem:v16+s4+$0x0], $0xffff;
	v17 =	vsel vm7, v2, v41;
	v33 =	vadd.f32 $1.000000000e+00, v33;
	v39 =	vadd.f32 $1.000000000e+00, v39  }
0xa0: {  	[tilespmem:$0x1FF90] =	vst v13;
	v49 =	vpop (erf);
	v35 =	vmul.f32 $6.931471820e-01, v35;
	v13 =	vsub.f32 v17, v13  }
0xa1: {  	v53 =	vpop (erf);
	v33 =	vmul.f32 v33, v60;
	v37 =	vmul.f32 v39, v37  }
0xa2: {  	v22 =	vmax.f32 v22, $0.0e+00;
	v38 =	vmul.f32 $1.442695020e+00, v38;
	v19 =	vsub.f32 v19, v32;
	v55 =	vpop (erf);
	[tilespmem:$0x1FF80] =	vst v13  }
0xa3: {  	v26 =	vmax.f32 v26, $0.0e+00;
	v56 =	vpop (erf);
	v44 =	vld.idx.msk [tilespmem:v36+s4+$0x0], $0xffff;
	v33 =	vadd.f32 v33, v61;
	v43 =	vadd.f32 v37, v35  }
0xa4: {  	(erf) = vpow2.f32 v38;
	v46 =	vmul.f32 $1.442695020e+00, v62;
	v32 =	vadd.f32 $1.000000000e+00, v56  }
0xa5: {  	v34 =	vmul.f32 v49, v19;
	v48 =	vld.idx.msk [tilespmem:v47+s4+$0x0], $0xffff;
	v22 =	vadd.f32 v33, v22;
	v26 =	vadd.f32 v43, v26  }
0xa6: {  	v16 =	vmov v0;
	(erf) = vpow2.f32 v46;
	v0 =	vmul.f32 v49, v13  }
0xa7: {  	v60 =	vand.u32 $0x7FFFFF, v32;
	v13 =	vadd.f32 $1.000000050e-03, v22;
	v26 =	vadd.f32 $1.000000050e-03, v26  }
0xa8: {  	v52 =	vadd.f32 v0, v0;
	v37 =	vsub.f32 $1.000000000e+00, v34;
	v50 =	vmul.f32 $1.442695020e+00, v44  }
0xa9: {  	v41 =	vor.u32 $0x3F800000, v60;
	v33 =	vadd.f32 v18, v12;
	v51 =	vadd.f32 v26, v13  }
0xaa: {  	v22 =	vsel vm0, v27, v9;
	v36 =	vmul.f32 $1.442695020e+00, v48;
	(erf) = vpow2.f32 v50  }
0xab: {  	v39 =	vadd.f32 v14, v33;
	v14 =	vmul.f32 v37, v34;
	v54 =	vsub.f32 v51, v52  }
0xac: {  	v22 =	vsel vm1, v29, v22;
	(erf) = vpow2.f32 v36;
	v36 =	vadd.f32 $1.000000000e+00, v53  }
0xad: {  	v27 =	vsel vm0, v29, v27;
	v57 =	vsel vm2, v28, v22;
	v22 =	vmul.f32 v54, v14  }
0xae: {  	v27 =	vsel vm1, v28, v27;
	v28 =	vadd.f32 v55, v39;
	v58 =	vand.u32 $0x7FFFFF, v36  }
0xaf: {  	v59 =	vpop (erf);
	v49 =	vmul.f32 $5.000000000e-01, v41;
	v29 =	vadd.f32 v22, v0;
	v22 =	vor.u32 $0x3F800000, v58  }
0xb0: {  	vm13 =	vgt.f32 v41, $1.414213540e+00;
	v35 =	vadd.f32 v59, v28;
	v61 =	vmul.f32 $5.000000000e-01, v22  }
0xb1: {  	v17 =	vmul.f32 v34, v34;
	v41 =	vsel vm13, v49, v41;
	v48 =	vpop (erf);
	vm12 =	vgt.f32 v22, $1.414213540e+00  }
0xb2: {  	v44 =	vadd.f32 v48, v35;
	v62 =	vmul.f32 v29, v29;
	v42 =	vsel vm12, v61, v22  }
0xb3: {  	v38 =	vmul.f32 v14, v52;
	v26 =	vmul.f32 v26, v17;
	v52 =	vpop (erf);
	v50 =	vadd.f32 $1.000000000e+00, v42  }
0xb4: {  	v51 =	vadd.f32 $1.000000000e+00, v41;
	v45 =	vadd.f32 v52, v44;
	(erf) = vrcp.f32 v62  }
0xb5: {  	v27 =	vsel vm2, v21, v27;
	v53 =	vmul.f32 v13, v37;
	v54 =	vpop (erf);
	(erf) = vrcp.f32 v50  }
0xb6: {  	v21 =	vsel vm3, v21, v57;
	v55 =	vadd.f32 v54, v45;
	(erf) = vrcp.f32 v51  }
0xb7: {  	v27 =	vsel vm3, v24, v27;
	v26 =	vadd.f32 v26, v38;
	v34 =	vmul.f32 v53, v37  }
0xb8: {  	v57 =	vadd.f32 $-1.000000000e+00, v41;
	v21 =	vsel vm4, v24, v21;
	(erf) = vrcp.f32 v55  }
0xb9: {  	v24 =	vsel vm4, v25, v27;
	v27 =	vmul.f32 v0, v0;
	v26 =	vadd.f32 v34, v26  }
0xba: {  	v59 =	vsel vm13, $0xFFFFFF82, v63;
	v21 =	vsel vm14, v25, v21;
	v24 =	vsel vm14, v30, v24  }
0xbb: {  	v25 =	vmul.f32 v26, v27;
	v26 =	vsel vm15, v30, v21;
	v21 =	vsel vm15, v2, v24  }
0xbc: {  	v27 =	vshrl.u32 v36, $0x17;
	v58 =	vshrl.u32 v32, $0x17;
	v21 =	vsub.f32 v21, v26  }
0xbd: {  	v27 =	vand.u32 $0xFF, v27;
	v30 =	vand.u32 $0xFF, v58;
	v56 =	vadd.f32 $-1.000000000e+00, v42;
	v24 =	vpop (erf)  }
0xbe: {  	[tilespmem:$0x1FF60] =	vst v13;
	(erf) = vrcp.f32 v21;
	v13 =	vmul.f32 v24, v25;
	v25 =	vsel vm12, $0xFFFFFF82, v63;
	v60 =	vpop (erf)  }
0xbf: {  	v25 =	vadd.s32 v27, v25;
	v27 =	vadd.s32 v30, v59;
	v36 =	vmul.f32 v60, v56;
	v61 =	vpop (erf)  }
0xc0: {  	v21 =	vand.u32 $0x7FFFFF, v13;
	v27 =	vcvt.s32.f32 v27;
	v34 =	vmul.f32 v61, v57  }
0xc1: {  	v63 =	vor.u32 $0x3F800000, v21;
	v21 =	vcvt.s32.f32 v25;
	v43 =	vpop (erf);
	v62 =	vmul.f32 v36, v36  }
0xc2: {  	v37 =	vmul.f32 v43, v1;
	v27 =	vmul.f32 $6.931471820e-01, v27  }
0xc3: {  	v25 =	vmul.f32 v34, v34;
	v21 =	vmul.f32 $6.931471820e-01, v21  }
0xc4: {  	v46 =	vmul.f32 $1.428571490e-01, v62;
	v12 =	vmul.f32 v37, v12  }
0xc5: {  	v36 =	vadd.f32 v36, v36;
	v33 =	vmul.f32 v37, v33;
	v47 =	vmul.f32 $1.428571490e-01, v25  }
0xc6: {  	v34 =	vadd.f32 v34, v34;
	v39 =	vmul.f32 v37, v39;
	v28 =	vmul.f32 v37, v28  }
0xc7: {  	v35 =	vmul.f32 v37, v35;
	v38 =	vadd.f32 $2.000000030e-01, v46;
	v40 =	vadd.f32 $2.000000030e-01, v47  }
0xc8: {  	v49 =	vmul.f32 v37, v44;
	v37 =	vmul.f32 v37, v45;
	v12 =	vadd.f32 v12, v4  }
0xc9: {  	v33 =	vadd.f32 v33, v3;
	v38 =	vmul.f32 v38, v62;
	v40 =	vmul.f32 v40, v25  }
0xca: {  	v39 =	vadd.f32 v39, v6;
	v28 =	vadd.f32 v28, v5;
	v48 =	vsel vm0, v12, v9  }
0xcb: {  	v12 =	vsel vm0, v33, v12;
	v38 =	vadd.f32 $3.333333430e-01, v38;
	v40 =	vadd.f32 $3.333333430e-01, v40  }
0xcc: {  	v35 =	vadd.f32 v35, v8;
	v33 =	vsel vm1, v33, v48;
	v12 =	vsel vm1, v39, v12  }
0xcd: {  	v33 =	vsel vm2, v39, v33;
	v30 =	vmul.f32 v38, v62;
	v25 =	vmul.f32 v40, v25  }
0xce: {  	v12 =	vsel vm2, v28, v12;
	v28 =	vsel vm3, v28, v33;
	v38 =	vadd.f32 v49, v7  }
0xcf: {  	v12 =	vsel vm3, v35, v12;
	v30 =	vadd.f32 $1.000000000e+00, v30;
	v25 =	vadd.f32 $1.000000000e+00, v25  }
0xd0: {  	v50 =	vadd.f32 v37, v10;
	v28 =	vsel vm4, v35, v28;
	v12 =	vsel vm4, v38, v12  }
0xd1: {  	v28 =	vsel vm14, v38, v28;
	v30 =	vmul.f32 v30, v36;
	v25 =	vmul.f32 v25, v34  }
0xd2: {  	[tilespmem:$0x1FF70] =	vst v13;
	v12 =	vsel vm14, v50, v12;
	v13 =	vsel vm15, v50, v28  }
0xd3: {  	v12 =	vsel vm15, v2, v12;
	v21 =	vadd.f32 v30, v21;
	v25 =	vadd.f32 v25, v27  }
0xd4: {  	s31 =	simm.s32 $0x20;
	v31 =	vmax.f32 v31, $0.0e+00;
	[tilespmem:$0x1FFE0] =	vst v13;
	v13 =	vsub.f32 v12, v13;
	v27 =	vmax.f32 v15, $0.0e+00  }
0xd5: {  	v53 =	vmov s31;
	v51 =	vadd.f32 v21, v31;
	v25 =	vadd.f32 v25, v27  }
0xd6: {  	vm0 =	vgt.f32 v63, $1.414213540e+00;
	v12 =	vsub.f32 v23, v26;
	v23 =	vpop (erf);
	v27 =	vmul.f32 $5.000000000e-01, v63  }
0xd7: {  	s30 =	simm.s32 $0x30;
	v26 =	vmul.f32 v23, v13;
	v11 =	vadd.f32 $1.000000050e-03, v51;
	v25 =	vadd.f32 $1.000000050e-03, v25  }
0xd8: {  	v36 =	vsel vm0, v27, v63;
	v27 =	vmul.f32 v23, v12;
	v12 =	vmov s30  }
0xd9: {  	v31 =	vshll.u32 v53, $0x7;
	v54 =	vadd.f32 v26, v26;
	v12 =	vshll.u32 v12, $0x7  }
0xda: {  	v28 =	vadd.f32 v25, v11;
	v52 =	vsub.f32 $1.000000000e+00, v27;
	v34 =	vor.u32 v16, v12  }
0xdb: {  	[tilespmem:$0x1FF40] =	vst v17;
	v48 =	vmul.f32 v26, v26;
	v12 =	vor.u32 v16, v31  }
0xdc: {  	[tilespmem:$0x1FF50] =	vst v14;
	v57 =	vor.u32 $0x1, v12;
	v56 =	vsub.f32 v28, v54;
	v28 =	vmul.f32 v52, v27  }
0xdd: {  	[tilespmem:$0x1FFD0] =	vst v13;
	v55 =	vadd.f32 $1.000000000e+00, v36;
	v58 =	vor.u32 $0x1, v34;
	v27 =	vmul.f32 v27, v27  }
0xde: {  	[tilespmem:$0x1FFC0] =	vst v11;
	v60 =	vor.u32 $0x2, v12;
	v59 =	vmul.f32 v11, v52;
	v31 =	vmul.f32 v56, v28  }
0xdf: {  	v61 =	vor.u32 $0x2, v34;
	v25 =	vmul.f32 v25, v27;
	v32 =	vmul.f32 v28, v54;
	v62 =	vld.idx.msk [tilespmem:v34+s4+$0x0], $0xffff  }
0xe0: {  	(erf) = vrcp.f32 v55;
	v46 =	vor.u32 $0x3, v12;
	v45 =	vld.idx.msk [tilespmem:v12+s4+$0x0], $0xffff;
	v63 =	vadd.f32 v31, v26  }
0xe1: {  	v47 =	vor.u32 $0x3, v34;
	v30 =	vmul.f32 v59, v52;
	v25 =	vadd.f32 v25, v32;
	v35 =	vld.idx.msk [tilespmem:v57+s4+$0x0], $0xffff  }
0xe2: {  	v50 =	vor.u32 $0x4, v12;
	(erf) = vrcp.f32 v29;
	v33 =	vld.idx.msk [tilespmem:v58+s4+$0x0], $0xffff;
	v49 =	vmul.f32 v63, v63  }
0xe3: {  	v51 =	vor.u32 $0x4, v34;
	v52 =	vld.idx.msk [tilespmem:v60+s4+$0x0], $0xffff;
	v25 =	vadd.f32 v30, v25;
	(erf) = vrcp.f32 v63  }
0xe4: {  	v53 =	vor.u32 $0x5, v12;
	v39 =	vld.idx.msk [tilespmem:v61+s4+$0x0], $0xffff;
	(erf) = vrcp.f32 v49  }
0xe5: {  	v41 =	vld.idx.msk [tilespmem:v46+s4+$0x0], $0xffff;
	v40 =	vmul.f32 $1.442695020e+00, v62;
	v37 =	vmul.f32 v25, v48;
	v25 =	vor.u32 $0x5, v34  }
0xe6: {  	v32 =	vld.idx.msk [tilespmem:v47+s4+$0x0], $0xffff;
	v31 =	vmul.f32 $1.442695020e+00, v45;
	v35 =	vmul.f32 $1.442695020e+00, v35  }
0xe7: {  	v54 =	vor.u32 $0x6, v12;
	v43 =	vld.idx.msk [tilespmem:v50+s4+$0x0], $0xffff;
	v33 =	vmul.f32 $1.442695020e+00, v33;
	(erf) = vpow2.f32 v40  }
0xe8: {  	v55 =	vor.u32 $0x6, v34;
	v29 =	vld.idx.msk [tilespmem:v51+s4+$0x0], $0xffff;
	v30 =	vmul.f32 $1.442695020e+00, v52;
	(erf) = vpow2.f32 v31  }
0xe9: {  	v56 =	vor.u32 $0x7, v12;
	v58 =	vld.idx.msk [tilespmem:v53+s4+$0x0], $0xffff;
	v39 =	vmul.f32 $1.442695020e+00, v39;
	(erf) = vpow2.f32 v35  }
0xea: {  	v57 =	vor.u32 $0x7, v34;
	(erf) = vpow2.f32 v33;
	v59 =	vld.idx.msk [tilespmem:v25+s4+$0x0], $0xffff;
	v25 =	vmul.f32 $1.442695020e+00, v41  }
0xeb: {  	(erf) = vpow2.f32 v30  }
0xec: {  	v60 =	vld.idx.msk [tilespmem:v54+s4+$0x0], $0xffff;
	v38 =	vpop (erf);
	v32 =	vmul.f32 $1.442695020e+00, v32;
	(erf) = vpow2.f32 v39  }
0xed: {  	v61 =	vld.idx.msk [tilespmem:v55+s4+$0x0], $0xffff;
	v62 =	vmul.f32 $1.442695020e+00, v43;
	v33 =	vpop (erf);
	(erf) = vpow2.f32 v25  }
0xee: {  	v29 =	vmul.f32 $1.442695020e+00, v29;
	v31 =	vld.idx.msk [tilespmem:v56+s4+$0x0], $0xffff;
	v25 =	vpop (erf);
	(erf) = vpow2.f32 v32  }
0xef: {  	v51 =	vld.idx.msk [tilespmem:v57+s4+$0x0], $0xffff;
	v52 =	vmul.f32 $1.442695020e+00, v58;
	v63 =	vpop (erf);
	(erf) = vpow2.f32 v62  }
0xf0: {  	v53 =	vmul.f32 $1.442695020e+00, v59;
	v35 =	vpop (erf);
	(erf) = vpow2.f32 v29  }
0xf1: {  	v54 =	vmul.f32 $1.442695020e+00, v60;
	v44 =	vpop (erf);
	(erf) = vpow2.f32 v52  }
0xf2: {  	v55 =	vor.u32 $0x8, v34;
	v57 =	vmul.f32 $1.442695020e+00, v61;
	v58 =	vpop (erf);
	(erf) = vpow2.f32 v53  }
0xf3: {  	v31 =	vmul.f32 $1.442695020e+00, v31;
	v46 =	vadd.f32 v58, v44;
	(erf) = vpow2.f32 v54;
	v59 =	vpop (erf)  }
0xf4: {  	v41 =	vmul.f32 $1.442695020e+00, v51;
	v39 =	vadd.f32 v59, v35;
	v60 =	vpop (erf);
	(erf) = vpow2.f32 v57  }
0xf5: {  	v49 =	vadd.f32 v60, v46;
	(erf) = vpow2.f32 v31;
	v61 =	vpop (erf)  }
0xf6: {  	v32 =	vmul.f32 v63, v37;
	v40 =	vadd.f32 v61, v39;
	v62 =	vpop (erf);
	(erf) = vpow2.f32 v41  }
0xf7: {  	v63 =	vor.u32 $0x9, v34;
	v41 =	vadd.f32 v62, v49;
	v56 =	vpop (erf)  }
0xf8: {  	v43 =	vor.u32 $0x8, v12;
	v37 =	vand.u32 $0x7FFFFF, v32;
	v42 =	vadd.f32 v56, v40;
	v57 =	vpop (erf)  }
0xf9: {  	v45 =	vor.u32 $0x9, v12;
	v50 =	vld.idx.msk [tilespmem:v55+s4+$0x0], $0xffff;
	v37 =	vor.u32 $0x3F800000, v37;
	v52 =	vadd.f32 v57, v41;
	v58 =	vpop (erf)  }
0xfa: {  	v55 =	vor.u32 $0xB, v12;
	v59 =	vmul.f32 $5.000000000e-01, v37;
	v48 =	vadd.f32 v58, v42;
	v60 =	vpop (erf)  }
0xfb: {  	v53 =	vor.u32 $0xA, v34;
	vm1 =	vgt.f32 v37, $1.414213540e+00;
	v54 =	vadd.f32 v60, v52;
	v61 =	vpop (erf)  }
0xfc: {  	v31 =	vld.idx.msk [tilespmem:v63+s4+$0x0], $0xffff;
	v30 =	vsel vm1, v59, v37;
	v37 =	vor.u32 $0xE, v12;
	v51 =	vadd.f32 v61, v48;
	v62 =	vpop (erf)  }
0xfd: {  	v43 =	vld.idx.msk [tilespmem:v43+s4+$0x0], $0xffff;
	v63 =	vadd.f32 $1.000000000e+00, v30;
	v56 =	vor.u32 $0xD, v12;
	v57 =	vadd.f32 v62, v54;
	v60 =	vpop (erf)  }
0xfe: {  	v45 =	vld.idx.msk [tilespmem:v45+s4+$0x0], $0xffff;
	v29 =	vmul.f32 $1.442695020e+00, v50;
	v58 =	vor.u32 $0xC, v12;
	v47 =	vadd.f32 v60, v51;
	v61 =	vpop (erf)  }
0xff: {  	v55 =	vld.idx.msk [tilespmem:v55+s4+$0x0], $0xffff;
	(erf) = vrcp.f32 v63;
	v50 =	vadd.f32 v61, v57;
	v59 =	vpop (erf)  }
0x100: {  	v53 =	vld.idx.msk [tilespmem:v53+s4+$0x0], $0xffff;
	v60 =	vor.u32 $0xA, v12;
	(erf) = vpow2.f32 v29;
	v59 =	vadd.f32 v59, v47  }
0x101: {  	v62 =	vmul.f32 $1.442695020e+00, v31;
	v31 =	vld.idx.msk [tilespmem:v37+s4+$0x0], $0xffff;
	(erf) = vrcp.f32 v50  }
0x102: {  	v43 =	vmul.f32 $1.442695020e+00, v43;
	v63 =	vld.idx.msk [tilespmem:v56+s4+$0x0], $0xffff;
	v61 =	vor.u32 $0xF, v12;
	(erf) = vrcp.f32 v59  }
0x103: {  	v45 =	vmul.f32 $1.442695020e+00, v45;
	v56 =	vld.idx.msk [tilespmem:v58+s4+$0x0], $0xffff;
	(erf) = vpow2.f32 v62  }
0x104: {  	(erf) = vpow2.f32 v43  }
0x105: {  	v62 =	vmul.f32 $1.442695020e+00, v53;
	v43 =	vld.idx.msk [tilespmem:v60+s4+$0x0], $0xffff;
	(erf) = vpow2.f32 v45  }
0x106: {  	v13 =	vor.u32 $0x15, v12;
	v55 =	vmul.f32 $1.442695020e+00, v55;
	v45 =	vmul.f32 $1.442695020e+00, v31  }
0x107: {  	v58 =	vor.u32 $0x17, v12;
	v50 =	vld.idx.msk [tilespmem:v61+s4+$0x0], $0xffff;
	v60 =	vmul.f32 $1.442695020e+00, v63;
	(erf) = vpow2.f32 v62  }
0x108: {  	s20 =	simm.s32 $0x19030;
	v29 =	vpop (erf);
	v53 =	vor.u32 $0x10, v12;
	v56 =	vmul.f32 $1.442695020e+00, v56;
	(erf) = vpow2.f32 v45  }
0x109: {  	v59 =	vor.u32 $0x18, v12;
	v31 =	vld [tilespmem:s20+$0xFFFFFFF0];
	v45 =	vor.u32 $0x11, v12;
	v37 =	vpop (erf);
	(erf) = vpow2.f32 v60  }
0x10a: {  	v60 =	vor.u32 $0x12, v12;
	v62 =	vmul.f32 $1.442695020e+00, v43;
	v63 =	vpop (erf);
	(erf) = vpow2.f32 v56  }
0x10b: {  	v56 =	vor.u32 $0x13, v12;
	v63 =	vmul.f32 v63, v1;
	v18 =	vpop (erf);
	(erf) = vpow2.f32 v55  }
0x10c: {  	v61 =	vor.u32 $0x16, v12;
	v50 =	vmul.f32 $1.442695020e+00, v50;
	v43 =	vpop (erf);
	(erf) = vpow2.f32 v62  }
0x10d: {  	v55 =	vor.u32 $0x14, v12;
	v62 =	vld.idx.msk [tilespmem:v53+s4+$0x0], $0xffff;
	v53 =	vmul.f32 v63, v57;
	v20 =	vpop (erf);
	v44 =	vmul.f32 v63, v44  }
0x10e: {  	v45 =	vld.idx.msk [tilespmem:v45+s4+$0x0], $0xffff;
	v57 =	vmax.f32 v9, v31;
	v54 =	vmul.f32 v63, v54;
	v49 =	vmul.f32 v63, v49;
	v12 =	vpop (erf)  }
0x10f: {  	v60 =	vld.idx.msk [tilespmem:v60+s4+$0x0], $0xffff;
	v57 =	vmin.f32 v2, v57;
	v19 =	vadd.f32 v12, v20;
	v12 =	vmul.f32 v63, v46  }
0x110: {  	v46 =	vmul.f32 v63, v52;
	v52 =	vld.idx.msk [tilespmem:v56+s4+$0x0], $0xffff;
	v56 =	vpop (erf);
	v17 =	vadd.f32 v44, v4;
	v44 =	vadd.f32 v53, v10  }
0x111: {  	v49 =	vadd.f32 v49, v6;
	v53 =	vadd.f32 v12, v3;
	v12 =	vmul.f32 v63, v41;
	v41 =	vpop (erf)  }
0x112: {  	v63 =	vadd.f32 v54, v7;
	v54 =	vld.idx.msk [tilespmem:v55+s4+$0x0], $0xffff;
	v46 =	vadd.f32 v46, v8;
	vm5 =	vge.f32 v57, v17;
	v14 =	vpop (erf)  }
0x113: {  	v13 =	vld.idx.msk [tilespmem:v13+s4+$0x0], $0xffff;
	v55 =	vadd.f32 v12, v5;
	vm11 =	vge.f32 v57, v53;
	v12 =	vsel vm5, v45, v62;
	v62 =	vpop (erf)  }
0x114: {  	v61 =	vld.idx.msk [tilespmem:v61+s4+$0x0], $0xffff;
	vm8 =	vge.f32 v57, v49;
	v45 =	vsel vm5, v60, v45;
	v12 =	vsel vm11, v60, v12;
	v60 =	vpop (erf)  }
0x115: {  	v58 =	vld.idx.msk [tilespmem:v58+s4+$0x0], $0xffff;
	vm6 =	vge.f32 v57, v46;
	v45 =	vsel vm11, v52, v45;
	v12 =	vsel vm8, v52, v12;
	v52 =	vpop (erf)  }
0x116: {  	v59 =	vld.idx.msk [tilespmem:v59+s4+$0x0], $0xffff;
	(erf) = vpow2.f32 v50;
	vm3 =	vge.f32 v57, v55;
	v52 =	vadd.f32 v52, v19  }
0x117: {  	vm10 =	vge.f32 v57, v63;
	v12 =	vsel vm3, v54, v12;
	v45 =	vsel vm8, v54, v45  }
0x118: {  	v12 =	vsel vm6, v13, v12;
	v13 =	vsel vm3, v13, v45;
	v45 =	vadd.f32 v60, v52  }
0x119: {  	vm9 =	vge.f32 v57, v44;
	v12 =	vsel vm10, v61, v12;
	v54 =	vsel vm6, v61, v13  }
0x11a: {  	v24 =	vsel vm9, v58, v12;
	v12 =	vsel vm10, v58, v54;
	v58 =	vadd.f32 v62, v45  }
0x11b: {  	v50 =	vsel vm9, v59, v12;
	v12 =	vand.u32 $0x7FFFFFFF, v24  }
0x11c: {  	v12 =	vsub.f32 $0.0e+00, v12;
	v60 =	vand.u32 $0x7FFFFFFF, v50;
	v22 =	vadd.f32 v14, v58  }
0x11d: {  	v61 =	vsub.f32 $0.0e+00, v60  }
0x11e: {  	v12 =	vmul.f32 $1.442695020e+00, v12;
	v54 =	vadd.f32 v41, v22  }
0x11f: {  	v59 =	vpop (erf);
	v41 =	vmul.f32 $1.442695020e+00, v61  }
0x120: {  	v60 =	vor.u32 $0x10, v34;
	(erf) = vpow2.f32 v12;
	v12 =	vadd.f32 v59, v54  }
0x121: {  	v59 =	vor.u32 $0x11, v34;
	(erf) = vpow2.f32 v41  }
0x122: {  	v41 =	vor.u32 $0x12, v34;
	(erf) = vrcp.f32 v12;
	v12 =	vld [tilespmem:s20+$0x0]  }
0x123: {  	v61 =	vor.u32 $0x13, v34  }
0x124: {  	v18 =	vmul.f32 v18, v1;
	v62 =	vor.u32 $0x14, v34  }
0x125: {  	v36 =	vadd.f32 $-1.000000000e+00, v36;
	v60 =	vld.idx.msk [tilespmem:v60+s4+$0x0], $0xffff  }
0x126: {  	v21 =	vor.u32 $0x15, v34;
	v35 =	vmul.f32 v18, v35;
	v40 =	vmul.f32 v18, v40;
	v59 =	vld.idx.msk [tilespmem:v59+s4+$0x0], $0xffff  }
0x127: {  	v42 =	vmul.f32 v18, v42;
	v13 =	vmul.f32 v18, v39;
	v14 =	vld.idx.msk [tilespmem:v41+s4+$0x0], $0xffff;
	v41 =	vmax.f32 v9, v12  }
0x128: {  	v48 =	vmul.f32 v18, v48;
	v51 =	vmul.f32 v18, v51;
	v39 =	vadd.f32 v35, v4;
	v61 =	vld.idx.msk [tilespmem:v61+s4+$0x0], $0xffff  }
0x129: {  	v40 =	vadd.f32 v40, v6;
	v23 =	vadd.f32 v13, v3;
	v62 =	vld.idx.msk [tilespmem:v62+s4+$0x0], $0xffff;
	v35 =	vmin.f32 v2, v41  }
0x12a: {  	v42 =	vadd.f32 v42, v5;
	v18 =	vmul.f32 v18, v47;
	vm7 =	vge.f32 v35, v39;
	v41 =	vpop (erf)  }
0x12b: {  	vm4 =	vge.f32 v35, v23;
	vm2 =	vge.f32 v35, v40;
	v60 =	vsel vm7, v59, v60;
	v16 =	vpop (erf)  }
0x12c: {  	v59 =	vsel vm7, v14, v59;
	v41 =	vadd.f32 $1.000000000e+00, v41;
	v15 =	vsel vm4, v14, v60;
	v13 =	vpop (erf)  }
0x12d: {  	v59 =	vsel vm4, v61, v59;
	v15 =	vsel vm2, v61, v15;
	v13 =	vmul.f32 v13, v1  }
0x12e: {  	v16 =	vadd.f32 $1.000000000e+00, v16;
	v59 =	vsel vm2, v62, v59;
	v60 =	vand.u32 $0x7FFFFF, v41  }
0x12f: {  	v60 =	vor.u32 $0x3F800000, v60;
	v20 =	vmul.f32 v13, v20;
	v19 =	vmul.f32 v13, v19  }
0x130: {  	v41 =	vshrl.u32 v41, $0x17;
	v14 =	vmul.f32 $5.000000000e-01, v60;
	v52 =	vmul.f32 v13, v52  }
0x131: {  	v41 =	vand.u32 $0xFF, v41;
	v45 =	vmul.f32 v13, v45;
	v58 =	vmul.f32 v13, v58  }
0x132: {  	vm12 =	vgt.f32 v60, $1.414213540e+00;
	v22 =	vmul.f32 v13, v22;
	v13 =	vmul.f32 v13, v54  }
0x133: {  	v20 =	vadd.f32 v20, v4;
	v19 =	vadd.f32 v19, v3;
	v14 =	vsel vm12, v14, v60  }
0x134: {  	v60 =	vsel vm5, v17, v9;
	v52 =	vadd.f32 v52, v6;
	v45 =	vadd.f32 v45, v5  }
0x135: {  	v17 =	vsel vm5, v53, v17;
	v22 =	vadd.f32 v22, v7;
	v61 =	vadd.f32 $1.000000000e+00, v14  }
0x136: {  	v13 =	vadd.f32 v13, v10;
	v53 =	vsel vm11, v53, v60;
	v60 =	vor.u32 $0x16, v34  }
0x137: {  	v47 =	vsel vm5, v20, v9;
	(erf) = vrcp.f32 v61;
	v61 =	vand.u32 $0x7FFFFF, v16  }
0x138: {  	v21 =	vld.idx.msk [tilespmem:v21+s4+$0x0], $0xffff;
	v20 =	vsel vm5, v19, v20;
	vm5 =	vge.f32 v35, v42;
	v61 =	vor.u32 $0x3F800000, v61  }
0x139: {  	v17 =	vsel vm11, v49, v17;
	v15 =	vsel vm5, v62, v15;
	v62 =	vmul.f32 $5.000000000e-01, v61  }
0x13a: {  	v14 =	vadd.f32 $-1.000000000e+00, v14;
	v49 =	vsel vm8, v49, v53;
	vm14 =	vgt.f32 v61, $1.414213540e+00  }
0x13b: {  	v53 =	vor.u32 $0x18, v34;
	v19 =	vsel vm11, v19, v47;
	v61 =	vsel vm14, v62, v61  }
0x13c: {  	v47 =	vadd.f32 v48, v8;
	v62 =	vor.u32 $0x17, v34;
	v48 =	vadd.f32 $1.000000000e+00, v61  }
0x13d: {  	v17 =	vsel vm8, v55, v17;
	v20 =	vsel vm11, v52, v20;
	v59 =	vsel vm5, v21, v59  }
0x13e: {  	v17 =	vsel vm3, v46, v17;
	v16 =	vshrl.u32 v16, $0x17;
	(erf) = vrcp.f32 v48  }
0x13f: {  	v19 =	vsel vm8, v52, v19;
	v20 =	vsel vm8, v45, v20;
	vm8 =	vge.f32 v35, v47;
	v52 =	vld.idx.msk [tilespmem:v60+s4+$0x0], $0xffff  }
0x140: {  	v17 =	vsel vm6, v63, v17;
	v16 =	vand.u32 $0xFF, v16;
	v15 =	vsel vm8, v21, v15  }
0x141: {  	v21 =	vsel vm3, v55, v49;
	v55 =	vadd.f32 v58, v8;
	v48 =	vadd.f32 v51, v7;
	v49 =	vld.idx.msk [tilespmem:v62+s4+$0x0], $0xffff  }
0x142: {  	v19 =	vsel vm3, v45, v19;
	v17 =	vsel vm10, v44, v17;
	v21 =	vsel vm6, v46, v21  }
0x143: {  	v46 =	vor.u32 $0xB, v34;
	v20 =	vsel vm3, v55, v20;
	vm3 =	vge.f32 v35, v48;
	v51 =	vpop (erf);
	v62 =	vld.idx.msk [tilespmem:v53+s4+$0x0], $0xffff  }
0x144: {  	v15 =	vsel vm3, v52, v15;
	v14 =	vmul.f32 v51, v14;
	v51 =	vadd.f32 v18, v10  }
0x145: {  	v19 =	vsel vm6, v55, v19;
	v20 =	vsel vm6, v22, v20;
	v60 =	vsel vm8, v52, v59  }
0x146: {  	vm6 =	vge.f32 v35, v51;
	v18 =	vsel vm3, v49, v60;
	v60 =	vadd.f32 $-1.000000000e+00, v61  }
0x147: {  	v17 =	vsel vm9, v2, v17;
	v53 =	vmul.f32 v38, v36;
	v38 =	vsel vm6, v49, v15;
	v15 =	vpop (erf)  }
0x148: {  	v36 =	vsel vm6, v62, v18;
	v18 =	vsel vm10, v63, v21;
	v15 =	vmul.f32 v15, v60  }
0x149: {  	v19 =	vsel vm10, v22, v19;
	v58 =	vmul.f32 v14, v14;
	v18 =	vsel vm9, v44, v18  }
0x14a: {  	v22 =	vor.u32 $0xD, v34;
	v62 =	vld.idx.msk [tilespmem:v46+s4+$0x0], $0xffff;
	v17 =	vsub.f32 v17, v18;
	v46 =	vmul.f32 v15, v15  }
0x14b: {  	v20 =	vsel vm10, v13, v20;
	v52 =	vor.u32 $0xF, v34;
	v21 =	vmul.f32 $1.428571490e-01, v58  }
0x14c: {  	v14 =	vadd.f32 v14, v14;
	(erf) = vrcp.f32 v17;
	v17 =	vmul.f32 $1.428571490e-01, v46  }
0x14d: {  	v61 =	vor.u32 $0xC, v34;
	v49 =	vor.u32 $0xE, v34;
	v21 =	vadd.f32 $2.000000030e-01, v21  }
0x14e: {  	v63 =	vimm.s32 $0xFFFFFF81;
	v59 =	vand.u32 $0x7FFFFFFF, v38;
	v17 =	vadd.f32 $2.000000030e-01, v17  }
0x14f: {  	v54 =	vsel vm12, $0xFFFFFF82, v63;
	v34 =	vsub.f32 $0.0e+00, v59;
	v21 =	vmul.f32 v21, v58  }
0x150: {  	v41 =	vadd.s32 v41, v54;
	v60 =	vsel vm14, $0xFFFFFF82, v63;
	v17 =	vmul.f32 v17, v46  }
0x151: {  	v16 =	vadd.s32 v16, v60;
	v41 =	vcvt.s32.f32 v41;
	v21 =	vadd.f32 $3.333333430e-01, v21  }
0x152: {  	v44 =	vld.idx.msk [tilespmem:v61+s4+$0x0], $0xffff;
	v61 =	vand.u32 $0x7FFFFFFF, v36;
	v16 =	vcvt.s32.f32 v16;
	v17 =	vadd.f32 $3.333333430e-01, v17  }
0x153: {  	v15 =	vadd.f32 v15, v15;
	v45 =	vmul.f32 $1.442695020e+00, v62;
	v21 =	vmul.f32 v21, v58  }
0x154: {  	v54 =	vsub.f32 $0.0e+00, v61;
	v62 =	vmul.f32 $1.442695020e+00, v34;
	v17 =	vmul.f32 v17, v46  }
0x155: {  	v41 =	vmul.f32 $6.931471820e-01, v41;
	v34 =	vsel vm9, v13, v19;
	v21 =	vadd.f32 $1.000000000e+00, v21  }
0x156: {  	v22 =	vld.idx.msk [tilespmem:v22+s4+$0x0], $0xffff;
	v16 =	vmul.f32 $6.931471820e-01, v16;
	v13 =	vmul.f32 $1.442695020e+00, v54;
	v17 =	vadd.f32 $1.000000000e+00, v17  }
0x157: {  	(erf) = vpow2.f32 v62;
	v14 =	vmul.f32 v21, v14  }
0x158: {  	v20 =	vsel vm9, v2, v20;
	(erf) = vpow2.f32 v45;
	v15 =	vmul.f32 v17, v15  }
0x159: {  	v44 =	vmul.f32 $1.442695020e+00, v44;
	(erf) = vpow2.f32 v13;
	v14 =	vadd.f32 v14, v41;
	v17 =	vld.idx.msk [tilespmem:v52+s4+$0x0], $0xffff  }
0x15a: {  	v19 =	vld.idx.msk [tilespmem:v49+s4+$0x0], $0xffff;
	v46 =	vsub.f32 v20, v34;
	v20 =	vmax.f32 v24, $0.0e+00;
	v15 =	vadd.f32 v15, v16  }
0x15b: {  	v13 =	vmul.f32 $1.442695020e+00, v22;
	v21 =	vmax.f32 v50, $0.0e+00;
	v14 =	vadd.f32 v14, v20  }
0x15c: {  	(erf) = vpow2.f32 v44;
	v16 =	vsub.f32 v57, v18;
	v15 =	vadd.f32 v15, v21  }
0x15d: {  	(erf) = vpow2.f32 v13;
	v45 =	vadd.f32 $1.000000050e-03, v14;
	v18 =	vpop (erf)  }
0x15e: {  	v20 =	vmul.f32 v18, v16;
	v13 =	vadd.f32 $1.000000050e-03, v15;
	v15 =	vmul.f32 $1.442695020e+00, v17  }
0x15f: {  	v21 =	vadd.f32 v43, v37;
	v16 =	vmul.f32 $1.442695020e+00, v19;
	v43 =	vmul.f32 v18, v46  }
0x160: {  	v55 =	vmul.f32 v53, v53;
	v14 =	vsub.f32 $1.000000000e+00, v20  }
0x161: {  	v18 =	vpop (erf);
	(erf) = vpow2.f32 v16;
	v17 =	vadd.f32 v43, v43;
	v16 =	vadd.f32 v13, v45  }
0x162: {  	v19 =	vmul.f32 $1.428571490e-01, v55;
	(erf) = vpow2.f32 v15;
	v15 =	vpop (erf)  }
0x163: {  	v50 =	vadd.f32 $1.000000000e+00, v18;
	v44 =	vmul.f32 v14, v20;
	v16 =	vsub.f32 v16, v17;
	v18 =	vpop (erf)  }
0x164: {  	v22 =	vadd.f32 v56, v21;
	v52 =	vadd.f32 $1.000000000e+00, v18  }
0x165: {  	v18 =	vadd.f32 $2.000000030e-01, v19;
	v16 =	vmul.f32 v16, v44;
	v19 =	vand.u32 $0x7FFFFF, v50  }
0x166: {  	v15 =	vadd.f32 v15, v22;
	v19 =	vor.u32 $0x3F800000, v19  }
0x167: {  	v24 =	vpop (erf);
	v49 =	vadd.f32 v16, v43;
	v16 =	vmul.f32 $5.000000000e-01, v19  }
0x168: {  	v24 =	vadd.f32 v24, v15  }
0x169: {  	v60 =	vpop (erf)  }
0x16a: {  	v59 =	vand.u32 $0x7FFFFF, v52;
	vm9 =	vgt.f32 v19, $1.414213540e+00;
	v56 =	vadd.f32 v60, v24  }
0x16b: {  	v41 =	vor.u32 $0x3F800000, v59;
	v19 =	vsel vm9, v16, v19;
	v16 =	vpop (erf)  }
0x16c: {  	v61 =	vmul.f32 $5.000000000e-01, v41;
	v54 =	vadd.f32 v16, v56;
	v16 =	vld [tilespmem:$0x1FF40]  }
0x16d: {  	v62 =	vmul.f32 v49, v49  }
0x16e: {  	v60 =	vadd.f32 $1.000000000e+00, v19  }
0x16f: {  	vm10 =	vgt.f32 v41, $1.414213540e+00;
	(erf) = vrcp.f32 v62  }
0x170: {  	v41 =	vsel vm10, v61, v41;
	v61 =	vpop (erf);
	(erf) = vrcp.f32 v60;
	v60 =	vld [tilespmem:$0x1FF60]  }
0x171: {  	v16 =	vmul.f32 v16, v0;
	v0 =	vld [tilespmem:$0x1FF50];
	_ =	sdelay $0x4  }
0x172: {  	v58 =	vmul.f32 v60, v0;
	v0 =	vld [tilespmem:$0x1FF70];
	_ =	sdelay $0x1  }
0x173: {  	v11 =	vmov v7;
	v26 =	vmul.f32 v27, v26;
	v62 =	vadd.f32 $1.000000000e+00, v41  }
0x174: {  	v7 =	vmovc v8;
	v8 =	vmovc v5;
	v5 =	vmov v6;
	v18 =	vmul.f32 v18, v55;
	v57 =	vadd.f32 v61, v54  }
0x175: {  	v6 =	vmovc v3;
	v3 =	vmovc v4;
	v4 =	vmov v1;
	v1 =	vld [tilespmem:$0x1FFB0];
	v53 =	vadd.f32 v53, v53;
	(erf) = vrcp.f32 v62  }
0x176: {  	v18 =	vadd.f32 $3.333333430e-01, v18;
	(erf) = vrcp.f32 v57;
	v61 =	vshrl.u32 v0, $0x17;
	v0 =	vld [tilespmem:$0x1FF80]  }
0x177: {  	v20 =	vmul.f32 v20, v20;
	v62 =	vsel vm0, $0xFFFFFF82, v63;
	v57 =	vand.u32 $0xFF, v61  }
0x178: {  	v17 =	vmul.f32 v44, v17;
	v18 =	vmul.f32 v18, v55;
	v60 =	vadd.s32 v57, v62;
	v62 =	vld [tilespmem:$0x1FFA0]  }
0x179: {  	v13 =	vmul.f32 v13, v20;
	v16 =	vadd.f32 v58, v16;
	v55 =	vcvt.s32.f32 v60  }
0x17a: {  	vm11 =	vge.f32 v1, v9;
	vm12 =	vle.f32 v1, v2;
	v18 =	vadd.f32 $1.000000000e+00, v18  }
0x17b: {  	v20 =	vmul.f32 v20, v43;
	v13 =	vadd.f32 v13, v17;
	v16 =	vmul.f32 v16, v0  }
0x17c: {  	v59 =	vsel vm9, $0xFFFFFF82, v63;
	v18 =	vmul.f32 v18, v53;
	v53 =	vpop (erf);
	v61 =	vmul.f32 $6.931471820e-01, v55;
	v0 =	vld [tilespmem:$0x1FF90]  }
0x17d: {  	v19 =	vadd.f32 $-1.000000000e+00, v19;
	v16 =	vmul.f32 v33, v16;
	vm0 =	vge.f32 v62, v9;
	v55 =	vpop (erf)  }
0x17e: {  	vm15 =	vle.f32 v62, v2;
	v18 =	vadd.f32 v18, v61;
	v61 =	vsel vm7, v39, v9;
	v33 =	vpop (erf)  }
0x17f: {  	v58 =	vsel vm1, $0xFFFFFF82, v63;
	vm0 =	vmand vm0, vm15;
	v61 =	vsel vm4, v23, v61;
	v60 =	vpop (erf)  }
0x180: {  	v23 =	vsel vm7, v23, v39;
	v19 =	vmul.f32 v55, v19;
	v57 =	vmul.f32 v60, v4  }
0x181: {  	v18 =	vnsel vm0, $0x0, v18;
	v61 =	vsel vm2, v40, v61;
	v16 =	vadd.f32 v16, v0  }
0x182: {  	v60 =	vsel vm10, $0xFFFFFF82, v63;
	v39 =	vsel vm5, v42, v61;
	v37 =	vmul.f32 v57, v37  }
0x183: {  	v16 =	vsel vm0, v16, v62;
	v21 =	vmul.f32 v57, v21;
	v62 =	vmul.f32 v45, v14  }
0x184: {  	v61 =	vshrl.u32 v52, $0x17;
	v22 =	vmul.f32 v57, v22;
	v15 =	vmul.f32 v57, v15  }
0x185: {  	vm0 =	vmand vm11, vm12;
	v24 =	vmul.f32 v57, v24;
	v14 =	vmul.f32 v62, v14  }
0x186: {  	v55 =	vmul.f32 v57, v56;
	v17 =	vadd.f32 v21, v6;
	v21 =	vsel vm4, v40, v23  }
0x187: {  	v0 =	vld [tilespmem:$0x1FFC0];
	v62 =	vmul.f32 v43, v43;
	v21 =	vsel vm2, v42, v21;
	v13 =	vadd.f32 v14, v13  }
0x188: {  	vm0 =	vmmov vm0;
	v37 =	vadd.f32 v37, v3;
	v14 =	vsel vm5, v47, v21  }
0x189: {  	v21 =	vsel vm8, v47, v39;
	v14 =	vsel vm8, v48, v14;
	v13 =	vmul.f32 v13, v62  }
0x18a: {  	v22 =	vadd.f32 v22, v5;
	v21 =	vsel vm3, v48, v21;
	v14 =	vsel vm3, v51, v14  }
0x18b: {  	v21 =	vsel vm6, v51, v21;
	v14 =	vsel vm6, v2, v14;
	v13 =	vmul.f32 v53, v13  }
0x18c: {  	v15 =	vadd.f32 v15, v8;
	v28 =	vmul.f32 v0, v28;
	v14 =	vsub.f32 v14, v21  }
0x18d: {  	v23 =	vsel vm7, v37, v9;
	v37 =	vsel vm7, v17, v37;
	v48 =	vand.u32 $0x7FFFFF, v13  }
0x18e: {  	v39 =	vand.u32 $0xFF, v61;
	(erf) = vrcp.f32 v14;
	v14 =	vor.u32 $0x3F800000, v48  }
0x18f: {  	v17 =	vsel vm4, v17, v23;
	v23 =	vsel vm4, v22, v37;
	v53 =	vmul.f32 $5.000000000e-01, v14  }
0x190: {  	v39 =	vadd.s32 v39, v60;
	v17 =	vsel vm2, v22, v17;
	vm1 =	vgt.f32 v14, $1.414213540e+00  }
0x191: {  	v22 =	vsel vm2, v15, v23;
	v23 =	vadd.f32 v24, v7;
	v14 =	vsel vm1, v53, v14  }
0x192: {  	v51 =	vadd.f32 $-1.000000000e+00, v41;
	v39 =	vcvt.s32.f32 v39;
	v24 =	vadd.f32 $1.000000000e+00, v14  }
0x193: {  	v0 =	vld [tilespmem:$0x1FFD0];
	v15 =	vsel vm5, v15, v17;
	v17 =	vsel vm5, v23, v22;
	v22 =	vmul.f32 v19, v19  }
0x194: {  	vm2 =	vle.f32 v31, v2;
	v33 =	vmul.f32 v33, v51;
	(erf) = vrcp.f32 v24  }
0x195: {  	v15 =	vsel vm8, v23, v15;
	v23 =	vadd.f32 v28, v26;
	v26 =	vshrl.u32 v32, $0x17  }
0x196: {  	v19 =	vadd.f32 v19, v19;
	v39 =	vmul.f32 $6.931471820e-01, v39;
	v27 =	vmul.f32 $1.428571490e-01, v22  }
0x197: {  	v21 =	vsub.f32 v35, v21;
	v26 =	vand.u32 $0xFF, v26;
	v37 =	vmul.f32 v33, v33  }
0x198: {  	v23 =	vmul.f32 v23, v0;
	v26 =	vadd.s32 v26, v58;
	v27 =	vadd.f32 $2.000000030e-01, v27  }
0x199: {  	v58 =	vshrl.u32 v50, $0x17;
	v51 =	vadd.f32 v33, v33;
	v56 =	vmul.f32 $1.428571490e-01, v37  }
0x19a: {  	v13 =	vshrl.u32 v13, $0x17;
	v26 =	vcvt.s32.f32 v26;
	v27 =	vmul.f32 v27, v22  }
0x19b: {  	v32 =	vand.u32 $0xFF, v58;
	v48 =	vmul.f32 v57, v54;
	v28 =	vadd.f32 $2.000000030e-01, v56  }
0x19c: {  	v54 =	vmax.f32 v38, $0.0e+00;
	v14 =	vadd.f32 $-1.000000000e+00, v14;
	v27 =	vadd.f32 $3.333333430e-01, v27;
	v62 =	vpop (erf)  }
0x19d: {  	v57 =	vmul.f32 v45, v44;
	v13 =	vand.u32 $0xFF, v13;
	v28 =	vmul.f32 v28, v37;
	v47 =	vpop (erf)  }
0x19e: {  	v32 =	vadd.s32 v32, v59;
	v22 =	vmul.f32 v27, v22;
	v14 =	vmul.f32 v47, v14  }
0x19f: {  	v23 =	vmul.f32 v25, v23;
	v24 =	vadd.f32 v55, v11;
	v27 =	vadd.f32 $3.333333430e-01, v28  }
0x1a0: {  	v53 =	vadd.f32 v48, v10;
	v22 =	vadd.f32 $1.000000000e+00, v22;
	v52 =	vmul.f32 v14, v14  }
0x1a1: {  	v17 =	vsel vm8, v24, v17;
	v15 =	vsel vm3, v24, v15;
	v27 =	vmul.f32 v27, v37  }
0x1a2: {  	v24 =	vsel vm3, v53, v17;
	v17 =	vmul.f32 v22, v19;
	v19 =	vmul.f32 $1.428571490e-01, v52  }
0x1a3: {  	v32 =	vcvt.s32.f32 v32;
	v25 =	vsel vm1, $0xFFFFFF82, v63;
	(erf) = vrcp.f32 v49  }
0x1a4: {  	v13 =	vadd.s32 v13, v25;
	v27 =	vadd.f32 $1.000000000e+00, v27;
	v19 =	vadd.f32 $2.000000030e-01, v19  }
0x1a5: {  	v20 =	vadd.f32 v57, v20;
	v50 =	vmul.f32 $6.931471820e-01, v32;
	v13 =	vcvt.s32.f32 v13  }
0x1a6: {  	vm1 =	vge.f32 v31, v9;
	v27 =	vmul.f32 v27, v51;
	v56 =	vmul.f32 v19, v52  }
0x1a7: {  	v28 =	vadd.f32 v17, v50;
	v17 =	vsel vm6, v53, v15;
	v15 =	vsel vm6, v2, v24  }
0x1a8: {  	v20 =	vmul.f32 v20, v46;
	v19 =	vsub.f32 v15, v17;
	v15 =	vadd.f32 $3.333333430e-01, v56  }
0x1a9: {  	v13 =	vmul.f32 $6.931471820e-01, v13;
	v22 =	vadd.f32 $-1.000000000e+00, v30;
	v27 =	vadd.f32 v27, v39  }
0x1aa: {  	v55 =	vmax.f32 v36, $0.0e+00;
	v21 =	vmul.f32 v62, v21;
	v15 =	vmul.f32 v15, v52  }
0x1ab: {  	v22 =	vmul.f32 v29, v22;
	v24 =	vadd.f32 v28, v54;
	v27 =	vadd.f32 v27, v55  }
0x1ac: {  	v25 =	vpop (erf);
	v14 =	vadd.f32 v14, v14;
	v58 =	vmul.f32 v62, v19;
	v15 =	vadd.f32 $1.000000000e+00, v15  }
0x1ad: {  	s22 =	simm.s32 $0x19390;
	v0 =	vld [tilespmem:$0x1FFE0];
	v24 =	vadd.f32 $1.000000050e-03, v24;
	v20 =	vmul.f32 v25, v20;
	v25 =	vadd.f32 $1.000000050e-03, v27  }
0x1ae: {  	[tilespmem:s22+$0xFFFFFFF0] =	vst v16;
	v16 =	vadd.f32 v22, v22;
	v59 =	vadd.f32 v58, v58;
	v14 =	vmul.f32 v15, v14  }
0x1af: {  	vm1 =	vmand vm1, vm2;
	v15 =	vadd.f32 v20, v34;
	v20 =	vadd.f32 v25, v24  }
0x1b0: {  	vm2 =	vle.f32 v12, v2;
	v27 =	vsub.f32 $1.000000000e+00, v21;
	v13 =	vadd.f32 v14, v13  }
0x1b1: {  	v31 =	vsel vm1, v15, v31;
	v14 =	vmul.f32 $6.931471820e-01, v26;
	v20 =	vsub.f32 v20, v59  }
0x1b2: {  	v60 =	vnsel vm1, $0x0, v13;
	v13 =	vadd.f32 v23, v0;
	v23 =	vmul.f32 v27, v21  }
0x1b3: {  	v15 =	vmul.f32 v58, v58;
	vm1 =	vge.f32 v12, v9;
	v21 =	vmul.f32 v21, v21  }
0x1b4: {  	v26 =	vsel vm0, v13, v1;
	v13 =	vmul.f32 v24, v27;
	v20 =	vmul.f32 v20, v23  }
0x1b5: {  	s21 =	simm.s32 $0x19710;
	vm2 =	vmand vm1, vm2;
	v25 =	vmul.f32 v25, v21;
	v61 =	vmul.f32 v23, v59  }
0x1b6: {  	[tilespmem:s21+$0xFFFFFFF0] =	vst v18;
	v27 =	vmul.f32 v13, v27;
	v62 =	vadd.f32 v20, v58;
	v13 =	vmul.f32 v22, v22  }
0x1b7: {  	v21 =	vmul.f32 v21, v58;
	[tilespmem:s22+$0x0] =	vst v26;
	s22 =	simm.s32 $0x193B0;
	v22 =	vmul.f32 v24, v23;
	v23 =	vadd.f32 v25, v61  }
0x1b8: {  	s23 =	simm.s32 $0x19730;
	vm1 =	vmmov vm0;
	[tilespmem:s22+$0xFFFFFFF0] =	vst v31;
	v20 =	vmul.f32 v62, v62;
	v18 =	vmul.f32 $1.428571490e-01, v13  }
0x1b9: {  	s24 =	simm.s32 $0x2;
	s25 =	simm.s32 $0x50;
	[tilespmem:s23+$0xFFFFFFF0] =	vst v60;
	v24 =	vadd.f32 v22, v21;
	v21 =	vadd.f32 v27, v23;
	(erf) = vrcp.f32 v62  }
.LBB2_5:
0x1ba: {  	v0 =	vld [tilespmem:$0x1FFF0];
	_ =	sdelay $0x2  }
0x1bb: {  	s26 =	sadd.s32 $0xFFFFFFF0, s25;
	v22 =	vmov s25;
	(erf) = vrcp.f32 v20  }
0x1bc: {  	v18 =	vadd.f32 $2.000000030e-01, v18;
	v20 =	vmov s26;
	v22 =	vshll.u32 v22, $0x7  }
0x1bd: {  	v25 =	vmul.f32 v21, v15;
	v15 =	vshll.u32 v20, $0x7;
	v26 =	vor.u32 v0, v22  }
0x1be: {  	v27 =	vmul.f32 v18, v13;
	v18 =	vor.u32 v0, v15  }
0x1bf: {  	v19 =	vmul.f32 v24, v19;
	v15 =	vor.u32 $0x1, v26;
	v22 =	vor.u32 $0x1, v18  }
0x1c0: {  	v20 =	vor.u32 $0x2, v26;
	v28 =	vor.u32 $0x3, v26;
	v29 =	vor.u32 $0x4, v26  }
0x1c1: {  	v30 =	vor.u32 $0x5, v26;
	v31 =	vor.u32 $0x6, v26;
	v23 =	vor.u32 $0x2, v18  }
0x1c2: {  	v32 =	vor.u32 $0x7, v26;
	v33 =	vor.u32 $0x10, v26;
	v34 =	vor.u32 $0x11, v26;
	v35 =	vld.idx.msk [tilespmem:v26+s4+$0x0], $0xffff  }
0x1c3: {  	v36 =	vor.u32 $0x12, v26;
	v37 =	vor.u32 $0x13, v26;
	v40 =	vor.u32 $0x3, v18;
	v39 =	vld.idx.msk [tilespmem:v18+s4+$0x0], $0xffff  }
0x1c4: {  	v38 =	vor.u32 $0x14, v26;
	v41 =	vor.u32 $0x15, v26;
	v42 =	vor.u32 $0x16, v26;
	v44 =	vld.idx.msk [tilespmem:v22+s4+$0x0], $0xffff  }
0x1c5: {  	v45 =	vor.u32 $0x8, v26;
	v46 =	vor.u32 $0x17, v26;
	v49 =	vor.u32 $0x4, v18;
	v50 =	vld.idx.msk [tilespmem:v15+s4+$0x0], $0xffff  }
0x1c6: {  	v47 =	vor.u32 $0x18, v26;
	v51 =	vor.u32 $0x9, v26;
	v54 =	vor.u32 $0x5, v18;
	v53 =	vld.idx.msk [tilespmem:v23+s4+$0x0], $0xffff  }
0x1c7: {  	v52 =	vor.u32 $0xA, v26;
	v43 =	vor.u32 $0xB, v26;
	v21 =	vpop (erf);
	v23 =	vor.u32 $0xC, v26;
	v55 =	vld.idx.msk [tilespmem:v20+s4+$0x0], $0xffff  }
0x1c8: {  	v48 =	vpop (erf);
	v22 =	vor.u32 $0xD, v26;
	v20 =	vor.u32 $0xE, v26;
	v15 =	vor.u32 $0xF, v26;
	v26 =	vld.idx.msk [tilespmem:v40+s4+$0x0], $0xffff  }
0x1c9: {  	v25 =	vmul.f32 v48, v25;
	v40 =	vadd.f32 $3.333333430e-01, v27;
	v28 =	vld.idx.msk [tilespmem:v28+s4+$0x0], $0xffff;
	v35 =	vmul.f32 $1.442695020e+00, v35  }
0x1ca: {  	v27 =	vor.u32 $0x6, v18;
	v24 =	vld.idx.msk [tilespmem:v49+s4+$0x0], $0xffff;
	v39 =	vmul.f32 $1.442695020e+00, v39;
	v44 =	vmul.f32 $1.442695020e+00, v44  }
0x1cb: {  	vm3 =	vmmov vm2;
	v58 =	vld.idx.msk [tilespmem:v54+s4+$0x0], $0xffff;
	v57 =	vmul.f32 $1.442695020e+00, v50;
	v59 =	vmul.f32 $1.442695020e+00, v53  }
0x1cc: {  	v0 =	vimm.s32 $0x0;
	v61 =	vld.idx.msk [tilespmem:v31+s4+$0x0], $0xffff;
	v60 =	vmul.f32 $1.442695020e+00, v55;
	(erf) = vpow2.f32 v35  }
0x1cd: {  	v56 =	vor.u32 $0x7, v18;
	v26 =	vmul.f32 $1.442695020e+00, v26;
	(erf) = vpow2.f32 v39  }
0x1ce: {  	v0 =	vsel vm3, $0xFFFFFFFF, v0;
	v29 =	vld.idx.msk [tilespmem:v29+s4+$0x0], $0xffff;
	v28 =	vmul.f32 $1.442695020e+00, v28;
	(erf) = vpow2.f32 v44  }
0x1cf: {  	v62 =	vand.u32 $0x7FFFFF, v25;
	v27 =	vld.idx.msk [tilespmem:v27+s4+$0x0], $0xffff;
	v24 =	vmul.f32 $1.442695020e+00, v24;
	(erf) = vpow2.f32 v57  }
0x1d0: {  	v30 =	vld.idx.msk [tilespmem:v30+s4+$0x0], $0xffff;
	v25 =	vshrl.u32 v25, $0x17;
	v55 =	vmul.f32 $1.442695020e+00, v58;
	(erf) = vpow2.f32 v59  }
0x1d1: {  	v1 =	vmul.f32 $1.442695020e+00, v61;
	v44 =	vor.u32 $0x3F800000, v62;
	(erf) = vpow2.f32 v60  }
0x1d2: {  	v48 =	vld.idx.msk [tilespmem:v56+s4+$0x0], $0xffff;
	v25 =	vand.u32 $0xFF, v25;
	v58 =	vmul.f32 $5.000000000e-01, v44;
	(erf) = vpow2.f32 v26  }
0x1d3: {  	v31 =	vld.idx.msk [tilespmem:v37+s4+$0x0], $0xffff;
	vm0 =	vgt.f32 v44, $1.414213540e+00;
	v26 =	vmul.f32 $1.442695020e+00, v29;
	(erf) = vpow2.f32 v28  }
0x1d4: {  	[tilespmem:$0x1FF30] =	vst v0;
	v62 =	vsel vm0, $0xFFFFFF82, v63;
	v63 =	vld.idx.msk [tilespmem:v32+s4+$0x0], $0xffff;
	v0 =	vmul.f32 $1.442695020e+00, v27;
	(erf) = vpow2.f32 v24  }
0x1d5: {  	v52 =	vld.idx.msk [tilespmem:v52+s4+$0x0], $0xffff;
	v24 =	vmul.f32 $1.442695020e+00, v30;
	v35 =	vpop (erf);
	(erf) = vpow2.f32 v26  }
0x1d6: {  	v43 =	vld.idx.msk [tilespmem:v43+s4+$0x0], $0xffff;
	v53 =	vadd.s32 v25, v62;
	v61 =	vsel vm0, v58, v44;
	v25 =	vpop (erf);
	(erf) = vpow2.f32 v55  }
0x1d7: {  	v50 =	vld.idx.msk [tilespmem:v51+s4+$0x0], $0xffff;
	v58 =	vcvt.s32.f32 v53;
	v53 =	vor.u32 $0xE, v18;
	v26 =	vpop (erf);
	(erf) = vpow2.f32 v24  }
0x1d8: {  	v32 =	vld.idx.msk [tilespmem:v34+s4+$0x0], $0xffff;
	v24 =	vmul.f32 $1.442695020e+00, v48;
	v26 =	vadd.f32 v26, v25;
	(erf) = vpow2.f32 v0;
	v27 =	vpop (erf)  }
0x1d9: {  	v34 =	vld.idx.msk [tilespmem:v36+s4+$0x0], $0xffff;
	v56 =	vmul.f32 $1.442695020e+00, v63;
	v36 =	vadd.f32 v27, v35;
	v27 =	vpop (erf);
	(erf) = vpow2.f32 v1  }
0x1da: {  	v30 =	vld.idx.msk [tilespmem:v38+s4+$0x0], $0xffff;
	v38 =	vadd.f32 v27, v26;
	(erf) = vpow2.f32 v24;
	v57 =	vpop (erf)  }
0x1db: {  	v29 =	vld.idx.msk [tilespmem:v41+s4+$0x0], $0xffff;
	v37 =	vadd.f32 v57, v36;
	v59 =	vpop (erf);
	(erf) = vpow2.f32 v56  }
0x1dc: {  	v60 =	vmul.f32 v40, v13;
	v28 =	vld.idx.msk [tilespmem:v47+s4+$0x0], $0xffff;
	v48 =	vor.u32 $0x8, v18;
	v39 =	vadd.f32 v59, v38;
	v13 =	vpop (erf)  }
0x1dd: {  	v62 =	vor.u32 $0x9, v18;
	v63 =	vld.idx.msk [tilespmem:v45+s4+$0x0], $0xffff;
	v41 =	vadd.f32 v13, v37;
	v13 =	vpop (erf)  }
0x1de: {  	v55 =	vor.u32 $0xD, v18;
	v53 =	vld.idx.msk [tilespmem:v53+s4+$0x0], $0xffff;
	v0 =	vadd.f32 $1.000000000e+00, v61;
	v40 =	vadd.f32 v13, v39;
	v57 =	vpop (erf)  }
0x1df: {  	v21 =	vmul.f32 v21, v19;
	v52 =	vmul.f32 $1.442695020e+00, v52;
	v27 =	vld.idx.msk [tilespmem:v42+s4+$0x0], $0xffff;
	v42 =	vadd.f32 v57, v41;
	v59 =	vpop (erf)  }
0x1e0: {  	v24 =	vld.idx.msk [tilespmem:v46+s4+$0x0], $0xffff;
	v46 =	vadd.f32 $1.000000000e+00, v60;
	(erf) = vrcp.f32 v0;
	v54 =	vadd.f32 v59, v40;
	v60 =	vpop (erf)  }
0x1e1: {  	v47 =	vor.u32 $0xC, v18;
	v48 =	vld.idx.msk [tilespmem:v48+s4+$0x0], $0xffff;
	v13 =	vadd.f32 $-1.000000000e+00, v61;
	v44 =	vadd.f32 v60, v42;
	v61 =	vpop (erf)  }
0x1e2: {  	v51 =	vmul.f32 $6.931471820e-01, v58;
	v16 =	vmul.f32 v46, v16;
	v46 =	vld.idx.msk [tilespmem:v62+s4+$0x0], $0xffff;
	v56 =	vadd.f32 v61, v54;
	v62 =	vpop (erf)  }
0x1e3: {  	v58 =	vor.u32 $0xA, v18;
	v19 =	vmul.f32 $1.442695020e+00, v63;
	v55 =	vld.idx.msk [tilespmem:v55+s4+$0x0], $0xffff;
	v45 =	vadd.f32 v62, v44;
	v63 =	vpop (erf)  }
0x1e4: {  	v23 =	vld.idx.msk [tilespmem:v23+s4+$0x0], $0xffff;
	v57 =	vor.u32 $0xB, v18;
	v0 =	vmul.f32 $1.442695020e+00, v53;
	v49 =	vadd.f32 v63, v56;
	v60 =	vpop (erf)  }
0x1e5: {  	v59 =	vld.idx.msk [tilespmem:v22+s4+$0x0], $0xffff;
	v22 =	vmul.f32 $1.442695020e+00, v50;
	(erf) = vpow2.f32 v19;
	v50 =	vadd.f32 v60, v45  }
0x1e6: {  	v17 =	vadd.f32 v21, v17;
	v19 =	vmul.f32 $1.442695020e+00, v43;
	(erf) = vrcp.f32 v49  }
0x1e7: {  	v43 =	vld.idx.msk [tilespmem:v47+s4+$0x0], $0xffff;
	v47 =	vmul.f32 $1.442695020e+00, v48;
	v60 =	vor.u32 $0xF, v18;
	(erf) = vrcp.f32 v50  }
0x1e8: {  	v33 =	vld.idx.msk [tilespmem:v33+s4+$0x0], $0xffff;
	v1 =	vmul.f32 $1.442695020e+00, v55;
	v61 =	vadd.f32 v16, v14;
	(erf) = vpow2.f32 v22  }
0x1e9: {  	v12 =	vsel vm3, v17, v12;
	v46 =	vmul.f32 $1.442695020e+00, v46;
	v62 =	vld.idx.msk [tilespmem:v57+s4+$0x0], $0xffff;
	v16 =	vpop (erf);
	(erf) = vpow2.f32 v47  }
0x1ea: {  	v55 =	vor.u32 $0x12, v18;
	v63 =	vld.idx.msk [tilespmem:v58+s4+$0x0], $0xffff;
	v22 =	vmul.f32 $1.442695020e+00, v23;
	v23 =	vnsel vm1, $0x0, v61  }
0x1eb: {  	v20 =	vld.idx.msk [tilespmem:v20+s4+$0x0], $0xffff;
	v14 =	vmovc v51;
	v51 =	vor.u32 $0x17, v18;
	v57 =	vor.u32 $0x18, v18;
	[tilespmem:s21+$0x0] =	vst v23;
	(erf) = vpow2.f32 v46  }
0x1ec: {  	v58 =	vor.u32 $0x16, v18;
	v48 =	vor.u32 $0x11, v18;
	v21 =	vmul.f32 $1.442695020e+00, v59;
	v46 =	vld.idx.msk [tilespmem:v60+s4+$0x0], $0xffff;
	[tilespmem:s22+$0x0] =	vst v12  }
0x1ed: {  	s20 =	sadd.s32 $0x20, s20;
	v59 =	vor.u32 $0x13, v18;
	v43 =	vmul.f32 $1.442695020e+00, v43;
	(erf) = vpow2.f32 v52;
	v23 =	vld.idx.msk [tilespmem:v15+s4+$0x0], $0xffff  }
0x1ee: {  	v47 =	vor.u32 $0x10, v18;
	v49 =	vmul.f32 $1.442695020e+00, v62;
	v15 =	vld [tilespmem:s20+$0xFFFFFFF0];
	(erf) = vpow2.f32 v0;
	v17 =	vpop (erf)  }
0x1ef: {  	v50 =	vmul.f32 $1.442695020e+00, v63;
	v60 =	vor.u32 $0x14, v18;
	(erf) = vpow2.f32 v1;
	v52 =	vpop (erf)  }
0x1f0: {  	v18 =	vor.u32 $0x15, v18;
	(erf) = vpow2.f32 v43;
	v61 =	vmul.f32 v52, v4;
	v62 =	vpop (erf)  }
0x1f1: {  	v0 =	vmul.f32 $1.442695020e+00, v46;
	(erf) = vpow2.f32 v49;
	v52 =	vpop (erf)  }
0x1f2: {  	v1 =	vld.idx.msk [tilespmem:v48+s4+$0x0], $0xffff;
	v43 =	vmul.f32 v61, v56;
	v53 =	vpop (erf);
	(erf) = vpow2.f32 v50  }
0x1f3: {  	v63 =	vld.idx.msk [tilespmem:v47+s4+$0x0], $0xffff;
	v48 =	vmax.f32 v9, v15;
	v47 =	vmul.f32 v61, v25;
	v50 =	vmul.f32 v61, v54  }
0x1f4: {  	v55 =	vld.idx.msk [tilespmem:v55+s4+$0x0], $0xffff;
	v25 =	vmin.f32 v2, v48;
	v46 =	vmul.f32 v61, v26;
	v40 =	vmul.f32 v61, v40;
	v49 =	vpop (erf)  }
0x1f5: {  	v18 =	vld.idx.msk [tilespmem:v18+s4+$0x0], $0xffff;
	v38 =	vmul.f32 v61, v38;
	v54 =	vadd.f32 v49, v53;
	v48 =	vadd.f32 v47, v3  }
0x1f6: {  	v56 =	vld.idx.msk [tilespmem:v59+s4+$0x0], $0xffff;
	v39 =	vmul.f32 v61, v39;
	v43 =	vadd.f32 v43, v10;
	v49 =	vadd.f32 v46, v6  }
0x1f7: {  	v59 =	vld.idx.msk [tilespmem:v60+s4+$0x0], $0xffff;
	v46 =	vadd.f32 v50, v11;
	v50 =	vadd.f32 v38, v5  }
0x1f8: {  	v47 =	vadd.f32 v40, v7;
	v40 =	vld.idx.msk [tilespmem:v51+s4+$0x0], $0xffff;
	v51 =	vadd.f32 v39, v8;
	vm14 =	vge.f32 v25, v48  }
0x1f9: {  	v58 =	vld.idx.msk [tilespmem:v58+s4+$0x0], $0xffff;
	v26 =	vpop (erf);
	vm13 =	vge.f32 v25, v49;
	vm12 =	vge.f32 v25, v50;
	v38 =	vsel vm14, v1, v63  }
0x1fa: {  	v60 =	vpop (erf);
	vm11 =	vge.f32 v25, v51;
	v1 =	vsel vm14, v55, v1;
	v38 =	vsel vm13, v55, v38  }
0x1fb: {  	v39 =	vld.idx.msk [tilespmem:v57+s4+$0x0], $0xffff;
	v61 =	vpop (erf);
	vm10 =	vge.f32 v25, v47;
	v1 =	vsel vm13, v56, v1;
	v38 =	vsel vm12, v56, v38  }
0x1fc: {  	vm9 =	vge.f32 v25, v46;
	v55 =	vpop (erf);
	v1 =	vsel vm12, v59, v1;
	v38 =	vsel vm11, v59, v38  }
0x1fd: {  	vm8 =	vge.f32 v25, v43;
	v56 =	vpop (erf);
	v1 =	vsel vm11, v18, v1;
	v38 =	vsel vm10, v18, v38  }
0x1fe: {  	v57 =	vpop (erf);
	v1 =	vsel vm10, v58, v1;
	(erf) = vpow2.f32 v0;
	v18 =	vsel vm9, v58, v38  }
0x1ff: {  	v1 =	vsel vm9, v40, v1;
	v0 =	vadd.f32 v57, v54;
	v38 =	vsel vm8, v40, v18  }
0x200: {  	v12 =	vld [tilespmem:s20+$0x0];
	v57 =	vmul.f32 v62, v4;
	v39 =	vsel vm8, v39, v1;
	v1 =	vand.u32 $0x7FFFFFFF, v38  }
0x201: {  	v23 =	vmul.f32 $1.442695020e+00, v23;
	v18 =	vand.u32 $0x7FFFFFFF, v39;
	v1 =	vsub.f32 $0.0e+00, v1  }
0x202: {  	v56 =	vadd.f32 v56, v0;
	v35 =	vmul.f32 v57, v35;
	v59 =	vsub.f32 $0.0e+00, v18  }
0x203: {  	v63 =	vimm.s32 $0xFFFFFF81;
	v62 =	vmul.f32 v57, v36;
	v1 =	vmul.f32 $1.442695020e+00, v1  }
0x204: {  	v42 =	vmul.f32 v57, v42;
	v55 =	vadd.f32 v55, v56;
	v58 =	vmul.f32 $1.442695020e+00, v59  }
0x205: {  	v44 =	vmul.f32 v57, v44;
	v18 =	vmax.f32 v9, v12;
	(erf) = vpow2.f32 v1  }
0x206: {  	v36 =	vadd.f32 v35, v3;
	v1 =	vadd.f32 v61, v55;
	(erf) = vpow2.f32 v58  }
0x207: {  	v18 =	vmin.f32 v2, v18;
	v40 =	vadd.f32 v62, v6;
	v62 =	vmul.f32 v57, v41  }
0x208: {  	v59 =	vmul.f32 v57, v37;
	vm5 =	vge.f32 v18, v36;
	v41 =	vadd.f32 v60, v1  }
0x209: {  	v37 =	vadd.f32 v62, v8;
	vm6 =	vge.f32 v18, v40;
	v62 =	vmul.f32 v57, v45;
	v61 =	vpop (erf)  }
0x20a: {  	v35 =	vadd.f32 v59, v5;
	v33 =	vsel vm5, v32, v33;
	v58 =	vadd.f32 v61, v41  }
0x20b: {  	v32 =	vsel vm5, v34, v32;
	v34 =	vsel vm6, v34, v33;
	v33 =	vadd.f32 v42, v7  }
0x20c: {  	v32 =	vsel vm6, v31, v32;
	vm2 =	vge.f32 v18, v37;
	vm1 =	vge.f32 v18, v35  }
0x20d: {  	v34 =	vsel vm1, v31, v34;
	v31 =	vadd.f32 v44, v11;
	v32 =	vsel vm1, v30, v32  }
0x20e: {  	vm3 =	vge.f32 v18, v33;
	v57 =	vsel vm2, v30, v34;
	(erf) = vrcp.f32 v58;
	v58 =	vpop (erf)  }
0x20f: {  	v32 =	vsel vm2, v29, v32;
	v30 =	vadd.f32 v62, v10;
	v44 =	vadd.f32 $1.000000000e+00, v58;
	v59 =	vpop (erf)  }
0x210: {  	v29 =	vsel vm3, v29, v57;
	vm4 =	vge.f32 v18, v31;
	v42 =	vadd.f32 $1.000000000e+00, v59  }
0x211: {  	v32 =	vsel vm3, v27, v32;
	v27 =	vsel vm4, v27, v29;
	v60 =	vand.u32 $0x7FFFFF, v44  }
0x212: {  	v32 =	vsel vm4, v24, v32;
	v34 =	vor.u32 $0x3F800000, v60;
	v61 =	vand.u32 $0x7FFFFF, v42  }
0x213: {  	vm7 =	vge.f32 v18, v30;
	v62 =	vmul.f32 $5.000000000e-01, v34;
	v57 =	vor.u32 $0x3F800000, v61  }
0x214: {  	v29 =	vsel vm7, v24, v27;
	vm0 =	vgt.f32 v34, $1.414213540e+00;
	v27 =	vmul.f32 $5.000000000e-01, v57  }
0x215: {  	v24 =	vsel vm7, v28, v32;
	vm15 =	vgt.f32 v57, $1.414213540e+00;
	v32 =	vsel vm0, v62, v34  }
0x216: {  	v28 =	vadd.f32 v52, v17;
	v62 =	vadd.f32 $1.000000000e+00, v32;
	v27 =	vsel vm15, v27, v57  }
0x217: {  	v60 =	vand.u32 $0x7FFFFFFF, v29;
	v42 =	vshrl.u32 v42, $0x17;
	v61 =	vpop (erf);
	v57 =	vadd.f32 $1.000000000e+00, v27  }
0x218: {  	v58 =	vsub.f32 $0.0e+00, v60;
	v45 =	vmul.f32 v61, v4;
	(erf) = vrcp.f32 v62  }
0x219: {  	v60 =	vand.u32 $0x7FFFFFFF, v24;
	v42 =	vand.u32 $0xFF, v42;
	(erf) = vrcp.f32 v57  }
0x21a: {  	v59 =	vsub.f32 $0.0e+00, v60;
	v41 =	vmul.f32 v45, v41;
	v1 =	vmul.f32 v45, v1  }
0x21b: {  	v32 =	vadd.f32 $-1.000000000e+00, v32;
	v61 =	vmul.f32 v45, v53;
	v54 =	vmul.f32 v45, v54  }
0x21c: {  	v27 =	vadd.f32 $-1.000000000e+00, v27;
	v62 =	vmul.f32 v45, v55;
	v0 =	vmul.f32 v45, v0  }
0x21d: {  	v57 =	vmul.f32 v45, v56;
	v41 =	vadd.f32 v41, v10;
	v60 =	vadd.f32 v54, v6  }
0x21e: {  	v52 =	vadd.f32 v61, v3;
	v53 =	vadd.f32 v62, v7;
	v54 =	vmul.f32 $1.442695020e+00, v58  }
0x21f: {  	v0 =	vadd.f32 v0, v5;
	v62 =	vsel vm14, v48, v9;
	v48 =	vsel vm14, v49, v48  }
0x220: {  	v49 =	vsel vm13, v49, v62;
	v48 =	vsel vm13, v50, v48;
	v61 =	vsel vm14, v52, v9  }
0x221: {  	v52 =	vsel vm14, v60, v52;
	v49 =	vsel vm12, v50, v49;
	v45 =	vsel vm13, v60, v61;
	v60 =	vpop (erf)  }
0x222: {  	v55 =	vadd.f32 v57, v8;
	v48 =	vsel vm12, v51, v48;
	v49 =	vsel vm11, v51, v49;
	v62 =	vpop (erf)  }
0x223: {  	v48 =	vsel vm11, v47, v48;
	v32 =	vmul.f32 v60, v32;
	v27 =	vmul.f32 v62, v27  }
0x224: {  	v61 =	vsel vm13, v0, v52;
	v47 =	vsel vm10, v47, v49;
	v48 =	vsel vm10, v46, v48  }
0x225: {  	v52 =	vsel vm9, v46, v47;
	v46 =	vmul.f32 v32, v32;
	v56 =	vmul.f32 v27, v27  }
0x226: {  	v0 =	vsel vm12, v0, v45;
	v45 =	vsel vm8, v43, v52;
	v43 =	vsel vm9, v43, v48  }
0x227: {  	v43 =	vsel vm8, v2, v43;
	v58 =	vmul.f32 $1.428571490e-01, v46;
	v60 =	vmul.f32 $1.428571490e-01, v56  }
0x228: {  	v1 =	vadd.f32 v1, v11;
	v57 =	vsel vm12, v55, v61;
	v43 =	vsub.f32 v43, v45  }
0x229: {  	v61 =	vshrl.u32 v44, $0x17;
	v49 =	vadd.f32 $2.000000030e-01, v58;
	v50 =	vadd.f32 $2.000000030e-01, v60  }
0x22a: {  	v0 =	vsel vm11, v55, v0;
	v55 =	vsel vm15, $0xFFFFFF82, v63;
	(erf) = vrcp.f32 v43  }
0x22b: {  	v0 =	vsel vm10, v53, v0;
	v62 =	vmul.f32 v49, v46;
	v52 =	vmul.f32 v50, v56  }
0x22c: {  	v48 =	vsel vm11, v53, v57;
	v42 =	vadd.s32 v42, v55;
	v0 =	vsel vm9, v1, v0  }
0x22d: {  	v1 =	vsel vm10, v1, v48;
	v44 =	vadd.f32 $3.333333430e-01, v62;
	v48 =	vadd.f32 $3.333333430e-01, v52  }
0x22e: {  	v53 =	vsel vm0, $0xFFFFFF82, v63;
	v42 =	vcvt.s32.f32 v42;
	v43 =	vand.u32 $0xFF, v61  }
0x22f: {  	v43 =	vadd.s32 v43, v53;
	v44 =	vmul.f32 v44, v46;
	v56 =	vmul.f32 v48, v56  }
0x230: {  	v32 =	vadd.f32 v32, v32;
	v57 =	vadd.f32 v27, v27;
	v43 =	vcvt.s32.f32 v43  }
0x231: {  	v1 =	vsel vm9, v41, v1;
	v58 =	vadd.f32 $1.000000000e+00, v44;
	v46 =	vadd.f32 $1.000000000e+00, v56  }
0x232: {  	v27 =	vsel vm8, v41, v0;
	v0 =	vmul.f32 $6.931471820e-01, v43;
	v60 =	vmul.f32 $6.931471820e-01, v42  }
0x233: {  	v1 =	vsel vm8, v2, v1;
	v61 =	vmul.f32 v58, v32;
	v62 =	vmul.f32 v46, v57  }
0x234: {  	v48 =	vpop (erf);
	(erf) = vpow2.f32 v54;
	v32 =	vsub.f32 v1, v27;
	v1 =	vmul.f32 $1.442695020e+00, v59  }
0x235: {  	(erf) = vpow2.f32 v19;
	v0 =	vadd.f32 v61, v0;
	v41 =	vadd.f32 v62, v60  }
0x236: {  	v25 =	vsub.f32 v25, v45;
	v49 =	vmax.f32 v39, $0.0e+00;
	v19 =	vmax.f32 v38, $0.0e+00  }
0x237: {  	(erf) = vpow2.f32 v1;
	v0 =	vadd.f32 v0, v19;
	v19 =	vadd.f32 v41, v49  }
0x238: {  	v26 =	vadd.f32 v26, v28;
	v1 =	vmul.f32 v48, v25;
	(erf) = vpow2.f32 v22  }
0x239: {  	v22 =	vmul.f32 v48, v32;
	v25 =	vadd.f32 $1.000000050e-03, v0;
	v0 =	vadd.f32 $1.000000050e-03, v19  }
0x23a: {  	v34 =	vsel vm5, v36, v9;
	v36 =	vsel vm5, v40, v36;
	v50 =	vsub.f32 $1.000000000e+00, v1  }
0x23b: {  	v52 =	vadd.f32 v22, v22;
	v19 =	vmul.f32 $1.442695020e+00, v20;
	v51 =	vadd.f32 v0, v25  }
0x23c: {  	v34 =	vsel vm6, v40, v34;
	v53 =	vsel vm6, v35, v36;
	(erf) = vpow2.f32 v21  }
0x23d: {  	v20 =	vmul.f32 v50, v1;
	v21 =	vpop (erf);
	(erf) = vpow2.f32 v19;
	v19 =	vsub.f32 v51, v52  }
0x23e: {  	(erf) = vpow2.f32 v23;
	v23 =	vsel vm1, v35, v34;
	v35 =	vadd.f32 $1.000000000e+00, v21;
	v21 =	vpop (erf)  }
0x23f: {  	v36 =	vadd.f32 v21, v26;
	v21 =	vsel vm1, v37, v53;
	v19 =	vmul.f32 v19, v20  }
0x240: {  	v23 =	vsel vm2, v37, v23;
	v54 =	vpop (erf);
	v34 =	vsel vm2, v33, v21  }
0x241: {  	v21 =	vand.u32 $0x7FFFFF, v35;
	v37 =	vadd.f32 $1.000000000e+00, v54;
	v19 =	vadd.f32 v19, v22  }
0x242: {  	v13 =	vmul.f32 v16, v13;
	v23 =	vsel vm3, v33, v23;
	v21 =	vor.u32 $0x3F800000, v21  }
0x243: {  	v55 =	vpop (erf);
	v56 =	vmul.f32 $5.000000000e-01, v21;
	v58 =	vand.u32 $0x7FFFFF, v37;
	v57 =	vmul.f32 v19, v19  }
0x244: {  	v40 =	vadd.f32 v55, v36;
	vm0 =	vgt.f32 v21, $1.414213540e+00;
	v33 =	vor.u32 $0x3F800000, v58  }
0x245: {  	v59 =	vpop (erf);
	v41 =	vsel vm0, v56, v21;
	v21 =	vmul.f32 v1, v1;
	(erf) = vrcp.f32 v57  }
0x246: {  	v48 =	vmul.f32 v25, v50;
	v43 =	vadd.f32 v59, v40;
	v61 =	vmul.f32 $5.000000000e-01, v33  }
0x247: {  	v39 =	vmul.f32 v20, v52;
	vm14 =	vgt.f32 v33, $1.414213540e+00;
	v1 =	vpop (erf);
	v0 =	vmul.f32 v0, v21  }
0x248: {  	v60 =	vadd.f32 $1.000000000e+00, v41;
	v33 =	vsel vm14, v61, v33;
	v1 =	vadd.f32 v1, v43  }
0x249: {  	v38 =	vmul.f32 v48, v50;
	v49 =	vadd.f32 $1.000000000e+00, v33;
	v0 =	vadd.f32 v0, v39  }
0x24a: {  	v51 =	vmul.f32 v22, v22;
	v54 =	vshrl.u32 v35, $0x17;
	v62 =	vpop (erf);
	(erf) = vrcp.f32 v60  }
0x24b: {  	v50 =	vadd.f32 v62, v1;
	(erf) = vrcp.f32 v49;
	v0 =	vadd.f32 v38, v0  }
0x24c: {  	v34 =	vsel vm3, v31, v34;
	v23 =	vsel vm4, v31, v23;
	v20 =	vmul.f32 v25, v20  }
0x24d: {  	v31 =	vand.u32 $0xFF, v54;
	(erf) = vrcp.f32 v50;
	v0 =	vmul.f32 v0, v51  }
0x24e: {  	v52 =	vsel vm4, v30, v34;
	v23 =	vsel vm7, v30, v23;
	v55 =	vshrl.u32 v37, $0x17;
	v56 =	vpop (erf)  }
0x24f: {  	v53 =	vsel vm7, v2, v52;
	v34 =	vand.u32 $0xFF, v55;
	v0 =	vmul.f32 v56, v0  }
0x250: {  	v30 =	vsub.f32 v53, v23;
	v41 =	vadd.f32 $-1.000000000e+00, v41;
	v58 =	vsel vm14, $0xFFFFFF82, v63  }
0x251: {  	v34 =	vadd.s32 v34, v58;
	v33 =	vadd.f32 $-1.000000000e+00, v33;
	v59 =	vand.u32 $0x7FFFFF, v0  }
0x252: {  	v57 =	vsel vm0, $0xFFFFFF82, v63;
	(erf) = vrcp.f32 v30;
	v30 =	vor.u32 $0x3F800000, v59  }
0x253: {  	v34 =	vcvt.s32.f32 v34;
	v31 =	vadd.s32 v31, v57;
	v60 =	vpop (erf);
	v61 =	vmul.f32 $5.000000000e-01, v30  }
0x254: {  	v31 =	vcvt.s32.f32 v31;
	v35 =	vmul.f32 v60, v41;
	v39 =	vpop (erf);
	vm15 =	vgt.f32 v30, $1.414213540e+00  }
0x255: {  	v34 =	vmul.f32 $6.931471820e-01, v34;
	v33 =	vmul.f32 v39, v33;
	v30 =	vsel vm15, v61, v30  }
0x256: {  	v31 =	vmul.f32 $6.931471820e-01, v31;
	v62 =	vmul.f32 v35, v35;
	v47 =	vpop (erf);
	v48 =	vadd.f32 $1.000000000e+00, v30  }
0x257: {  	v29 =	vmax.f32 v29, $0.0e+00;
	v37 =	vmul.f32 v47, v4;
	v50 =	vmul.f32 v33, v33  }
0x258: {  	v24 =	vmax.f32 v24, $0.0e+00;
	v49 =	vmul.f32 $1.428571490e-01, v62;
	(erf) = vrcp.f32 v48  }
0x259: {  	v35 =	vadd.f32 v35, v35;
	v17 =	vmul.f32 v37, v17;
	v28 =	vmul.f32 v37, v28  }
0x25a: {  	v33 =	vadd.f32 v33, v33;
	v51 =	vmul.f32 $1.428571490e-01, v50;
	v26 =	vmul.f32 v37, v26  }
0x25b: {  	v36 =	vmul.f32 v37, v36;
	v40 =	vmul.f32 v37, v40;
	v41 =	vadd.f32 $2.000000030e-01, v49  }
0x25c: {  	v43 =	vmul.f32 v37, v43;
	v30 =	vadd.f32 $-1.000000000e+00, v30;
	v17 =	vadd.f32 v17, v3  }
0x25d: {  	v1 =	vmul.f32 v37, v1;
	v28 =	vadd.f32 v28, v6;
	v39 =	vadd.f32 $2.000000030e-01, v51  }
0x25e: {  	v26 =	vadd.f32 v26, v5;
	v36 =	vadd.f32 v36, v8;
	v41 =	vmul.f32 v41, v62  }
0x25f: {  	v56 =	vadd.f32 v40, v7;
	v53 =	vsel vm5, v17, v9;
	v39 =	vmul.f32 v39, v50  }
0x260: {  	v52 =	vpop (erf);
	v17 =	vsel vm5, v28, v17;
	v41 =	vadd.f32 $3.333333430e-01, v41;
	v28 =	vsel vm6, v28, v53  }
0x261: {  	v17 =	vsel vm6, v26, v17;
	v54 =	vadd.f32 $3.333333430e-01, v39;
	v26 =	vsel vm1, v26, v28;
	v58 =	vpop (erf)  }
0x262: {  	v17 =	vsel vm1, v36, v17;
	v38 =	vmul.f32 v41, v62;
	v30 =	vmul.f32 v58, v30  }
0x263: {  	v59 =	vadd.f32 v43, v11;
	v26 =	vsel vm2, v36, v26;
	v17 =	vsel vm2, v56, v17  }
0x264: {  	v57 =	vmul.f32 v54, v50;
	v55 =	vadd.f32 $1.000000000e+00, v38;
	v60 =	vmul.f32 v30, v30  }
0x265: {  	v1 =	vadd.f32 v1, v10;
	v26 =	vsel vm3, v56, v26;
	v17 =	vsel vm3, v59, v17  }
0x266: {  	v28 =	vadd.f32 $1.000000000e+00, v57;
	v35 =	vmul.f32 v55, v35;
	v61 =	vmul.f32 $1.428571490e-01, v60  }
0x267: {  	v26 =	vsel vm4, v59, v26;
	v62 =	vsel vm4, v1, v17;
	(erf) = vrcp.f32 v19  }
0x268: {  	v28 =	vmul.f32 v28, v33;
	v31 =	vadd.f32 v35, v31;
	v19 =	vadd.f32 $2.000000030e-01, v61  }
0x269: {  	vm0 =	vge.f32 v15, v9;
	v17 =	vsel vm7, v1, v26;
	v1 =	vsel vm7, v2, v62  }
0x26a: {  	v28 =	vadd.f32 v28, v34;
	v26 =	vadd.f32 v31, v29;
	v16 =	vmul.f32 v19, v60  }
0x26b: {  	v19 =	vsub.f32 v1, v17;
	v1 =	vsub.f32 v18, v23;
	v18 =	vmul.f32 v21, v22  }
0x26c: {  	v0 =	vshrl.u32 v0, $0x17;
	v24 =	vadd.f32 v28, v24;
	v16 =	vadd.f32 $3.333333430e-01, v16  }
0x26d: {  	v0 =	vand.u32 $0xFF, v0;
	v21 =	vadd.f32 $1.000000050e-03, v26;
	v18 =	vadd.f32 v20, v18  }
0x26e: {  	v23 =	vadd.f32 $1.000000050e-03, v24;
	v20 =	vsel vm15, $0xFFFFFF82, v63;
	v16 =	vmul.f32 v16, v60  }
0x26f: {  	v24 =	vadd.f32 v30, v30;
	v0 =	vadd.s32 v0, v20;
	v18 =	vmul.f32 v18, v32  }
0x270: {  	v25 =	vpop (erf);
	v22 =	vmul.f32 v52, v19;
	v0 =	vcvt.s32.f32 v0;
	v16 =	vadd.f32 $1.000000000e+00, v16  }
0x271: {  	v1 =	vmul.f32 v52, v1;
	v20 =	vadd.f32 v23, v21;
	v18 =	vmul.f32 v25, v18  }
0x272: {  	v26 =	vadd.f32 v22, v22;
	v0 =	vmul.f32 $6.931471820e-01, v0;
	v24 =	vmul.f32 v16, v24  }
0x273: {  	vm1 =	vle.f32 v15, v2;
	v25 =	vsub.f32 $1.000000000e+00, v1;
	v18 =	vadd.f32 v18, v27  }
0x274: {  	vm0 =	vmand vm0, vm1;
	v0 =	vadd.f32 v24, v0  }
0x275: {  	s22 =	sadd.s32 $0x20, s22;
	v20 =	vsub.f32 v20, v26;
	v15 =	vsel vm0, v18, v15;
	v18 =	vmul.f32 v25, v1  }
0x276: {  	s21 =	smov.u32 s23;
	s23 =	sadd.s32 $0x20, s23;
	v1 =	vmul.f32 v1, v1;
	[tilespmem:s22+$0xFFFFFFF0] =	vst v15;
	v0 =	vnsel vm0, $0x0, v0  }
0x277: {  	[tilespmem:s23+$0xFFFFFFF0] =	vst v0;
	v0 =	vmul.f32 v20, v18  }
0x278: {  	v20 =	vmul.f32 v23, v1;
	v23 =	vmul.f32 v18, v26  }
0x279: {  	v15 =	vmul.f32 v22, v22  }
0x27a: {  	s24 =	sadd.s32 $0x2, s24;
	v1 =	vmul.f32 v1, v22;
	v0 =	vadd.f32 v0, v22;
	v22 =	vadd.f32 v20, v23;
	v23 =	vld [tilespmem:$0x1FF30]  }
0x27b: {  	p0 =	slt.u32 s24, $0x30  }
.Ltmp1:
0x27c: {  	v16 =	vadd.f32 v13, v13;
	v13 =	vmul.f32 v13, v13;
	v24 =	vmul.f32 v21, v25;
	(pc) =	sbr.rel @p0 .LBB2_5-.Ltmp1, $4  }
0x27d: {  	vm1 =	vle.f32 v12, v2;
	vm0 =	vge.f32 v12, v9;
	v21 =	vmul.f32 v21, v18  }
0x27e: {  	v25 =	vmul.f32 v24, v25;
	vm2 =	vmand vm0, vm1;
	v18 =	vmul.f32 $1.428571490e-01, v13  }
0x27f: {  	v24 =	vadd.f32 v21, v1;
	v20 =	vmul.f32 v0, v0;
	vm0 =	vnez.u8 v23  }
0x280: {  	s25 =	sadd.s32 $0x20, s25;
	v21 =	vadd.f32 v25, v22;
	(erf) = vrcp.f32 v0;
	vm1 =	vmmov vm0  }
0x281: {  	(erf) = vrcp.f32 v20;
	_ =	sdelay $0x7  }
0x282: {  	v0 =	vmul.f32 v21, v15;
	v1 =	vpop (erf)  }
0x283: {  	v55 =	vpop (erf)  }
0x284: {  	v0 =	vmul.f32 v55, v0;
	_ =	sdelay $0x1  }
0x285: {  	v15 =	vand.u32 $0x7FFFFF, v0  }
0x286: {  	v15 =	vor.u32 $0x3F800000, v15  }
0x287: {  	v56 =	vmul.f32 $5.000000000e-01, v15  }
0x288: {  	vm0 =	vgt.f32 v15, $1.414213540e+00  }
0x289: {  	v15 =	vsel vm0, v56, v15  }
0x28a: {  	v20 =	vadd.f32 $1.000000000e+00, v15;
	_ =	sdelay $0x1  }
0x28b: {  	(erf) = vrcp.f32 v20;
	_ =	sdelay $0x7  }
0x28c: {  	v15 =	vadd.f32 $-1.000000000e+00, v15  }
0x28d: {  	v20 =	vpop (erf)  }
0x28e: {  	v15 =	vmul.f32 v20, v15;
	_ =	sdelay $0x1  }
0x28f: {  	v20 =	vmul.f32 v15, v15;
	_ =	sdelay $0x1  }
0x290: {  	v57 =	vmul.f32 $1.428571490e-01, v20  }
0x291: {  	v18 =	vadd.f32 $2.000000030e-01, v18  }
0x292: {  	v21 =	vadd.f32 $2.000000030e-01, v57  }
0x293: {  	v18 =	vmul.f32 v18, v13  }
0x294: {  	v21 =	vmul.f32 v21, v20  }
0x295: {  	v18 =	vadd.f32 $3.333333430e-01, v18  }
0x296: {  	v59 =	vadd.f32 $3.333333430e-01, v21  }
0x297: {  	v19 =	vmul.f32 v24, v19;
	v58 =	vmul.f32 v18, v13;
	v0 =	vshrl.u32 v0, $0x17  }
0x298: {  	v0 =	vand.u32 $0xFF, v0;
	v60 =	vsel vm0, $0xFFFFFF82, v63;
	v18 =	vmul.f32 v59, v20  }
0x299: {  	v13 =	vadd.f32 $1.000000000e+00, v58;
	v1 =	vmul.f32 v1, v19;
	v0 =	vadd.s32 v0, v60  }
0x29a: {  	v0 =	vcvt.s32.f32 v0;
	v15 =	vadd.f32 v15, v15;
	v61 =	vadd.f32 $1.000000000e+00, v18  }
0x29b: {  	v13 =	vmul.f32 v13, v16  }
0x29c: {  	v1 =	vadd.f32 v1, v17;
	v0 =	vmul.f32 $6.931471820e-01, v0;
	v62 =	vmul.f32 v61, v15  }
0x29d: {  	vm15 =	vmmov vm2;
	v13 =	vadd.f32 v13, v14  }
0x29e: {  	v1 =	vsel vm15, v1, v12;
	v0 =	vadd.f32 v62, v0  }
0x29f: {  	v13 =	vnsel vm1, $0x0, v13;
	[tilespmem:s22+$0x0] =	vst v1;
	vm0 =	vmmov vm15  }
0x2a0: {  	[tilespmem:s21+$0x0] =	vst v13;
	v0 =	vnsel vm0, $0x0, v0  }
0x2a1: {  	s20 =	sadd.s32 s8, s19;
	[tilespmem:s23+$0x0] =	vst v0  }
0x2a2: {  	[hbm4b:s20+s4] =	stream.linear.scatter [tilespmem:s15], [sflag:$0x1], $0x320, $0x38;
	[tilespmem:$0x1B380] =	vst v63  }
0x2a3: {  	s18 =	sadd.s32 $0x1, s18;
	_ =	swait.ge [sflag:s13], $0x320  }
0x2a4: {  	p0 =	sne.s32 s18, s9;
	[sflag:s13] =	ssyncset.done $0x0  }
.Ltmp2:
0x2a5: {  	s31 =	sadd.s32 s3, s19;
	[sflag:s13] =	ssyncadd.s32 $0xFFFFFCE0;
	(pc) =	sbr.rel @p0 .LBB2_4-.Ltmp2, $4  }
0x2a6: {  	[hbm4b:s31+s4] =	stream.linear.scatter [tilespmem:s16], [sflag:$0x1], $0x320, $0x38;
	[tilespmem:$0x1B380] =	vst v63  }
0x2a7: {  	_ =	swait.ge [sflag:s13], $0x320  }
0x2a8: {  	v1 =	vmov v4;
	v4 =	vmov v3;
	[sflag:s13] =	ssyncset.done $0x0  }
0x2a9: {  	v3 =	vmovc v6;
	v6 =	vmovc v5;
	v5 =	vmov v8;
	v8 =	vmov v7;
	v7 =	vmov v11;
	v0 =	vld [tilespmem:$0x1FFF0];
	[sflag:s13] =	ssyncadd.s32 $0xFFFFFCE0  }
0x2aa: {  	s17 =	sadd.s32 $0x1, s17  }
0x2ab: {  	p0 =	sne.s32 s17, s11  }
.Ltmp3:
0x2ac: {  	_ = 	snop;
	(pc) =	sbr.rel @p0 .LBB2_1-.Ltmp3, $1  }
0x2ad: {  	_ =	sdelay $0x3  }
0x2ae: {  	_ =	sfence.sel $0x180000  }
0x2af: {  	[bflag:$0x0] =	sbarrier.arrive $0xFFFF  }
0x2b0: {  	p0 =	sne.s32 s6, $0x0;
	_ =	strace $0x90000047  }
0x2b1: {  	s0 =	sadd.s32 @!p0 $0x100000, s0;
	[bflag:$0x2] =	sbarrier.arrive $0xFFFF  }
0x2b2: {  	[sflag:s0] =	ssyncadd.tile.s32 @!p0 $0x1;
	_ =	shalt  }
.Lfunc_end2:
_tile_overlayer_lowered:
.L_overlay_start_2:
0x2b3: {  	(tag) =	ssettag $0x2  }
0x2b4: {  	s0 =	rddreg [dreg:$0x0];
	s2 =	stileid.u32  }
0x2b5: {  	s1 =	rddreg [dreg:$0x1];
	p0 =	sne.s32 s2, $0x0  }
0x2b6: {  	s3 =	rddreg [dreg:$0x2];
	[bflag:$0x3] =	sbarrier.arrive $0xFFFF;
	s2 =	simm.s32 @!p0 $0x1C01  }
0x2b7: {  	[timem:s3], [sflag:s2] =	dma.local @!p0 [hbm:s0], s1  }
0x2b8: {  	s0 =	simm.s32 @!p0 $0x1  }
0x2b9: {  	_ =	swait.ge @!p0 [sflag:s0], s1  }
0x2ba: {  	s1 =	ssub.s32 @!p0 $0x0, s1;
	[sflag:s0] =	ssyncset.done @!p0 $0x0  }
0x2bb: {  	[sflag:s0] =	ssyncadd.s32 @!p0 s1  }
0x2bc: {  	[bflag:$0x3] =	sbarrier.arrive $0xFFFF  }
0x2bd: {  	_ =	shalt  }

</sc_bundles>
